<compile_context>
chip_gen: v7x
topology: tpu7x:2x2x1
jax: 0.10.2.dev20260603
libtpu: 0.0.44.dev20260713+nightly
codegen_flags: <defaults>
</compile_context>

<pallas_src>
import functools

import jax
import jax.numpy as jnp
from jax import lax
from jax.experimental import pallas as pl
from jax.experimental.pallas import tpu as pltpu
from jax.experimental.pallas import tpu_sc as plsc

NC = 2
NS = 16
LANES = 16
CHUNK = 128
ROWW = 64
MSGW = ROWW + LANES


def _make_edge_kernel(NH_local, chunks_pw, n_acc, split_heads, natt):
    KPH = ROWW // LANES // NH_local
    rows_pt = n_acc // NS
    assert rows_pt % CHUNK == 0

    mesh = plsc.VectorSubcoreMesh(core_axis_name="c", subcore_axis_name="s")

    @functools.partial(
        pl.kernel,
        out_type=jax.ShapeDtypeStruct((NC, n_acc, MSGW), jnp.float32),
        mesh=mesh,
        compiler_params=pltpu.CompilerParams(needs_layout_passes=False,
                                             use_tc_tiling_on_sc=False),
        scratch_types=[
            pltpu.VMEM((CHUNK, ROWW), jnp.float32),
            pltpu.VMEM((CHUNK, ROWW), jnp.float32),
            pltpu.VMEM((CHUNK, MSGW), jnp.float32),
            pltpu.VMEM((natt, LANES), jnp.float32),
            pltpu.VMEM((chunks_pw, CHUNK), jnp.int32),
            pltpu.VMEM((chunks_pw, CHUNK), jnp.int32),
            pltpu.VMEM_SHARED((n_acc, MSGW), jnp.float32),
            pltpu.SemaphoreType.DMA,
            pltpu.SemaphoreType.DMA,
        ],
    )
    def edge_kernel(xl_hbm, xr_hbm, att_hbm, srcg, dstg, acc_out,
                    xl_buf, xr_buf, msg_buf, att_buf,
                    src_idx, dst_idx, acc_sh, sg0, sg1):
        c = lax.axis_index("c")
        sub = lax.axis_index("s")
        if split_heads:
            wid = sub
            xl_t = xl_hbm.at[c]
            xr_t = xr_hbm.at[c]
        else:
            wid = c * NS + sub
            xl_t = xl_hbm
            xr_t = xr_hbm

        pltpu.sync_copy(srcg.at[wid], src_idx)
        pltpu.sync_copy(dstg.at[wid], dst_idx)
        pltpu.sync_copy(att_hbm, att_buf)

        def zero_body(i, _):
            for k in range(MSGW // LANES):
                msg_buf[i, pl.ds(LANES * k, LANES)] = jnp.zeros((LANES,),
                                                                jnp.float32)
            return 0

        lax.fori_loop(0, CHUNK, zero_body, 0)
        base = sub * rows_pt
        for k in range(rows_pt // CHUNK):
            pltpu.sync_copy(msg_buf, acc_sh.at[pl.ds(base + k * CHUNK, CHUNK)])
        plsc.subcore_barrier()

        lane = lax.iota(jnp.int32, LANES)
        hoff = c * NH_local if split_heads else 0
        arows = [att_buf[hoff + h * KPH + k, :]
                 for h in range(NH_local) for k in range(KPH)]

        def edge_body(e):
                srow = jnp.zeros((LANES,), jnp.float32)
                for h in range(NH_local):
                    ts = None
                    ls = []
                    for k in range(KPH):
                        col = LANES * (h * KPH + k)
                        l = xl_buf[e, pl.ds(col, LANES)]
                        r = xr_buf[e, pl.ds(col, LANES)]
                        ls.append(l)
                        z = l + r
                        lk = jnp.maximum(z, 0.2 * z)
                        t = lk * arows[h * KPH + k]
                        ts = t if ts is None else ts + t
                    logit = jnp.sum(ts)
                    pv = jnp.exp(jnp.full((LANES,), logit, jnp.float32))
                    for k in range(KPH):
                        col = LANES * (h * KPH + k)
                        msg_buf[e, pl.ds(col, LANES)] = ls[k] * pv
                    if NH_local == 1:
                        srow = pv
                    else:
                        srow = jnp.where(lane == h, pv, srow)
                msg_buf[e, pl.ds(ROWW, LANES)] = srow

        def chunk_body(j, _):
            cl = pltpu.async_copy(xl_t.at[src_idx.at[j]], xl_buf, sg0)
            cr = pltpu.async_copy(xr_t.at[dst_idx.at[j]], xr_buf, sg1)
            cl.wait()
            cr.wait()
            plsc.parallel_loop(0, CHUNK, 1, unroll=4)(edge_body)
            pltpu.sync_copy(msg_buf, acc_sh.at[dst_idx.at[j]], add=True)
            return 0

        lax.fori_loop(0, chunks_pw, chunk_body, 0)
        plsc.subcore_barrier()

        for k in range(rows_pt // CHUNK):
            off = base + k * CHUNK
            pltpu.sync_copy(acc_sh.at[pl.ds(off, CHUNK)],
                            acc_out.at[c, pl.ds(off, CHUNK)])

    return edge_kernel


def _mm2_body(x_ref, wl_ref, wr_ref, xl_ref, xr_ref):
    xb = x_ref[...]
    xl_ref[0] = jnp.dot(xb, wl_ref[0], preferred_element_type=jnp.float32)
    xr_ref[0] = jnp.dot(xb, wr_ref[0], preferred_element_type=jnp.float32)


def _combine_body(t0_ref, t1_ref, emat_ref, b_ref, wl_ref, wr_ref,
                  xl_ref, xr_ref):
    t0 = t0_ref[...]
    t1 = t1_ref[...]
    r0 = 1.0 / (t0[:, ROWW:] + 1e-16)
    r1 = 1.0 / (t1[:, ROWW:] + 1e-16)
    em = emat_ref[...]
    v0 = t0[:, :ROWW] * jnp.dot(r0, em, preferred_element_type=jnp.float32)
    v1 = t1[:, :ROWW] * jnp.dot(r1, em, preferred_element_type=jnp.float32)
    v = jnp.concatenate([v0, v1], axis=1) + b_ref[...]
    h = jnp.where(v > 0, v, jnp.exp(v) - 1.0)
    xl_ref[...] = jnp.dot(h, wl_ref[...], preferred_element_type=jnp.float32)
    xr_ref[...] = jnp.dot(h, wr_ref[...], preferred_element_type=jnp.float32)


def _final_body(t0_ref, t1_ref, b_ref, out_ref):
    t0 = t0_ref[...]
    t1 = t1_ref[...]
    acc = t0[:, :ROWW] + t1[:, :ROWW]
    s = t0[:, ROWW:] + t1[:, ROWW:]
    recip = 1.0 / (s + 1e-16)
    v = acc * recip[:, 0:1] + b_ref[...]
    m = jnp.max(v, axis=1, keepdims=True)
    ex = jnp.exp(v - m)
    lse = jnp.log(jnp.sum(ex, axis=1, keepdims=True))
    out_ref[...] = v - m - lse


def _row_spec(bn, w):
    return pl.BlockSpec((bn, w), lambda i: (i, 0))


def _full_spec(a, b):
    return pl.BlockSpec((a, b), lambda i: (0, 0))


@jax.jit
def kernel(x, edge_inx, Wl1, Wr1, att1, b1, Wl2, Wr2, att2, b2):
    n, din = x.shape
    e = edge_inx.shape[1]
    nh1, dh1 = att1.shape
    hc1 = nh1 * dh1
    dout = att2.shape[1]
    nh_pc = nh1 // NC

    e_tot = e + n
    cpw2 = -(-e_tot // (CHUNK * NC * NS))
    e_pad = cpw2 * CHUNK * NC * NS
    cpw1 = cpw2 * NC
    loop_idx = jnp.arange(n, dtype=edge_inx.dtype)
    pad = e_pad - e_tot
    src = jnp.concatenate([edge_inx[0], loop_idx,
                           jnp.zeros((pad,), edge_inx.dtype)])
    dst = jnp.concatenate([edge_inx[1], loop_idx,
                           jnp.full((pad,), n, edge_inx.dtype)])
    srcg1 = src.reshape(NS, cpw1, CHUNK)
    dstg1 = dst.reshape(NS, cpw1, CHUNK)
    srcg2 = src.reshape(NC * NS, cpw2, CHUNK)
    dstg2 = dst.reshape(NC * NS, cpw2, CHUNK)

    n_acc = -(-(n + 1) // (NS * CHUNK)) * (NS * CHUNK)

    bn = 1000
    grid = (n // bn,)

    wl1s = Wl1.reshape(din, NC, ROWW).transpose(1, 0, 2)
    wr1s = Wr1.reshape(din, NC, ROWW).transpose(1, 0, 2)
    xl1, xr1 = pl.pallas_call(
        _mm2_body,
        grid=(n // bn, NC),
        in_specs=[pl.BlockSpec((bn, din), lambda i, j: (i, 0)),
                  pl.BlockSpec((1, din, ROWW), lambda i, j: (j, 0, 0)),
                  pl.BlockSpec((1, din, ROWW), lambda i, j: (j, 0, 0))],
        out_specs=[pl.BlockSpec((1, bn, ROWW), lambda i, j: (j, i, 0)),
                   pl.BlockSpec((1, bn, ROWW), lambda i, j: (j, i, 0))],
        out_shape=(jax.ShapeDtypeStruct((NC, n, ROWW), jnp.float32),
                   jax.ShapeDtypeStruct((NC, n, ROWW), jnp.float32)),
    )(x, wl1s, wr1s)

    ek1 = _make_edge_kernel(nh_pc, cpw1, n_acc, True, nh1)
    t1 = ek1(xl1, xr1, att1, srcg1, dstg1)

    emat = jnp.concatenate(
        [jnp.kron(jnp.eye(nh_pc, dtype=jnp.float32),
                  jnp.ones((1, dh1), jnp.float32)),
         jnp.zeros((LANES - nh_pc, ROWW), jnp.float32)], axis=0)
    xl2, xr2 = pl.pallas_call(
        _combine_body,
        grid=grid,
        in_specs=[_row_spec(bn, MSGW), _row_spec(bn, MSGW),
                  _full_spec(LANES, ROWW), _full_spec(1, hc1),
                  _full_spec(hc1, dout), _full_spec(hc1, dout)],
        out_specs=[_row_spec(bn, dout), _row_spec(bn, dout)],
        out_shape=(jax.ShapeDtypeStruct((n, dout), jnp.float32),
                   jax.ShapeDtypeStruct((n, dout), jnp.float32)),
    )(t1[0, :n], t1[1, :n], emat,
      b1.reshape(1, hc1).astype(jnp.float32), Wl2, Wr2)

    ek2 = _make_edge_kernel(1, cpw2, n_acc, False, dout // LANES)
    t2 = ek2(xl2, xr2, att2.reshape(dout // LANES, LANES), srcg2, dstg2)

    out = pl.pallas_call(
        _final_body,
        grid=grid,
        in_specs=[_row_spec(bn, MSGW), _row_spec(bn, MSGW),
                  _full_spec(1, dout)],
        out_specs=_row_spec(bn, dout),
        out_shape=jax.ShapeDtypeStruct((n, dout), jnp.float32),
    )(t2[0, :n], t2[1, :n], b2.reshape(1, dout).astype(jnp.float32))
    return out

# --- scband reference (transcript-rebuilt; emitter-appended) ---
"""Pipeline reference for scband-gat-51599737094368 (READ-ONLY COPY).

The authoritative reference and input builder live on the scoring server;
editing this copy changes nothing except your own understanding.
"""

import jax, jax.numpy as jnp
import numpy as np

N = 10000
E = 320000
DIN = 128
DH = 16
H = 8
DOUT = 64


def setup_inputs(seed: int = 0) -> dict:
    key = jax.random.key(seed)
    ks = jax.random.split(key, 12)
    x = jax.random.normal(ks[0], (N, DIN), dtype=jnp.float32)
    edge_inx = jax.random.randint(ks[1], (2, E), 0, N, dtype=jnp.int32)
    s = 0.1
    Wl1 = jax.random.normal(ks[2], (DIN, H * DH), dtype=jnp.float32) * s
    Wr1 = jax.random.normal(ks[3], (DIN, H * DH), dtype=jnp.float32) * s
    att1 = jax.random.normal(ks[4], (H, DH), dtype=jnp.float32) * s
    b1 = jnp.zeros((H * DH,), dtype=jnp.float32)
    Wl2 = jax.random.normal(ks[5], (H * DH, DOUT), dtype=jnp.float32) * s
    Wr2 = jax.random.normal(ks[6], (H * DH, DOUT), dtype=jnp.float32) * s
    att2 = jax.random.normal(ks[7], (1, DOUT), dtype=jnp.float32) * s
    b2 = jnp.zeros((DOUT,), dtype=jnp.float32)
    return {"x": x, "edge_inx": edge_inx, "Wl1": Wl1, "Wr1": Wr1, "att1": att1, "b1": b1,
            "Wl2": Wl2, "Wr2": Wr2, "att2": att2, "b2": b2}


def _gatv2_layer(x, src, dst, Wl, Wr, att, b, heads, ch):
    n = x.shape[0]
    xl = (x @ Wl).reshape(n, heads, ch)
    xr = (x @ Wr).reshape(n, heads, ch)
    e = jax.nn.leaky_relu(xl[src] + xr[dst], negative_slope=0.2)  # [E, H, C]
    logits = (e * att[None, :, :]).sum(-1)  # [E, H]
    m = jax.ops.segment_max(logits, dst, num_segments=n)
    m = jax.lax.stop_gradient(m)
    p = jnp.exp(logits - m[dst])
    s = jax.ops.segment_sum(p, dst, num_segments=n)
    alpha = p / (s[dst] + 1e-16)  # [E, H]
    out = jax.ops.segment_sum(xl[src] * alpha[:, :, None], dst, num_segments=n)
    return out.reshape(n, heads * ch) + b


def reference(x, edge_inx, Wl1, Wr1, att1, b1, Wl2, Wr2, att2, b2):
    n = x.shape[0]
    loop = jnp.arange(n, dtype=edge_inx.dtype)
    src = jnp.concatenate([edge_inx[0], loop])  # add_self_loops=True (PyG default)
    dst = jnp.concatenate([edge_inx[1], loop])
    h = _gatv2_layer(x, src, dst, Wl1, Wr1, att1, b1, H, DH)
    h = jax.nn.elu(h)
    h = _gatv2_layer(h, src, dst, Wl2, Wr2, att2, b2, 1, DOUT)
    return jax.nn.log_softmax(h, axis=1)

if __name__ == "__main__":
    import jax
    _d = setup_inputs()
    print(jax.jit(kernel)(*tuple(_d.values())))

</pallas_src>

<mosaic_0001>
#map = affine_map<(d0, d1) -> (0, 0, 0)>
#map1 = affine_map<(d0, d1) -> (0, 0)>
module attributes {stable_mosaic.version = 14 : i64} {
  func.func @edge_kernel(%arg0: i32, %arg1: i32, %arg2: memref<2x10000x64xf32, #tpu.memory_space<hbm>>, %arg3: memref<2x10000x64xf32, #tpu.memory_space<hbm>>, %arg4: memref<8x16xf32, #tpu.memory_space<hbm>>, %arg5: memref<16x162x128xi32, #tpu.memory_space<hbm>>, %arg6: memref<16x162x128xi32, #tpu.memory_space<hbm>>, %arg7: memref<2x10240x80xf32, #tpu.memory_space<hbm>>, %arg8: memref<128x64xf32, #tpu.memory_space<vmem>>, %arg9: memref<128x64xf32, #tpu.memory_space<vmem>>, %arg10: memref<128x80xf32, #tpu.memory_space<vmem>>, %arg11: memref<8x16xf32, #tpu.memory_space<vmem>>, %arg12: memref<162x128xi32, #tpu.memory_space<vmem>>, %arg13: memref<162x128xi32, #tpu.memory_space<vmem>>, %arg14: memref<10240x80xf32, #tpu.memory_space<vmem_shared>>, %arg15: memref<!tpu.dma_semaphore, #tpu.memory_space<semaphore_mem>>, %arg16: memref<!tpu.dma_semaphore, #tpu.memory_space<semaphore_mem>>) attributes {dimension_semantics = [#tpu.dimension_semantics<core_parallel>, #tpu.dimension_semantics<subcore_parallel>], iteration_bounds = array<i64: 2, 16>, scalar_prefetch = 0 : i64, scratch_operands = 9 : i64, tpu.core_type = #tpu.core_type<sc_vector_subcore>, window_params = [{transform_indices = #map}, {transform_indices = #map}, {transform_indices = #map1}, {transform_indices = #map}, {transform_indices = #map}, {transform_indices = #map}]} {
    "tpu.region"() ({
      %run_scoped3A = tpu.sem_alloc : memref<!tpu.dma_semaphore, #tpu.memory_space<semaphore_mem>>
      %dma_start3A = arith.constant 0 : i32
      %dma_start3A_63 = arith.constant 0 : i32
      %dma_start3A_64 = tpu.memref_slice %arg5[%arg1, %dma_start3A, %dma_start3A_63] : memref<16x162x128xi32, #tpu.memory_space<hbm>> -> memref<1x162x128xi32, #tpu.memory_space<hbm>>
      %dma_start3A_65 = tpu.memref_squeeze %dma_start3A_64 : memref<1x162x128xi32, #tpu.memory_space<hbm>> -> memref<162x128xi32, #tpu.memory_space<hbm>>
      %dma_start3A_66 = arith.constant 0 : i32
      %dma_start3A_67 = arith.constant 0 : i32
      %dma_start3A_68 = tpu.memref_slice %arg5[%arg1, %dma_start3A_66, %dma_start3A_67] : memref<16x162x128xi32, #tpu.memory_space<hbm>> -> memref<1x162x128xi32, #tpu.memory_space<hbm>>
      %dma_start3A_69 = tpu.memref_squeeze %dma_start3A_68 : memref<1x162x128xi32, #tpu.memory_space<hbm>> -> memref<162x128xi32, #tpu.memory_space<hbm>>
      tpu.enqueue_dma source(%dma_start3A_69 : memref<162x128xi32, #tpu.memory_space<hbm>>) target(%arg12 : memref<162x128xi32, #tpu.memory_space<vmem>>) target_semaphore(%run_scoped3A : memref<!tpu.dma_semaphore, #tpu.memory_space<semaphore_mem>>)
      %dma_wait3A = arith.constant 0 : i32
      %dma_wait3A_70 = arith.constant 0 : i32
      %dma_wait3A_71 = tpu.memref_slice %arg5[%arg1, %dma_wait3A, %dma_wait3A_70] : memref<16x162x128xi32, #tpu.memory_space<hbm>> -> memref<1x162x128xi32, #tpu.memory_space<hbm>>
      %dma_wait3A_72 = tpu.memref_squeeze %dma_wait3A_71 : memref<1x162x128xi32, #tpu.memory_space<hbm>> -> memref<162x128xi32, #tpu.memory_space<hbm>>
      %dma_wait3A_73 = arith.constant 0 : i32
      %dma_wait3A_74 = arith.constant 0 : i32
      %dma_wait3A_75 = tpu.memref_slice %arg5[%arg1, %dma_wait3A_73, %dma_wait3A_74] : memref<16x162x128xi32, #tpu.memory_space<hbm>> -> memref<1x162x128xi32, #tpu.memory_space<hbm>>
      %dma_wait3A_76 = tpu.memref_squeeze %dma_wait3A_75 : memref<1x162x128xi32, #tpu.memory_space<hbm>> -> memref<162x128xi32, #tpu.memory_space<hbm>>
      tpu.wait_dma2 semaphore(%run_scoped3A : memref<!tpu.dma_semaphore, #tpu.memory_space<semaphore_mem>>) src(%dma_wait3A_76 : memref<162x128xi32, #tpu.memory_space<hbm>>) dst(%arg12 : memref<162x128xi32, #tpu.memory_space<vmem>>)
      tpu.yield
    }) : () -> ()
    "tpu.region"() ({
      %run_scoped3A = tpu.sem_alloc : memref<!tpu.dma_semaphore, #tpu.memory_space<semaphore_mem>>
      %dma_start3A = arith.constant 0 : i32
      %dma_start3A_63 = arith.constant 0 : i32
      %dma_start3A_64 = tpu.memref_slice %arg6[%arg1, %dma_start3A, %dma_start3A_63] : memref<16x162x128xi32, #tpu.memory_space<hbm>> -> memref<1x162x128xi32, #tpu.memory_space<hbm>>
      %dma_start3A_65 = tpu.memref_squeeze %dma_start3A_64 : memref<1x162x128xi32, #tpu.memory_space<hbm>> -> memref<162x128xi32, #tpu.memory_space<hbm>>
      %dma_start3A_66 = arith.constant 0 : i32
      %dma_start3A_67 = arith.constant 0 : i32
      %dma_start3A_68 = tpu.memref_slice %arg6[%arg1, %dma_start3A_66, %dma_start3A_67] : memref<16x162x128xi32, #tpu.memory_space<hbm>> -> memref<1x162x128xi32, #tpu.memory_space<hbm>>
      %dma_start3A_69 = tpu.memref_squeeze %dma_start3A_68 : memref<1x162x128xi32, #tpu.memory_space<hbm>> -> memref<162x128xi32, #tpu.memory_space<hbm>>
      tpu.enqueue_dma source(%dma_start3A_69 : memref<162x128xi32, #tpu.memory_space<hbm>>) target(%arg13 : memref<162x128xi32, #tpu.memory_space<vmem>>) target_semaphore(%run_scoped3A : memref<!tpu.dma_semaphore, #tpu.memory_space<semaphore_mem>>)
      %dma_wait3A = arith.constant 0 : i32
      %dma_wait3A_70 = arith.constant 0 : i32
      %dma_wait3A_71 = tpu.memref_slice %arg6[%arg1, %dma_wait3A, %dma_wait3A_70] : memref<16x162x128xi32, #tpu.memory_space<hbm>> -> memref<1x162x128xi32, #tpu.memory_space<hbm>>
      %dma_wait3A_72 = tpu.memref_squeeze %dma_wait3A_71 : memref<1x162x128xi32, #tpu.memory_space<hbm>> -> memref<162x128xi32, #tpu.memory_space<hbm>>
      %dma_wait3A_73 = arith.constant 0 : i32
      %dma_wait3A_74 = arith.constant 0 : i32
      %dma_wait3A_75 = tpu.memref_slice %arg6[%arg1, %dma_wait3A_73, %dma_wait3A_74] : memref<16x162x128xi32, #tpu.memory_space<hbm>> -> memref<1x162x128xi32, #tpu.memory_space<hbm>>
      %dma_wait3A_76 = tpu.memref_squeeze %dma_wait3A_75 : memref<1x162x128xi32, #tpu.memory_space<hbm>> -> memref<162x128xi32, #tpu.memory_space<hbm>>
      tpu.wait_dma2 semaphore(%run_scoped3A : memref<!tpu.dma_semaphore, #tpu.memory_space<semaphore_mem>>) src(%dma_wait3A_76 : memref<162x128xi32, #tpu.memory_space<hbm>>) dst(%arg13 : memref<162x128xi32, #tpu.memory_space<vmem>>)
      tpu.yield
    }) : () -> ()
    "tpu.region"() ({
      %run_scoped3A = tpu.sem_alloc : memref<!tpu.dma_semaphore, #tpu.memory_space<semaphore_mem>>
      tpu.enqueue_dma source(%arg4 : memref<8x16xf32, #tpu.memory_space<hbm>>) target(%arg11 : memref<8x16xf32, #tpu.memory_space<vmem>>) target_semaphore(%run_scoped3A : memref<!tpu.dma_semaphore, #tpu.memory_space<semaphore_mem>>)
      tpu.wait_dma2 semaphore(%run_scoped3A : memref<!tpu.dma_semaphore, #tpu.memory_space<semaphore_mem>>) src(%arg4 : memref<8x16xf32, #tpu.memory_space<hbm>>) dst(%arg11 : memref<8x16xf32, #tpu.memory_space<vmem>>)
      tpu.yield
    }) : () -> ()
    %scan3A = arith.constant 0 : i32
    %scan3A_0 = arith.constant 0 : i32
    %scan3A_1 = arith.constant 128 : i32
    %scan3A_2 = arith.addi %scan3A_0, %scan3A_1 : i32
    %scan3A_3 = arith.constant 1 : i32
    %scan3A_4 = scf.for %scan3A_63 = %scan3A_0 to %scan3A_2 step %scan3A_3 iter_args(%scan3A_64 = %scan3A) -> (i32)  : i32 {
      %broadcast_in_dim3A = arith.constant 0.000000e+00 : f32
      %broadcast_in_dim3A_65 = vector.broadcast %broadcast_in_dim3A : f32 to vector<16xf32>
      %swap3A = arith.index_cast %scan3A_63 : i32 to index
      %swap3A_66 = arith.constant 0 : index
      %swap3A_67 = tpu.vector_load %arg10[%swap3A, %swap3A_66] {strides = array<i32>} : memref<128x80xf32, #tpu.memory_space<vmem>>, vector<16xf32>,
      tpu.vector_store %arg10[%swap3A, %swap3A_66], %broadcast_in_dim3A_65 {strides = array<i32>} : memref<128x80xf32, #tpu.memory_space<vmem>>, vector<16xf32>,
      %broadcast_in_dim3A_68 = arith.constant 0.000000e+00 : f32
      %broadcast_in_dim3A_69 = vector.broadcast %broadcast_in_dim3A_68 : f32 to vector<16xf32>
      %swap3A_70 = arith.index_cast %scan3A_63 : i32 to index
      %swap3A_71 = arith.constant 16 : index
      %swap3A_72 = tpu.vector_load %arg10[%swap3A_70, %swap3A_71] {strides = array<i32>} : memref<128x80xf32, #tpu.memory_space<vmem>>, vector<16xf32>,
      tpu.vector_store %arg10[%swap3A_70, %swap3A_71], %broadcast_in_dim3A_69 {strides = array<i32>} : memref<128x80xf32, #tpu.memory_space<vmem>>, vector<16xf32>,
      %broadcast_in_dim3A_73 = arith.constant 0.000000e+00 : f32
      %broadcast_in_dim3A_74 = vector.broadcast %broadcast_in_dim3A_73 : f32 to vector<16xf32>
      %swap3A_75 = arith.index_cast %scan3A_63 : i32 to index
      %swap3A_76 = arith.constant 32 : index
      %swap3A_77 = tpu.vector_load %arg10[%swap3A_75, %swap3A_76] {strides = array<i32>} : memref<128x80xf32, #tpu.memory_space<vmem>>, vector<16xf32>,
      tpu.vector_store %arg10[%swap3A_75, %swap3A_76], %broadcast_in_dim3A_74 {strides = array<i32>} : memref<128x80xf32, #tpu.memory_space<vmem>>, vector<16xf32>,
      %broadcast_in_dim3A_78 = arith.constant 0.000000e+00 : f32
      %broadcast_in_dim3A_79 = vector.broadcast %broadcast_in_dim3A_78 : f32 to vector<16xf32>
      %swap3A_80 = arith.index_cast %scan3A_63 : i32 to index
      %swap3A_81 = arith.constant 48 : index
      %swap3A_82 = tpu.vector_load %arg10[%swap3A_80, %swap3A_81] {strides = array<i32>} : memref<128x80xf32, #tpu.memory_space<vmem>>, vector<16xf32>,
      tpu.vector_store %arg10[%swap3A_80, %swap3A_81], %broadcast_in_dim3A_79 {strides = array<i32>} : memref<128x80xf32, #tpu.memory_space<vmem>>, vector<16xf32>,
      %broadcast_in_dim3A_83 = arith.constant 0.000000e+00 : f32
      %broadcast_in_dim3A_84 = vector.broadcast %broadcast_in_dim3A_83 : f32 to vector<16xf32>
      %swap3A_85 = arith.index_cast %scan3A_63 : i32 to index
      %swap3A_86 = arith.constant 64 : index
      %swap3A_87 = tpu.vector_load %arg10[%swap3A_85, %swap3A_86] {strides = array<i32>} : memref<128x80xf32, #tpu.memory_space<vmem>>, vector<16xf32>,
      tpu.vector_store %arg10[%swap3A_85, %swap3A_86], %broadcast_in_dim3A_84 {strides = array<i32>} : memref<128x80xf32, #tpu.memory_space<vmem>>, vector<16xf32>,
      %scan3A_88 = arith.constant 0 : i32
      scf.yield %scan3A_88 : i32
    }
    %scan3A_5 = arith.constant 128 : i32
    %mul3A = arith.constant 640 : i32
    %mul3A_6 = arith.muli %arg1, %mul3A : i32
    %add3A = arith.constant 0 : i32
    %add3A_7 = arith.addi %mul3A_6, %add3A : i32
    "tpu.region"() ({
      %run_scoped3A = tpu.sem_alloc : memref<!tpu.dma_semaphore, #tpu.memory_space<semaphore_mem>>
      %dma_start3A = arith.constant 0 : i32
      %dma_start3A_63 = tpu.memref_slice %arg14[%add3A_7, %dma_start3A] : memref<10240x80xf32, #tpu.memory_space<vmem_shared>> -> memref<128x80xf32, #tpu.memory_space<vmem_shared>>
      %dma_start3A_64 = arith.constant 0 : i32
      %dma_start3A_65 = tpu.memref_slice %arg14[%add3A_7, %dma_start3A_64] : memref<10240x80xf32, #tpu.memory_space<vmem_shared>> -> memref<128x80xf32, #tpu.memory_space<vmem_shared>>
      tpu.enqueue_dma source(%arg10 : memref<128x80xf32, #tpu.memory_space<vmem>>) target(%dma_start3A_65 : memref<128x80xf32, #tpu.memory_space<vmem_shared>>) target_semaphore(%run_scoped3A : memref<!tpu.dma_semaphore, #tpu.memory_space<semaphore_mem>>)
      %dma_wait3A = arith.constant 0 : i32
      %dma_wait3A_66 = tpu.memref_slice %arg14[%add3A_7, %dma_wait3A] : memref<10240x80xf32, #tpu.memory_space<vmem_shared>> -> memref<128x80xf32, #tpu.memory_space<vmem_shared>>
      %dma_wait3A_67 = arith.constant 0 : i32
      %dma_wait3A_68 = tpu.memref_slice %arg14[%add3A_7, %dma_wait3A_67] : memref<10240x80xf32, #tpu.memory_space<vmem_shared>> -> memref<128x80xf32, #tpu.memory_space<vmem_shared>>
      tpu.wait_dma2 semaphore(%run_scoped3A : memref<!tpu.dma_semaphore, #tpu.memory_space<semaphore_mem>>) src(%arg10 : memref<128x80xf32, #tpu.memory_space<vmem>>) dst(%dma_wait3A_68 : memref<128x80xf32, #tpu.memory_space<vmem_shared>>)
      tpu.yield
    }) : () -> ()
    %add3A_8 = arith.constant 128 : i32
    %add3A_9 = arith.addi %mul3A_6, %add3A_8 : i32
    "tpu.region"() ({
      %run_scoped3A = tpu.sem_alloc : memref<!tpu.dma_semaphore, #tpu.memory_space<semaphore_mem>>
      %dma_start3A = arith.constant 0 : i32
      %dma_start3A_63 = tpu.memref_slice %arg14[%add3A_9, %dma_start3A] : memref<10240x80xf32, #tpu.memory_space<vmem_shared>> -> memref<128x80xf32, #tpu.memory_space<vmem_shared>>
      %dma_start3A_64 = arith.constant 0 : i32
      %dma_start3A_65 = tpu.memref_slice %arg14[%add3A_9, %dma_start3A_64] : memref<10240x80xf32, #tpu.memory_space<vmem_shared>> -> memref<128x80xf32, #tpu.memory_space<vmem_shared>>
      tpu.enqueue_dma source(%arg10 : memref<128x80xf32, #tpu.memory_space<vmem>>) target(%dma_start3A_65 : memref<128x80xf32, #tpu.memory_space<vmem_shared>>) target_semaphore(%run_scoped3A : memref<!tpu.dma_semaphore, #tpu.memory_space<semaphore_mem>>)
      %dma_wait3A = arith.constant 0 : i32
      %dma_wait3A_66 = tpu.memref_slice %arg14[%add3A_9, %dma_wait3A] : memref<10240x80xf32, #tpu.memory_space<vmem_shared>> -> memref<128x80xf32, #tpu.memory_space<vmem_shared>>
      %dma_wait3A_67 = arith.constant 0 : i32
      %dma_wait3A_68 = tpu.memref_slice %arg14[%add3A_9, %dma_wait3A_67] : memref<10240x80xf32, #tpu.memory_space<vmem_shared>> -> memref<128x80xf32, #tpu.memory_space<vmem_shared>>
      tpu.wait_dma2 semaphore(%run_scoped3A : memref<!tpu.dma_semaphore, #tpu.memory_space<semaphore_mem>>) src(%arg10 : memref<128x80xf32, #tpu.memory_space<vmem>>) dst(%dma_wait3A_68 : memref<128x80xf32, #tpu.memory_space<vmem_shared>>)
      tpu.yield
    }) : () -> ()
    %add3A_10 = arith.constant 256 : i32
    %add3A_11 = arith.addi %mul3A_6, %add3A_10 : i32
    "tpu.region"() ({
      %run_scoped3A = tpu.sem_alloc : memref<!tpu.dma_semaphore, #tpu.memory_space<semaphore_mem>>
      %dma_start3A = arith.constant 0 : i32
      %dma_start3A_63 = tpu.memref_slice %arg14[%add3A_11, %dma_start3A] : memref<10240x80xf32, #tpu.memory_space<vmem_shared>> -> memref<128x80xf32, #tpu.memory_space<vmem_shared>>
      %dma_start3A_64 = arith.constant 0 : i32
      %dma_start3A_65 = tpu.memref_slice %arg14[%add3A_11, %dma_start3A_64] : memref<10240x80xf32, #tpu.memory_space<vmem_shared>> -> memref<128x80xf32, #tpu.memory_space<vmem_shared>>
      tpu.enqueue_dma source(%arg10 : memref<128x80xf32, #tpu.memory_space<vmem>>) target(%dma_start3A_65 : memref<128x80xf32, #tpu.memory_space<vmem_shared>>) target_semaphore(%run_scoped3A : memref<!tpu.dma_semaphore, #tpu.memory_space<semaphore_mem>>)
      %dma_wait3A = arith.constant 0 : i32
      %dma_wait3A_66 = tpu.memref_slice %arg14[%add3A_11, %dma_wait3A] : memref<10240x80xf32, #tpu.memory_space<vmem_shared>> -> memref<128x80xf32, #tpu.memory_space<vmem_shared>>
      %dma_wait3A_67 = arith.constant 0 : i32
      %dma_wait3A_68 = tpu.memref_slice %arg14[%add3A_11, %dma_wait3A_67] : memref<10240x80xf32, #tpu.memory_space<vmem_shared>> -> memref<128x80xf32, #tpu.memory_space<vmem_shared>>
      tpu.wait_dma2 semaphore(%run_scoped3A : memref<!tpu.dma_semaphore, #tpu.memory_space<semaphore_mem>>) src(%arg10 : memref<128x80xf32, #tpu.memory_space<vmem>>) dst(%dma_wait3A_68 : memref<128x80xf32, #tpu.memory_space<vmem_shared>>)
      tpu.yield
    }) : () -> ()
    %add3A_12 = arith.constant 384 : i32
    %add3A_13 = arith.addi %mul3A_6, %add3A_12 : i32
    "tpu.region"() ({
      %run_scoped3A = tpu.sem_alloc : memref<!tpu.dma_semaphore, #tpu.memory_space<semaphore_mem>>
      %dma_start3A = arith.constant 0 : i32
      %dma_start3A_63 = tpu.memref_slice %arg14[%add3A_13, %dma_start3A] : memref<10240x80xf32, #tpu.memory_space<vmem_shared>> -> memref<128x80xf32, #tpu.memory_space<vmem_shared>>
      %dma_start3A_64 = arith.constant 0 : i32
      %dma_start3A_65 = tpu.memref_slice %arg14[%add3A_13, %dma_start3A_64] : memref<10240x80xf32, #tpu.memory_space<vmem_shared>> -> memref<128x80xf32, #tpu.memory_space<vmem_shared>>
      tpu.enqueue_dma source(%arg10 : memref<128x80xf32, #tpu.memory_space<vmem>>) target(%dma_start3A_65 : memref<128x80xf32, #tpu.memory_space<vmem_shared>>) target_semaphore(%run_scoped3A : memref<!tpu.dma_semaphore, #tpu.memory_space<semaphore_mem>>)
      %dma_wait3A = arith.constant 0 : i32
      %dma_wait3A_66 = tpu.memref_slice %arg14[%add3A_13, %dma_wait3A] : memref<10240x80xf32, #tpu.memory_space<vmem_shared>> -> memref<128x80xf32, #tpu.memory_space<vmem_shared>>
      %dma_wait3A_67 = arith.constant 0 : i32
      %dma_wait3A_68 = tpu.memref_slice %arg14[%add3A_13, %dma_wait3A_67] : memref<10240x80xf32, #tpu.memory_space<vmem_shared>> -> memref<128x80xf32, #tpu.memory_space<vmem_shared>>
      tpu.wait_dma2 semaphore(%run_scoped3A : memref<!tpu.dma_semaphore, #tpu.memory_space<semaphore_mem>>) src(%arg10 : memref<128x80xf32, #tpu.memory_space<vmem>>) dst(%dma_wait3A_68 : memref<128x80xf32, #tpu.memory_space<vmem_shared>>)
      tpu.yield
    }) : () -> ()
    %add3A_14 = arith.constant 512 : i32
    %add3A_15 = arith.addi %mul3A_6, %add3A_14 : i32
    "tpu.region"() ({
      %run_scoped3A = tpu.sem_alloc : memref<!tpu.dma_semaphore, #tpu.memory_space<semaphore_mem>>
      %dma_start3A = arith.constant 0 : i32
      %dma_start3A_63 = tpu.memref_slice %arg14[%add3A_15, %dma_start3A] : memref<10240x80xf32, #tpu.memory_space<vmem_shared>> -> memref<128x80xf32, #tpu.memory_space<vmem_shared>>
      %dma_start3A_64 = arith.constant 0 : i32
      %dma_start3A_65 = tpu.memref_slice %arg14[%add3A_15, %dma_start3A_64] : memref<10240x80xf32, #tpu.memory_space<vmem_shared>> -> memref<128x80xf32, #tpu.memory_space<vmem_shared>>
      tpu.enqueue_dma source(%arg10 : memref<128x80xf32, #tpu.memory_space<vmem>>) target(%dma_start3A_65 : memref<128x80xf32, #tpu.memory_space<vmem_shared>>) target_semaphore(%run_scoped3A : memref<!tpu.dma_semaphore, #tpu.memory_space<semaphore_mem>>)
      %dma_wait3A = arith.constant 0 : i32
      %dma_wait3A_66 = tpu.memref_slice %arg14[%add3A_15, %dma_wait3A] : memref<10240x80xf32, #tpu.memory_space<vmem_shared>> -> memref<128x80xf32, #tpu.memory_space<vmem_shared>>
      %dma_wait3A_67 = arith.constant 0 : i32
      %dma_wait3A_68 = tpu.memref_slice %arg14[%add3A_15, %dma_wait3A_67] : memref<10240x80xf32, #tpu.memory_space<vmem_shared>> -> memref<128x80xf32, #tpu.memory_space<vmem_shared>>
      tpu.wait_dma2 semaphore(%run_scoped3A : memref<!tpu.dma_semaphore, #tpu.memory_space<semaphore_mem>>) src(%arg10 : memref<128x80xf32, #tpu.memory_space<vmem>>) dst(%dma_wait3A_68 : memref<128x80xf32, #tpu.memory_space<vmem_shared>>)
      tpu.yield
    }) : () -> ()
    %barrier3A = arith.constant 0 : index
    tpu.barrier barrier_id(%barrier3A)
    %iota3A = tpu.iota {dimensions = array<i32: 0>} : vector<16xi32>
    %mul3A_16 = arith.constant 4 : i32
    %mul3A_17 = arith.muli %arg0, %mul3A_16 : i32
    %add3A_18 = arith.constant 0 : i32
    %add3A_19 = arith.addi %mul3A_17, %add3A_18 : i32
    %add3A_20 = arith.constant 0 : i32
    %add3A_21 = arith.addi %add3A_19, %add3A_20 : i32
    %get3A = arith.index_cast %add3A_21 : i32 to index
    %get3A_22 = arith.constant 0 : index
    %get3A_23 = tpu.vector_load %arg11[%get3A, %get3A_22] {strides = array<i32>} : memref<8x16xf32, #tpu.memory_space<vmem>>, vector<16xf32>,
    %add3A_24 = arith.constant 1 : i32
    %add3A_25 = arith.addi %mul3A_17, %add3A_24 : i32
    %add3A_26 = arith.constant 0 : i32
    %add3A_27 = arith.addi %add3A_25, %add3A_26 : i32
    %get3A_28 = arith.index_cast %add3A_27 : i32 to index
    %get3A_29 = arith.constant 0 : index
    %get3A_30 = tpu.vector_load %arg11[%get3A_28, %get3A_29] {strides = array<i32>} : memref<8x16xf32, #tpu.memory_space<vmem>>, vector<16xf32>,
    %add3A_31 = arith.constant 2 : i32
    %add3A_32 = arith.addi %mul3A_17, %add3A_31 : i32
    %add3A_33 = arith.constant 0 : i32
    %add3A_34 = arith.addi %add3A_32, %add3A_33 : i32
    %get3A_35 = arith.index_cast %add3A_34 : i32 to index
    %get3A_36 = arith.constant 0 : index
    %get3A_37 = tpu.vector_load %arg11[%get3A_35, %get3A_36] {strides = array<i32>} : memref<8x16xf32, #tpu.memory_space<vmem>>, vector<16xf32>,
    %add3A_38 = arith.constant 3 : i32
    %add3A_39 = arith.addi %mul3A_17, %add3A_38 : i32
    %add3A_40 = arith.constant 0 : i32
    %add3A_41 = arith.addi %add3A_39, %add3A_40 : i32
    %get3A_42 = arith.index_cast %add3A_41 : i32 to index
    %get3A_43 = arith.constant 0 : index
    %get3A_44 = tpu.vector_load %arg11[%get3A_42, %get3A_43] {strides = array<i32>} : memref<8x16xf32, #tpu.memory_space<vmem>>, vector<16xf32>,
    %scan3A_45 = arith.constant 0 : i32
    %scan3A_46 = arith.constant 0 : i32
    %scan3A_47 = arith.constant 162 : i32
    %scan3A_48 = arith.addi %scan3A_46, %scan3A_47 : i32
    %scan3A_49 = arith.constant 1 : i32
    %scan3A_50 = scf.for %scan3A_63 = %scan3A_46 to %scan3A_48 step %scan3A_49 iter_args(%scan3A_64 = %scan3A_45) -> (i32)  : i32 {
      %dma_start3A = arith.constant 0 : i32
      %dma_start3A_65 = tpu.memref_slice %arg12[%scan3A_63, %dma_start3A] : memref<162x128xi32, #tpu.memory_space<vmem>> -> memref<1x128xi32, #tpu.memory_space<vmem>>
      %dma_start3A_66 = tpu.memref_squeeze %dma_start3A_65 : memref<1x128xi32, #tpu.memory_space<vmem>> -> memref<128xi32, #tpu.memory_space<vmem>>
      %dma_start3A_67 = arith.constant 0 : i32
      %dma_start3A_68 = arith.constant 0 : i32
      %dma_start3A_69 = tpu.memref_slice %arg2[%arg0, %dma_start3A_67, %dma_start3A_68] : memref<2x10000x64xf32, #tpu.memory_space<hbm>> -> memref<1x10000x64xf32, #tpu.memory_space<hbm>>
      %dma_start3A_70 = tpu.memref_squeeze %dma_start3A_69 : memref<1x10000x64xf32, #tpu.memory_space<hbm>> -> memref<10000x64xf32, #tpu.memory_space<hbm>>
      %dma_start3A_71 = arith.constant 0 : i32
      %dma_start3A_72 = arith.constant 0 : i32
      %dma_start3A_73 = tpu.memref_slice %dma_start3A_70[%dma_start3A_71, %dma_start3A_72] : memref<10000x64xf32, #tpu.memory_space<hbm>> -> memref<10000x64xf32, #tpu.memory_space<hbm>>
      tpu.enqueue_indirect_dma source(%dma_start3A_73 : memref<10000x64xf32, #tpu.memory_space<hbm>>) target(%arg8 : memref<128x64xf32, #tpu.memory_space<vmem>>) offsets(%dma_start3A_66 : memref<128xi32, #tpu.memory_space<vmem>>) semaphore(%arg15 : memref<!tpu.dma_semaphore, #tpu.memory_space<semaphore_mem>>)
      %dma_start3A_74 = arith.constant 0 : i32
      %dma_start3A_75 = tpu.memref_slice %arg13[%scan3A_63, %dma_start3A_74] : memref<162x128xi32, #tpu.memory_space<vmem>> -> memref<1x128xi32, #tpu.memory_space<vmem>>
      %dma_start3A_76 = tpu.memref_squeeze %dma_start3A_75 : memref<1x128xi32, #tpu.memory_space<vmem>> -> memref<128xi32, #tpu.memory_space<vmem>>
      %dma_start3A_77 = arith.constant 0 : i32
      %dma_start3A_78 = arith.constant 0 : i32
      %dma_start3A_79 = tpu.memref_slice %arg3[%arg0, %dma_start3A_77, %dma_start3A_78] : memref<2x10000x64xf32, #tpu.memory_space<hbm>> -> memref<1x10000x64xf32, #tpu.memory_space<hbm>>
      %dma_start3A_80 = tpu.memref_squeeze %dma_start3A_79 : memref<1x10000x64xf32, #tpu.memory_space<hbm>> -> memref<10000x64xf32, #tpu.memory_space<hbm>>
      %dma_start3A_81 = arith.constant 0 : i32
      %dma_start3A_82 = arith.constant 0 : i32
      %dma_start3A_83 = tpu.memref_slice %dma_start3A_80[%dma_start3A_81, %dma_start3A_82] : memref<10000x64xf32, #tpu.memory_space<hbm>> -> memref<10000x64xf32, #tpu.memory_space<hbm>>
      tpu.enqueue_indirect_dma source(%dma_start3A_83 : memref<10000x64xf32, #tpu.memory_space<hbm>>) target(%arg9 : memref<128x64xf32, #tpu.memory_space<vmem>>) offsets(%dma_start3A_76 : memref<128xi32, #tpu.memory_space<vmem>>) semaphore(%arg16 : memref<!tpu.dma_semaphore, #tpu.memory_space<semaphore_mem>>)
      %dma_wait3A = arith.constant 0 : i32
      %dma_wait3A_84 = tpu.memref_slice %arg12[%scan3A_63, %dma_wait3A] : memref<162x128xi32, #tpu.memory_space<vmem>> -> memref<1x128xi32, #tpu.memory_space<vmem>>
      %dma_wait3A_85 = tpu.memref_squeeze %dma_wait3A_84 : memref<1x128xi32, #tpu.memory_space<vmem>> -> memref<128xi32, #tpu.memory_space<vmem>>
      %dma_wait3A_86 = arith.constant 0 : i32
      %dma_wait3A_87 = arith.constant 0 : i32
      %dma_wait3A_88 = tpu.memref_slice %arg2[%arg0, %dma_wait3A_86, %dma_wait3A_87] : memref<2x10000x64xf32, #tpu.memory_space<hbm>> -> memref<1x10000x64xf32, #tpu.memory_space<hbm>>
      %dma_wait3A_89 = tpu.memref_squeeze %dma_wait3A_88 : memref<1x10000x64xf32, #tpu.memory_space<hbm>> -> memref<10000x64xf32, #tpu.memory_space<hbm>>
      %dma_wait3A_90 = arith.constant 0 : i32
      %dma_wait3A_91 = arith.constant 0 : i32
      %dma_wait3A_92 = tpu.memref_slice %dma_wait3A_89[%dma_wait3A_90, %dma_wait3A_91] : memref<10000x64xf32, #tpu.memory_space<hbm>> -> memref<10000x64xf32, #tpu.memory_space<hbm>>
      tpu.wait_indirect_dma semaphore(%arg15 : memref<!tpu.dma_semaphore, #tpu.memory_space<semaphore_mem>>) src(%dma_wait3A_92 : memref<10000x64xf32, #tpu.memory_space<hbm>>) dst(%arg8 : memref<128x64xf32, #tpu.memory_space<vmem>>)
      %dma_wait3A_93 = arith.constant 0 : i32
      %dma_wait3A_94 = tpu.memref_slice %arg13[%scan3A_63, %dma_wait3A_93] : memref<162x128xi32, #tpu.memory_space<vmem>> -> memref<1x128xi32, #tpu.memory_space<vmem>>
      %dma_wait3A_95 = tpu.memref_squeeze %dma_wait3A_94 : memref<1x128xi32, #tpu.memory_space<vmem>> -> memref<128xi32, #tpu.memory_space<vmem>>
      %dma_wait3A_96 = arith.constant 0 : i32
      %dma_wait3A_97 = arith.constant 0 : i32
      %dma_wait3A_98 = tpu.memref_slice %arg3[%arg0, %dma_wait3A_96, %dma_wait3A_97] : memref<2x10000x64xf32, #tpu.memory_space<hbm>> -> memref<1x10000x64xf32, #tpu.memory_space<hbm>>
      %dma_wait3A_99 = tpu.memref_squeeze %dma_wait3A_98 : memref<1x10000x64xf32, #tpu.memory_space<hbm>> -> memref<10000x64xf32, #tpu.memory_space<hbm>>
      %dma_wait3A_100 = arith.constant 0 : i32
      %dma_wait3A_101 = arith.constant 0 : i32
      %dma_wait3A_102 = tpu.memref_slice %dma_wait3A_99[%dma_wait3A_100, %dma_wait3A_101] : memref<10000x64xf32, #tpu.memory_space<hbm>> -> memref<10000x64xf32, #tpu.memory_space<hbm>>
      tpu.wait_indirect_dma semaphore(%arg16 : memref<!tpu.dma_semaphore, #tpu.memory_space<semaphore_mem>>) src(%dma_wait3A_102 : memref<10000x64xf32, #tpu.memory_space<hbm>>) dst(%arg9 : memref<128x64xf32, #tpu.memory_space<vmem>>)
      %parallel_loop3A = arith.constant 0 : i32
      %parallel_loop3A_103 = arith.constant 128 : i32
      %parallel_loop3A_104 = arith.constant 1 : i32
      scf.for %parallel_loop3A_106 = %parallel_loop3A to %parallel_loop3A_103 step %parallel_loop3A_104  : i32 {
        %parallel_loop3A_107 = arith.constant 0.000000e+00 : f32
        %parallel_loop3A_108 = vector.broadcast %parallel_loop3A_107 : f32 to vector<16xf32>
        %parallel_loop3A_109 = arith.index_cast %parallel_loop3A_106 : i32 to index
        %parallel_loop3A_110 = arith.constant 0 : index
        %parallel_loop3A_111 = tpu.vector_load %arg8[%parallel_loop3A_109, %parallel_loop3A_110] {strides = array<i32>} : memref<128x64xf32, #tpu.memory_space<vmem>>, vector<16xf32>,
        %parallel_loop3A_112 = arith.index_cast %parallel_loop3A_106 : i32 to index
        %parallel_loop3A_113 = arith.constant 0 : index
        %parallel_loop3A_114 = tpu.vector_load %arg9[%parallel_loop3A_112, %parallel_loop3A_113] {strides = array<i32>} : memref<128x64xf32, #tpu.memory_space<vmem>>, vector<16xf32>,
        %parallel_loop3A_115 = arith.addf %parallel_loop3A_111, %parallel_loop3A_114 : vector<16xf32>
        %parallel_loop3A_116 = arith.constant 2.000000e-01 : f32
        %parallel_loop3A_117 = vector.broadcast %parallel_loop3A_116 : f32 to vector<16xf32>
        %parallel_loop3A_118 = arith.mulf %parallel_loop3A_117, %parallel_loop3A_115 : vector<16xf32>
        %parallel_loop3A_119 = arith.maximumf %parallel_loop3A_115, %parallel_loop3A_118 : vector<16xf32>
        %parallel_loop3A_120 = arith.mulf %parallel_loop3A_119, %get3A_23 : vector<16xf32>
        %parallel_loop3A_121 = arith.constant true
        %parallel_loop3A_122 = vector.broadcast %parallel_loop3A_121 : i1 to vector<16xi1>
        %parallel_loop3A_123 = tpu.scan <sum>, %parallel_loop3A_120 masked %parallel_loop3A_122 : vector<16xf32>, vector<16xi1> -> vector<16xf32>
        %parallel_loop3A_124 = vector.extract %parallel_loop3A_123[15] : f32 from vector<16xf32>
        %parallel_loop3A_125 = vector.broadcast %parallel_loop3A_124 : f32 to vector<16xf32>
        %parallel_loop3A_126 = math.exp %parallel_loop3A_125 : vector<16xf32>
        %parallel_loop3A_127 = arith.mulf %parallel_loop3A_111, %parallel_loop3A_126 : vector<16xf32>
        %parallel_loop3A_128 = arith.index_cast %parallel_loop3A_106 : i32 to index
        %parallel_loop3A_129 = arith.constant 0 : index
        %parallel_loop3A_130 = tpu.vector_load %arg10[%parallel_loop3A_128, %parallel_loop3A_129] {strides = array<i32>} : memref<128x80xf32, #tpu.memory_space<vmem>>, vector<16xf32>,
        tpu.vector_store %arg10[%parallel_loop3A_128, %parallel_loop3A_129], %parallel_loop3A_127 {strides = array<i32>} : memref<128x80xf32, #tpu.memory_space<vmem>>, vector<16xf32>,
        %parallel_loop3A_131 = arith.constant 0 : i32
        %parallel_loop3A_132 = vector.broadcast %parallel_loop3A_131 : i32 to vector<16xi32>
        %parallel_loop3A_133 = arith.cmpi eq, %iota3A, %parallel_loop3A_132 : vector<16xi32>
        %parallel_loop3A_134 = arith.select %parallel_loop3A_133, %parallel_loop3A_126, %parallel_loop3A_108 : vector<16xi1>, vector<16xf32>
        %parallel_loop3A_135 = arith.index_cast %parallel_loop3A_106 : i32 to index
        %parallel_loop3A_136 = arith.constant 16 : index
        %parallel_loop3A_137 = tpu.vector_load %arg8[%parallel_loop3A_135, %parallel_loop3A_136] {strides = array<i32>} : memref<128x64xf32, #tpu.memory_space<vmem>>, vector<16xf32>,
        %parallel_loop3A_138 = arith.index_cast %parallel_loop3A_106 : i32 to index
        %parallel_loop3A_139 = arith.constant 16 : index
        %parallel_loop3A_140 = tpu.vector_load %arg9[%parallel_loop3A_138, %parallel_loop3A_139] {strides = array<i32>} : memref<128x64xf32, #tpu.memory_space<vmem>>, vector<16xf32>,
        %parallel_loop3A_141 = arith.addf %parallel_loop3A_137, %parallel_loop3A_140 : vector<16xf32>
        %parallel_loop3A_142 = arith.constant 2.000000e-01 : f32
        %parallel_loop3A_143 = vector.broadcast %parallel_loop3A_142 : f32 to vector<16xf32>
        %parallel_loop3A_144 = arith.mulf %parallel_loop3A_143, %parallel_loop3A_141 : vector<16xf32>
        %parallel_loop3A_145 = arith.maximumf %parallel_loop3A_141, %parallel_loop3A_144 : vector<16xf32>
        %parallel_loop3A_146 = arith.mulf %parallel_loop3A_145, %get3A_30 : vector<16xf32>
        %parallel_loop3A_147 = arith.constant true
        %parallel_loop3A_148 = vector.broadcast %parallel_loop3A_147 : i1 to vector<16xi1>
        %parallel_loop3A_149 = tpu.scan <sum>, %parallel_loop3A_146 masked %parallel_loop3A_148 : vector<16xf32>, vector<16xi1> -> vector<16xf32>
        %parallel_loop3A_150 = vector.extract %parallel_loop3A_149[15] : f32 from vector<16xf32>
        %parallel_loop3A_151 = vector.broadcast %parallel_loop3A_150 : f32 to vector<16xf32>
        %parallel_loop3A_152 = math.exp %parallel_loop3A_151 : vector<16xf32>
        %parallel_loop3A_153 = arith.mulf %parallel_loop3A_137, %parallel_loop3A_152 : vector<16xf32>
        %parallel_loop3A_154 = arith.index_cast %parallel_loop3A_106 : i32 to index
        %parallel_loop3A_155 = arith.constant 16 : index
        %parallel_loop3A_156 = tpu.vector_load %arg10[%parallel_loop3A_154, %parallel_loop3A_155] {strides = array<i32>} : memref<128x80xf32, #tpu.memory_space<vmem>>, vector<16xf32>,
        tpu.vector_store %arg10[%parallel_loop3A_154, %parallel_loop3A_155], %parallel_loop3A_153 {strides = array<i32>} : memref<128x80xf32, #tpu.memory_space<vmem>>, vector<16xf32>,
        %parallel_loop3A_157 = arith.constant 1 : i32
        %parallel_loop3A_158 = vector.broadcast %parallel_loop3A_157 : i32 to vector<16xi32>
        %parallel_loop3A_159 = arith.cmpi eq, %iota3A, %parallel_loop3A_158 : vector<16xi32>
        %parallel_loop3A_160 = arith.select %parallel_loop3A_159, %parallel_loop3A_152, %parallel_loop3A_134 : vector<16xi1>, vector<16xf32>
        %parallel_loop3A_161 = arith.index_cast %parallel_loop3A_106 : i32 to index
        %parallel_loop3A_162 = arith.constant 32 : index
        %parallel_loop3A_163 = tpu.vector_load %arg8[%parallel_loop3A_161, %parallel_loop3A_162] {strides = array<i32>} : memref<128x64xf32, #tpu.memory_space<vmem>>, vector<16xf32>,
        %parallel_loop3A_164 = arith.index_cast %parallel_loop3A_106 : i32 to index
        %parallel_loop3A_165 = arith.constant 32 : index
        %parallel_loop3A_166 = tpu.vector_load %arg9[%parallel_loop3A_164, %parallel_loop3A_165] {strides = array<i32>} : memref<128x64xf32, #tpu.memory_space<vmem>>, vector<16xf32>,
        %parallel_loop3A_167 = arith.addf %parallel_loop3A_163, %parallel_loop3A_166 : vector<16xf32>
        %parallel_loop3A_168 = arith.constant 2.000000e-01 : f32
        %parallel_loop3A_169 = vector.broadcast %parallel_loop3A_168 : f32 to vector<16xf32>
        %parallel_loop3A_170 = arith.mulf %parallel_loop3A_169, %parallel_loop3A_167 : vector<16xf32>
        %parallel_loop3A_171 = arith.maximumf %parallel_loop3A_167, %parallel_loop3A_170 : vector<16xf32>
        %parallel_loop3A_172 = arith.mulf %parallel_loop3A_171, %get3A_37 : vector<16xf32>
        %parallel_loop3A_173 = arith.constant true
        %parallel_loop3A_174 = vector.broadcast %parallel_loop3A_173 : i1 to vector<16xi1>
        %parallel_loop3A_175 = tpu.scan <sum>, %parallel_loop3A_172 masked %parallel_loop3A_174 : vector<16xf32>, vector<16xi1> -> vector<16xf32>
        %parallel_loop3A_176 = vector.extract %parallel_loop3A_175[15] : f32 from vector<16xf32>
        %parallel_loop3A_177 = vector.broadcast %parallel_loop3A_176 : f32 to vector<16xf32>
        %parallel_loop3A_178 = math.exp %parallel_loop3A_177 : vector<16xf32>
        %parallel_loop3A_179 = arith.mulf %parallel_loop3A_163, %parallel_loop3A_178 : vector<16xf32>
        %parallel_loop3A_180 = arith.index_cast %parallel_loop3A_106 : i32 to index
        %parallel_loop3A_181 = arith.constant 32 : index
        %parallel_loop3A_182 = tpu.vector_load %arg10[%parallel_loop3A_180, %parallel_loop3A_181] {strides = array<i32>} : memref<128x80xf32, #tpu.memory_space<vmem>>, vector<16xf32>,
        tpu.vector_store %arg10[%parallel_loop3A_180, %parallel_loop3A_181], %parallel_loop3A_179 {strides = array<i32>} : memref<128x80xf32, #tpu.memory_space<vmem>>, vector<16xf32>,
        %parallel_loop3A_183 = arith.constant 2 : i32
        %parallel_loop3A_184 = vector.broadcast %parallel_loop3A_183 : i32 to vector<16xi32>
        %parallel_loop3A_185 = arith.cmpi eq, %iota3A, %parallel_loop3A_184 : vector<16xi32>
        %parallel_loop3A_186 = arith.select %parallel_loop3A_185, %parallel_loop3A_178, %parallel_loop3A_160 : vector<16xi1>, vector<16xf32>
        %parallel_loop3A_187 = arith.index_cast %parallel_loop3A_106 : i32 to index
        %parallel_loop3A_188 = arith.constant 48 : index
        %parallel_loop3A_189 = tpu.vector_load %arg8[%parallel_loop3A_187, %parallel_loop3A_188] {strides = array<i32>} : memref<128x64xf32, #tpu.memory_space<vmem>>, vector<16xf32>,
        %parallel_loop3A_190 = arith.index_cast %parallel_loop3A_106 : i32 to index
        %parallel_loop3A_191 = arith.constant 48 : index
        %parallel_loop3A_192 = tpu.vector_load %arg9[%parallel_loop3A_190, %parallel_loop3A_191] {strides = array<i32>} : memref<128x64xf32, #tpu.memory_space<vmem>>, vector<16xf32>,
        %parallel_loop3A_193 = arith.addf %parallel_loop3A_189, %parallel_loop3A_192 : vector<16xf32>
        %parallel_loop3A_194 = arith.constant 2.000000e-01 : f32
        %parallel_loop3A_195 = vector.broadcast %parallel_loop3A_194 : f32 to vector<16xf32>
        %parallel_loop3A_196 = arith.mulf %parallel_loop3A_195, %parallel_loop3A_193 : vector<16xf32>
        %parallel_loop3A_197 = arith.maximumf %parallel_loop3A_193, %parallel_loop3A_196 : vector<16xf32>
        %parallel_loop3A_198 = arith.mulf %parallel_loop3A_197, %get3A_44 : vector<16xf32>
        %parallel_loop3A_199 = arith.constant true
        %parallel_loop3A_200 = vector.broadcast %parallel_loop3A_199 : i1 to vector<16xi1>
        %parallel_loop3A_201 = tpu.scan <sum>, %parallel_loop3A_198 masked %parallel_loop3A_200 : vector<16xf32>, vector<16xi1> -> vector<16xf32>
        %parallel_loop3A_202 = vector.extract %parallel_loop3A_201[15] : f32 from vector<16xf32>
        %parallel_loop3A_203 = vector.broadcast %parallel_loop3A_202 : f32 to vector<16xf32>
        %parallel_loop3A_204 = math.exp %parallel_loop3A_203 : vector<16xf32>
        %parallel_loop3A_205 = arith.mulf %parallel_loop3A_189, %parallel_loop3A_204 : vector<16xf32>
        %parallel_loop3A_206 = arith.index_cast %parallel_loop3A_106 : i32 to index
        %parallel_loop3A_207 = arith.constant 48 : index
        %parallel_loop3A_208 = tpu.vector_load %arg10[%parallel_loop3A_206, %parallel_loop3A_207] {strides = array<i32>} : memref<128x80xf32, #tpu.memory_space<vmem>>, vector<16xf32>,
        tpu.vector_store %arg10[%parallel_loop3A_206, %parallel_loop3A_207], %parallel_loop3A_205 {strides = array<i32>} : memref<128x80xf32, #tpu.memory_space<vmem>>, vector<16xf32>,
        %parallel_loop3A_209 = arith.constant 3 : i32
        %parallel_loop3A_210 = vector.broadcast %parallel_loop3A_209 : i32 to vector<16xi32>
        %parallel_loop3A_211 = arith.cmpi eq, %iota3A, %parallel_loop3A_210 : vector<16xi32>
        %parallel_loop3A_212 = arith.select %parallel_loop3A_211, %parallel_loop3A_204, %parallel_loop3A_186 : vector<16xi1>, vector<16xf32>
        %parallel_loop3A_213 = arith.index_cast %parallel_loop3A_106 : i32 to index
        %parallel_loop3A_214 = arith.constant 64 : index
        %parallel_loop3A_215 = tpu.vector_load %arg10[%parallel_loop3A_213, %parallel_loop3A_214] {strides = array<i32>} : memref<128x80xf32, #tpu.memory_space<vmem>>, vector<16xf32>,
        tpu.vector_store %arg10[%parallel_loop3A_213, %parallel_loop3A_214], %parallel_loop3A_212 {strides = array<i32>} : memref<128x80xf32, #tpu.memory_space<vmem>>, vector<16xf32>,
      } {sc.loop_unroll_factor = 4 : i64, sc.parallel_access}
      "tpu.region"() ({
        %run_scoped3A = tpu.sem_alloc : memref<!tpu.dma_semaphore, #tpu.memory_space<semaphore_mem>>
        %dma_start3A_106 = arith.constant 0 : i32
        %dma_start3A_107 = tpu.memref_slice %arg13[%scan3A_63, %dma_start3A_106] : memref<162x128xi32, #tpu.memory_space<vmem>> -> memref<1x128xi32, #tpu.memory_space<vmem>>
        %dma_start3A_108 = tpu.memref_squeeze %dma_start3A_107 : memref<1x128xi32, #tpu.memory_space<vmem>> -> memref<128xi32, #tpu.memory_space<vmem>>
        %dma_start3A_109 = arith.constant 0 : i32
        %dma_start3A_110 = arith.constant 0 : i32
        %dma_start3A_111 = tpu.memref_slice %arg14[%dma_start3A_109, %dma_start3A_110] : memref<10240x80xf32, #tpu.memory_space<vmem_shared>> -> memref<10240x80xf32, #tpu.memory_space<vmem_shared>>
        tpu.enqueue_indirect_dma source(%arg10 : memref<128x80xf32, #tpu.memory_space<vmem>>) target(%dma_start3A_111 : memref<10240x80xf32, #tpu.memory_space<vmem_shared>>) offsets(%dma_start3A_108 : memref<128xi32, #tpu.memory_space<vmem>>) semaphore(%run_scoped3A : memref<!tpu.dma_semaphore, #tpu.memory_space<semaphore_mem>>) {add = true}
        %dma_wait3A_112 = arith.constant 0 : i32
        %dma_wait3A_113 = tpu.memref_slice %arg13[%scan3A_63, %dma_wait3A_112] : memref<162x128xi32, #tpu.memory_space<vmem>> -> memref<1x128xi32, #tpu.memory_space<vmem>>
        %dma_wait3A_114 = tpu.memref_squeeze %dma_wait3A_113 : memref<1x128xi32, #tpu.memory_space<vmem>> -> memref<128xi32, #tpu.memory_space<vmem>>
        %dma_wait3A_115 = arith.constant 0 : i32
        %dma_wait3A_116 = arith.constant 0 : i32
        %dma_wait3A_117 = tpu.memref_slice %arg14[%dma_wait3A_115, %dma_wait3A_116] : memref<10240x80xf32, #tpu.memory_space<vmem_shared>> -> memref<10240x80xf32, #tpu.memory_space<vmem_shared>>
        tpu.wait_indirect_dma semaphore(%run_scoped3A : memref<!tpu.dma_semaphore, #tpu.memory_space<semaphore_mem>>) src(%arg10 : memref<128x80xf32, #tpu.memory_space<vmem>>) dst(%dma_wait3A_117 : memref<10240x80xf32, #tpu.memory_space<vmem_shared>>)
        tpu.yield
      }) : () -> ()
      %scan3A_105 = arith.constant 0 : i32
      scf.yield %scan3A_105 : i32
    }
    %scan3A_51 = arith.constant 162 : i32
    %barrier3A_52 = arith.constant 0 : index
    tpu.barrier barrier_id(%barrier3A_52)
    %add3A_53 = arith.constant 0 : i32
    %add3A_54 = arith.addi %mul3A_6, %add3A_53 : i32
    "tpu.region"() ({
      %run_scoped3A = tpu.sem_alloc : memref<!tpu.dma_semaphore, #tpu.memory_space<semaphore_mem>>
      %dma_start3A = arith.constant 0 : i32
      %dma_start3A_63 = tpu.memref_slice %arg7[%arg0, %add3A_54, %dma_start3A] : memref<2x10240x80xf32, #tpu.memory_space<hbm>> -> memref<1x128x80xf32, #tpu.memory_space<hbm>>
      %dma_start3A_64 = tpu.memref_squeeze %dma_start3A_63 : memref<1x128x80xf32, #tpu.memory_space<hbm>> -> memref<128x80xf32, #tpu.memory_space<hbm>>
      %dma_start3A_65 = arith.constant 0 : i32
      %dma_start3A_66 = tpu.memref_slice %arg14[%add3A_54, %dma_start3A_65] : memref<10240x80xf32, #tpu.memory_space<vmem_shared>> -> memref<128x80xf32, #tpu.memory_space<vmem_shared>>
      tpu.enqueue_dma source(%dma_start3A_66 : memref<128x80xf32, #tpu.memory_space<vmem_shared>>) target(%dma_start3A_64 : memref<128x80xf32, #tpu.memory_space<hbm>>) target_semaphore(%run_scoped3A : memref<!tpu.dma_semaphore, #tpu.memory_space<semaphore_mem>>)
      %dma_wait3A = arith.constant 0 : i32
      %dma_wait3A_67 = tpu.memref_slice %arg7[%arg0, %add3A_54, %dma_wait3A] : memref<2x10240x80xf32, #tpu.memory_space<hbm>> -> memref<1x128x80xf32, #tpu.memory_space<hbm>>
      %dma_wait3A_68 = tpu.memref_squeeze %dma_wait3A_67 : memref<1x128x80xf32, #tpu.memory_space<hbm>> -> memref<128x80xf32, #tpu.memory_space<hbm>>
      %dma_wait3A_69 = arith.constant 0 : i32
      %dma_wait3A_70 = tpu.memref_slice %arg14[%add3A_54, %dma_wait3A_69] : memref<10240x80xf32, #tpu.memory_space<vmem_shared>> -> memref<128x80xf32, #tpu.memory_space<vmem_shared>>
      tpu.wait_dma2 semaphore(%run_scoped3A : memref<!tpu.dma_semaphore, #tpu.memory_space<semaphore_mem>>) src(%dma_wait3A_70 : memref<128x80xf32, #tpu.memory_space<vmem_shared>>) dst(%dma_wait3A_68 : memref<128x80xf32, #tpu.memory_space<hbm>>)
      tpu.yield
    }) : () -> ()
    %add3A_55 = arith.constant 128 : i32
    %add3A_56 = arith.addi %mul3A_6, %add3A_55 : i32
    "tpu.region"() ({
      %run_scoped3A = tpu.sem_alloc : memref<!tpu.dma_semaphore, #tpu.memory_space<semaphore_mem>>
      %dma_start3A = arith.constant 0 : i32
      %dma_start3A_63 = tpu.memref_slice %arg7[%arg0, %add3A_56, %dma_start3A] : memref<2x10240x80xf32, #tpu.memory_space<hbm>> -> memref<1x128x80xf32, #tpu.memory_space<hbm>>
      %dma_start3A_64 = tpu.memref_squeeze %dma_start3A_63 : memref<1x128x80xf32, #tpu.memory_space<hbm>> -> memref<128x80xf32, #tpu.memory_space<hbm>>
      %dma_start3A_65 = arith.constant 0 : i32
      %dma_start3A_66 = tpu.memref_slice %arg14[%add3A_56, %dma_start3A_65] : memref<10240x80xf32, #tpu.memory_space<vmem_shared>> -> memref<128x80xf32, #tpu.memory_space<vmem_shared>>
      tpu.enqueue_dma source(%dma_start3A_66 : memref<128x80xf32, #tpu.memory_space<vmem_shared>>) target(%dma_start3A_64 : memref<128x80xf32, #tpu.memory_space<hbm>>) target_semaphore(%run_scoped3A : memref<!tpu.dma_semaphore, #tpu.memory_space<semaphore_mem>>)
      %dma_wait3A = arith.constant 0 : i32
      %dma_wait3A_67 = tpu.memref_slice %arg7[%arg0, %add3A_56, %dma_wait3A] : memref<2x10240x80xf32, #tpu.memory_space<hbm>> -> memref<1x128x80xf32, #tpu.memory_space<hbm>>
      %dma_wait3A_68 = tpu.memref_squeeze %dma_wait3A_67 : memref<1x128x80xf32, #tpu.memory_space<hbm>> -> memref<128x80xf32, #tpu.memory_space<hbm>>
      %dma_wait3A_69 = arith.constant 0 : i32
      %dma_wait3A_70 = tpu.memref_slice %arg14[%add3A_56, %dma_wait3A_69] : memref<10240x80xf32, #tpu.memory_space<vmem_shared>> -> memref<128x80xf32, #tpu.memory_space<vmem_shared>>
      tpu.wait_dma2 semaphore(%run_scoped3A : memref<!tpu.dma_semaphore, #tpu.memory_space<semaphore_mem>>) src(%dma_wait3A_70 : memref<128x80xf32, #tpu.memory_space<vmem_shared>>) dst(%dma_wait3A_68 : memref<128x80xf32, #tpu.memory_space<hbm>>)
      tpu.yield
    }) : () -> ()
    %add3A_57 = arith.constant 256 : i32
    %add3A_58 = arith.addi %mul3A_6, %add3A_57 : i32
    "tpu.region"() ({
      %run_scoped3A = tpu.sem_alloc : memref<!tpu.dma_semaphore, #tpu.memory_space<semaphore_mem>>
      %dma_start3A = arith.constant 0 : i32
      %dma_start3A_63 = tpu.memref_slice %arg7[%arg0, %add3A_58, %dma_start3A] : memref<2x10240x80xf32, #tpu.memory_space<hbm>> -> memref<1x128x80xf32, #tpu.memory_space<hbm>>
      %dma_start3A_64 = tpu.memref_squeeze %dma_start3A_63 : memref<1x128x80xf32, #tpu.memory_space<hbm>> -> memref<128x80xf32, #tpu.memory_space<hbm>>
      %dma_start3A_65 = arith.constant 0 : i32
      %dma_start3A_66 = tpu.memref_slice %arg14[%add3A_58, %dma_start3A_65] : memref<10240x80xf32, #tpu.memory_space<vmem_shared>> -> memref<128x80xf32, #tpu.memory_space<vmem_shared>>
      tpu.enqueue_dma source(%dma_start3A_66 : memref<128x80xf32, #tpu.memory_space<vmem_shared>>) target(%dma_start3A_64 : memref<128x80xf32, #tpu.memory_space<hbm>>) target_semaphore(%run_scoped3A : memref<!tpu.dma_semaphore, #tpu.memory_space<semaphore_mem>>)
      %dma_wait3A = arith.constant 0 : i32
      %dma_wait3A_67 = tpu.memref_slice %arg7[%arg0, %add3A_58, %dma_wait3A] : memref<2x10240x80xf32, #tpu.memory_space<hbm>> -> memref<1x128x80xf32, #tpu.memory_space<hbm>>
      %dma_wait3A_68 = tpu.memref_squeeze %dma_wait3A_67 : memref<1x128x80xf32, #tpu.memory_space<hbm>> -> memref<128x80xf32, #tpu.memory_space<hbm>>
      %dma_wait3A_69 = arith.constant 0 : i32
      %dma_wait3A_70 = tpu.memref_slice %arg14[%add3A_58, %dma_wait3A_69] : memref<10240x80xf32, #tpu.memory_space<vmem_shared>> -> memref<128x80xf32, #tpu.memory_space<vmem_shared>>
      tpu.wait_dma2 semaphore(%run_scoped3A : memref<!tpu.dma_semaphore, #tpu.memory_space<semaphore_mem>>) src(%dma_wait3A_70 : memref<128x80xf32, #tpu.memory_space<vmem_shared>>) dst(%dma_wait3A_68 : memref<128x80xf32, #tpu.memory_space<hbm>>)
      tpu.yield
    }) : () -> ()
    %add3A_59 = arith.constant 384 : i32
    %add3A_60 = arith.addi %mul3A_6, %add3A_59 : i32
    "tpu.region"() ({
      %run_scoped3A = tpu.sem_alloc : memref<!tpu.dma_semaphore, #tpu.memory_space<semaphore_mem>>
      %dma_start3A = arith.constant 0 : i32
      %dma_start3A_63 = tpu.memref_slice %arg7[%arg0, %add3A_60, %dma_start3A] : memref<2x10240x80xf32, #tpu.memory_space<hbm>> -> memref<1x128x80xf32, #tpu.memory_space<hbm>>
      %dma_start3A_64 = tpu.memref_squeeze %dma_start3A_63 : memref<1x128x80xf32, #tpu.memory_space<hbm>> -> memref<128x80xf32, #tpu.memory_space<hbm>>
      %dma_start3A_65 = arith.constant 0 : i32
      %dma_start3A_66 = tpu.memref_slice %arg14[%add3A_60, %dma_start3A_65] : memref<10240x80xf32, #tpu.memory_space<vmem_shared>> -> memref<128x80xf32, #tpu.memory_space<vmem_shared>>
      tpu.enqueue_dma source(%dma_start3A_66 : memref<128x80xf32, #tpu.memory_space<vmem_shared>>) target(%dma_start3A_64 : memref<128x80xf32, #tpu.memory_space<hbm>>) target_semaphore(%run_scoped3A : memref<!tpu.dma_semaphore, #tpu.memory_space<semaphore_mem>>)
      %dma_wait3A = arith.constant 0 : i32
      %dma_wait3A_67 = tpu.memref_slice %arg7[%arg0, %add3A_60, %dma_wait3A] : memref<2x10240x80xf32, #tpu.memory_space<hbm>> -> memref<1x128x80xf32, #tpu.memory_space<hbm>>
      %dma_wait3A_68 = tpu.memref_squeeze %dma_wait3A_67 : memref<1x128x80xf32, #tpu.memory_space<hbm>> -> memref<128x80xf32, #tpu.memory_space<hbm>>
      %dma_wait3A_69 = arith.constant 0 : i32
      %dma_wait3A_70 = tpu.memref_slice %arg14[%add3A_60, %dma_wait3A_69] : memref<10240x80xf32, #tpu.memory_space<vmem_shared>> -> memref<128x80xf32, #tpu.memory_space<vmem_shared>>
      tpu.wait_dma2 semaphore(%run_scoped3A : memref<!tpu.dma_semaphore, #tpu.memory_space<semaphore_mem>>) src(%dma_wait3A_70 : memref<128x80xf32, #tpu.memory_space<vmem_shared>>) dst(%dma_wait3A_68 : memref<128x80xf32, #tpu.memory_space<hbm>>)
      tpu.yield
    }) : () -> ()
    %add3A_61 = arith.constant 512 : i32
    %add3A_62 = arith.addi %mul3A_6, %add3A_61 : i32
    "tpu.region"() ({
      %run_scoped3A = tpu.sem_alloc : memref<!tpu.dma_semaphore, #tpu.memory_space<semaphore_mem>>
      %dma_start3A = arith.constant 0 : i32
      %dma_start3A_63 = tpu.memref_slice %arg7[%arg0, %add3A_62, %dma_start3A] : memref<2x10240x80xf32, #tpu.memory_space<hbm>> -> memref<1x128x80xf32, #tpu.memory_space<hbm>>
      %dma_start3A_64 = tpu.memref_squeeze %dma_start3A_63 : memref<1x128x80xf32, #tpu.memory_space<hbm>> -> memref<128x80xf32, #tpu.memory_space<hbm>>
      %dma_start3A_65 = arith.constant 0 : i32
      %dma_start3A_66 = tpu.memref_slice %arg14[%add3A_62, %dma_start3A_65] : memref<10240x80xf32, #tpu.memory_space<vmem_shared>> -> memref<128x80xf32, #tpu.memory_space<vmem_shared>>
      tpu.enqueue_dma source(%dma_start3A_66 : memref<128x80xf32, #tpu.memory_space<vmem_shared>>) target(%dma_start3A_64 : memref<128x80xf32, #tpu.memory_space<hbm>>) target_semaphore(%run_scoped3A : memref<!tpu.dma_semaphore, #tpu.memory_space<semaphore_mem>>)
      %dma_wait3A = arith.constant 0 : i32
      %dma_wait3A_67 = tpu.memref_slice %arg7[%arg0, %add3A_62, %dma_wait3A] : memref<2x10240x80xf32, #tpu.memory_space<hbm>> -> memref<1x128x80xf32, #tpu.memory_space<hbm>>
      %dma_wait3A_68 = tpu.memref_squeeze %dma_wait3A_67 : memref<1x128x80xf32, #tpu.memory_space<hbm>> -> memref<128x80xf32, #tpu.memory_space<hbm>>
      %dma_wait3A_69 = arith.constant 0 : i32
      %dma_wait3A_70 = tpu.memref_slice %arg14[%add3A_62, %dma_wait3A_69] : memref<10240x80xf32, #tpu.memory_space<vmem_shared>> -> memref<128x80xf32, #tpu.memory_space<vmem_shared>>
      tpu.wait_dma2 semaphore(%run_scoped3A : memref<!tpu.dma_semaphore, #tpu.memory_space<semaphore_mem>>) src(%dma_wait3A_70 : memref<128x80xf32, #tpu.memory_space<vmem_shared>>) dst(%dma_wait3A_68 : memref<128x80xf32, #tpu.memory_space<hbm>>)
      tpu.yield
    }) : () -> ()
    return
  }
}

#map = affine_map<(d0, d1) -> (0, 0)>
#map1 = affine_map<(d0, d1) -> (0, 0, 0)>
module attributes {stable_mosaic.version = 14 : i64} {
  func.func @edge_kernel(%arg0: i32, %arg1: i32, %arg2: memref<10000x64xf32, #tpu.memory_space<hbm>>, %arg3: memref<10000x64xf32, #tpu.memory_space<hbm>>, %arg4: memref<4x16xf32, #tpu.memory_space<hbm>>, %arg5: memref<32x81x128xi32, #tpu.memory_space<hbm>>, %arg6: memref<32x81x128xi32, #tpu.memory_space<hbm>>, %arg7: memref<2x10240x80xf32, #tpu.memory_space<hbm>>, %arg8: memref<128x64xf32, #tpu.memory_space<vmem>>, %arg9: memref<128x64xf32, #tpu.memory_space<vmem>>, %arg10: memref<128x80xf32, #tpu.memory_space<vmem>>, %arg11: memref<4x16xf32, #tpu.memory_space<vmem>>, %arg12: memref<81x128xi32, #tpu.memory_space<vmem>>, %arg13: memref<81x128xi32, #tpu.memory_space<vmem>>, %arg14: memref<10240x80xf32, #tpu.memory_space<vmem_shared>>, %arg15: memref<!tpu.dma_semaphore, #tpu.memory_space<semaphore_mem>>, %arg16: memref<!tpu.dma_semaphore, #tpu.memory_space<semaphore_mem>>) attributes {dimension_semantics = [#tpu.dimension_semantics<core_parallel>, #tpu.dimension_semantics<subcore_parallel>], iteration_bounds = array<i64: 2, 16>, scalar_prefetch = 0 : i64, scratch_operands = 9 : i64, tpu.core_type = #tpu.core_type<sc_vector_subcore>, window_params = [{transform_indices = #map}, {transform_indices = #map}, {transform_indices = #map}, {transform_indices = #map1}, {transform_indices = #map1}, {transform_indices = #map1}]} {
    %mul3A = arith.constant 16 : i32
    %mul3A_0 = arith.muli %arg0, %mul3A : i32
    %add3A = arith.addi %mul3A_0, %arg1 : i32
    "tpu.region"() ({
      %run_scoped3A = tpu.sem_alloc : memref<!tpu.dma_semaphore, #tpu.memory_space<semaphore_mem>>
      %dma_start3A = arith.constant 0 : i32
      %dma_start3A_52 = arith.constant 0 : i32
      %dma_start3A_53 = tpu.memref_slice %arg5[%add3A, %dma_start3A, %dma_start3A_52] : memref<32x81x128xi32, #tpu.memory_space<hbm>> -> memref<1x81x128xi32, #tpu.memory_space<hbm>>
      %dma_start3A_54 = tpu.memref_squeeze %dma_start3A_53 : memref<1x81x128xi32, #tpu.memory_space<hbm>> -> memref<81x128xi32, #tpu.memory_space<hbm>>
      %dma_start3A_55 = arith.constant 0 : i32
      %dma_start3A_56 = arith.constant 0 : i32
      %dma_start3A_57 = tpu.memref_slice %arg5[%add3A, %dma_start3A_55, %dma_start3A_56] : memref<32x81x128xi32, #tpu.memory_space<hbm>> -> memref<1x81x128xi32, #tpu.memory_space<hbm>>
      %dma_start3A_58 = tpu.memref_squeeze %dma_start3A_57 : memref<1x81x128xi32, #tpu.memory_space<hbm>> -> memref<81x128xi32, #tpu.memory_space<hbm>>
      tpu.enqueue_dma source(%dma_start3A_58 : memref<81x128xi32, #tpu.memory_space<hbm>>) target(%arg12 : memref<81x128xi32, #tpu.memory_space<vmem>>) target_semaphore(%run_scoped3A : memref<!tpu.dma_semaphore, #tpu.memory_space<semaphore_mem>>)
      %dma_wait3A = arith.constant 0 : i32
      %dma_wait3A_59 = arith.constant 0 : i32
      %dma_wait3A_60 = tpu.memref_slice %arg5[%add3A, %dma_wait3A, %dma_wait3A_59] : memref<32x81x128xi32, #tpu.memory_space<hbm>> -> memref<1x81x128xi32, #tpu.memory_space<hbm>>
      %dma_wait3A_61 = tpu.memref_squeeze %dma_wait3A_60 : memref<1x81x128xi32, #tpu.memory_space<hbm>> -> memref<81x128xi32, #tpu.memory_space<hbm>>
      %dma_wait3A_62 = arith.constant 0 : i32
      %dma_wait3A_63 = arith.constant 0 : i32
      %dma_wait3A_64 = tpu.memref_slice %arg5[%add3A, %dma_wait3A_62, %dma_wait3A_63] : memref<32x81x128xi32, #tpu.memory_space<hbm>> -> memref<1x81x128xi32, #tpu.memory_space<hbm>>
      %dma_wait3A_65 = tpu.memref_squeeze %dma_wait3A_64 : memref<1x81x128xi32, #tpu.memory_space<hbm>> -> memref<81x128xi32, #tpu.memory_space<hbm>>
      tpu.wait_dma2 semaphore(%run_scoped3A : memref<!tpu.dma_semaphore, #tpu.memory_space<semaphore_mem>>) src(%dma_wait3A_65 : memref<81x128xi32, #tpu.memory_space<hbm>>) dst(%arg12 : memref<81x128xi32, #tpu.memory_space<vmem>>)
      tpu.yield
    }) : () -> ()
    "tpu.region"() ({
      %run_scoped3A = tpu.sem_alloc : memref<!tpu.dma_semaphore, #tpu.memory_space<semaphore_mem>>
      %dma_start3A = arith.constant 0 : i32
      %dma_start3A_52 = arith.constant 0 : i32
      %dma_start3A_53 = tpu.memref_slice %arg6[%add3A, %dma_start3A, %dma_start3A_52] : memref<32x81x128xi32, #tpu.memory_space<hbm>> -> memref<1x81x128xi32, #tpu.memory_space<hbm>>
      %dma_start3A_54 = tpu.memref_squeeze %dma_start3A_53 : memref<1x81x128xi32, #tpu.memory_space<hbm>> -> memref<81x128xi32, #tpu.memory_space<hbm>>
      %dma_start3A_55 = arith.constant 0 : i32
      %dma_start3A_56 = arith.constant 0 : i32
      %dma_start3A_57 = tpu.memref_slice %arg6[%add3A, %dma_start3A_55, %dma_start3A_56] : memref<32x81x128xi32, #tpu.memory_space<hbm>> -> memref<1x81x128xi32, #tpu.memory_space<hbm>>
      %dma_start3A_58 = tpu.memref_squeeze %dma_start3A_57 : memref<1x81x128xi32, #tpu.memory_space<hbm>> -> memref<81x128xi32, #tpu.memory_space<hbm>>
      tpu.enqueue_dma source(%dma_start3A_58 : memref<81x128xi32, #tpu.memory_space<hbm>>) target(%arg13 : memref<81x128xi32, #tpu.memory_space<vmem>>) target_semaphore(%run_scoped3A : memref<!tpu.dma_semaphore, #tpu.memory_space<semaphore_mem>>)
      %dma_wait3A = arith.constant 0 : i32
      %dma_wait3A_59 = arith.constant 0 : i32
      %dma_wait3A_60 = tpu.memref_slice %arg6[%add3A, %dma_wait3A, %dma_wait3A_59] : memref<32x81x128xi32, #tpu.memory_space<hbm>> -> memref<1x81x128xi32, #tpu.memory_space<hbm>>
      %dma_wait3A_61 = tpu.memref_squeeze %dma_wait3A_60 : memref<1x81x128xi32, #tpu.memory_space<hbm>> -> memref<81x128xi32, #tpu.memory_space<hbm>>
      %dma_wait3A_62 = arith.constant 0 : i32
      %dma_wait3A_63 = arith.constant 0 : i32
      %dma_wait3A_64 = tpu.memref_slice %arg6[%add3A, %dma_wait3A_62, %dma_wait3A_63] : memref<32x81x128xi32, #tpu.memory_space<hbm>> -> memref<1x81x128xi32, #tpu.memory_space<hbm>>
      %dma_wait3A_65 = tpu.memref_squeeze %dma_wait3A_64 : memref<1x81x128xi32, #tpu.memory_space<hbm>> -> memref<81x128xi32, #tpu.memory_space<hbm>>
      tpu.wait_dma2 semaphore(%run_scoped3A : memref<!tpu.dma_semaphore, #tpu.memory_space<semaphore_mem>>) src(%dma_wait3A_65 : memref<81x128xi32, #tpu.memory_space<hbm>>) dst(%arg13 : memref<81x128xi32, #tpu.memory_space<vmem>>)
      tpu.yield
    }) : () -> ()
    "tpu.region"() ({
      %run_scoped3A = tpu.sem_alloc : memref<!tpu.dma_semaphore, #tpu.memory_space<semaphore_mem>>
      tpu.enqueue_dma source(%arg4 : memref<4x16xf32, #tpu.memory_space<hbm>>) target(%arg11 : memref<4x16xf32, #tpu.memory_space<vmem>>) target_semaphore(%run_scoped3A : memref<!tpu.dma_semaphore, #tpu.memory_space<semaphore_mem>>)
      tpu.wait_dma2 semaphore(%run_scoped3A : memref<!tpu.dma_semaphore, #tpu.memory_space<semaphore_mem>>) src(%arg4 : memref<4x16xf32, #tpu.memory_space<hbm>>) dst(%arg11 : memref<4x16xf32, #tpu.memory_space<vmem>>)
      tpu.yield
    }) : () -> ()
    %scan3A = arith.constant 0 : i32
    %scan3A_1 = arith.constant 0 : i32
    %scan3A_2 = arith.constant 128 : i32
    %scan3A_3 = arith.addi %scan3A_1, %scan3A_2 : i32
    %scan3A_4 = arith.constant 1 : i32
    %scan3A_5 = scf.for %scan3A_52 = %scan3A_1 to %scan3A_3 step %scan3A_4 iter_args(%scan3A_53 = %scan3A) -> (i32)  : i32 {
      %broadcast_in_dim3A = arith.constant 0.000000e+00 : f32
      %broadcast_in_dim3A_54 = vector.broadcast %broadcast_in_dim3A : f32 to vector<16xf32>
      %swap3A = arith.index_cast %scan3A_52 : i32 to index
      %swap3A_55 = arith.constant 0 : index
      %swap3A_56 = tpu.vector_load %arg10[%swap3A, %swap3A_55] {strides = array<i32>} : memref<128x80xf32, #tpu.memory_space<vmem>>, vector<16xf32>,
      tpu.vector_store %arg10[%swap3A, %swap3A_55], %broadcast_in_dim3A_54 {strides = array<i32>} : memref<128x80xf32, #tpu.memory_space<vmem>>, vector<16xf32>,
      %broadcast_in_dim3A_57 = arith.constant 0.000000e+00 : f32
      %broadcast_in_dim3A_58 = vector.broadcast %broadcast_in_dim3A_57 : f32 to vector<16xf32>
      %swap3A_59 = arith.index_cast %scan3A_52 : i32 to index
      %swap3A_60 = arith.constant 16 : index
      %swap3A_61 = tpu.vector_load %arg10[%swap3A_59, %swap3A_60] {strides = array<i32>} : memref<128x80xf32, #tpu.memory_space<vmem>>, vector<16xf32>,
      tpu.vector_store %arg10[%swap3A_59, %swap3A_60], %broadcast_in_dim3A_58 {strides = array<i32>} : memref<128x80xf32, #tpu.memory_space<vmem>>, vector<16xf32>,
      %broadcast_in_dim3A_62 = arith.constant 0.000000e+00 : f32
      %broadcast_in_dim3A_63 = vector.broadcast %broadcast_in_dim3A_62 : f32 to vector<16xf32>
      %swap3A_64 = arith.index_cast %scan3A_52 : i32 to index
      %swap3A_65 = arith.constant 32 : index
      %swap3A_66 = tpu.vector_load %arg10[%swap3A_64, %swap3A_65] {strides = array<i32>} : memref<128x80xf32, #tpu.memory_space<vmem>>, vector<16xf32>,
      tpu.vector_store %arg10[%swap3A_64, %swap3A_65], %broadcast_in_dim3A_63 {strides = array<i32>} : memref<128x80xf32, #tpu.memory_space<vmem>>, vector<16xf32>,
      %broadcast_in_dim3A_67 = arith.constant 0.000000e+00 : f32
      %broadcast_in_dim3A_68 = vector.broadcast %broadcast_in_dim3A_67 : f32 to vector<16xf32>
      %swap3A_69 = arith.index_cast %scan3A_52 : i32 to index
      %swap3A_70 = arith.constant 48 : index
      %swap3A_71 = tpu.vector_load %arg10[%swap3A_69, %swap3A_70] {strides = array<i32>} : memref<128x80xf32, #tpu.memory_space<vmem>>, vector<16xf32>,
      tpu.vector_store %arg10[%swap3A_69, %swap3A_70], %broadcast_in_dim3A_68 {strides = array<i32>} : memref<128x80xf32, #tpu.memory_space<vmem>>, vector<16xf32>,
      %broadcast_in_dim3A_72 = arith.constant 0.000000e+00 : f32
      %broadcast_in_dim3A_73 = vector.broadcast %broadcast_in_dim3A_72 : f32 to vector<16xf32>
      %swap3A_74 = arith.index_cast %scan3A_52 : i32 to index
      %swap3A_75 = arith.constant 64 : index
      %swap3A_76 = tpu.vector_load %arg10[%swap3A_74, %swap3A_75] {strides = array<i32>} : memref<128x80xf32, #tpu.memory_space<vmem>>, vector<16xf32>,
      tpu.vector_store %arg10[%swap3A_74, %swap3A_75], %broadcast_in_dim3A_73 {strides = array<i32>} : memref<128x80xf32, #tpu.memory_space<vmem>>, vector<16xf32>,
      %scan3A_77 = arith.constant 0 : i32
      scf.yield %scan3A_77 : i32
    }
    %scan3A_6 = arith.constant 128 : i32
    %mul3A_7 = arith.constant 640 : i32
    %mul3A_8 = arith.muli %arg1, %mul3A_7 : i32
    %add3A_9 = arith.constant 0 : i32
    %add3A_10 = arith.addi %mul3A_8, %add3A_9 : i32
    "tpu.region"() ({
      %run_scoped3A = tpu.sem_alloc : memref<!tpu.dma_semaphore, #tpu.memory_space<semaphore_mem>>
      %dma_start3A = arith.constant 0 : i32
      %dma_start3A_52 = tpu.memref_slice %arg14[%add3A_10, %dma_start3A] : memref<10240x80xf32, #tpu.memory_space<vmem_shared>> -> memref<128x80xf32, #tpu.memory_space<vmem_shared>>
      %dma_start3A_53 = arith.constant 0 : i32
      %dma_start3A_54 = tpu.memref_slice %arg14[%add3A_10, %dma_start3A_53] : memref<10240x80xf32, #tpu.memory_space<vmem_shared>> -> memref<128x80xf32, #tpu.memory_space<vmem_shared>>
      tpu.enqueue_dma source(%arg10 : memref<128x80xf32, #tpu.memory_space<vmem>>) target(%dma_start3A_54 : memref<128x80xf32, #tpu.memory_space<vmem_shared>>) target_semaphore(%run_scoped3A : memref<!tpu.dma_semaphore, #tpu.memory_space<semaphore_mem>>)
      %dma_wait3A = arith.constant 0 : i32
      %dma_wait3A_55 = tpu.memref_slice %arg14[%add3A_10, %dma_wait3A] : memref<10240x80xf32, #tpu.memory_space<vmem_shared>> -> memref<128x80xf32, #tpu.memory_space<vmem_shared>>
      %dma_wait3A_56 = arith.constant 0 : i32
      %dma_wait3A_57 = tpu.memref_slice %arg14[%add3A_10, %dma_wait3A_56] : memref<10240x80xf32, #tpu.memory_space<vmem_shared>> -> memref<128x80xf32, #tpu.memory_space<vmem_shared>>
      tpu.wait_dma2 semaphore(%run_scoped3A : memref<!tpu.dma_semaphore, #tpu.memory_space<semaphore_mem>>) src(%arg10 : memref<128x80xf32, #tpu.memory_space<vmem>>) dst(%dma_wait3A_57 : memref<128x80xf32, #tpu.memory_space<vmem_shared>>)
      tpu.yield
    }) : () -> ()
    %add3A_11 = arith.constant 128 : i32
    %add3A_12 = arith.addi %mul3A_8, %add3A_11 : i32
    "tpu.region"() ({
      %run_scoped3A = tpu.sem_alloc : memref<!tpu.dma_semaphore, #tpu.memory_space<semaphore_mem>>
      %dma_start3A = arith.constant 0 : i32
      %dma_start3A_52 = tpu.memref_slice %arg14[%add3A_12, %dma_start3A] : memref<10240x80xf32, #tpu.memory_space<vmem_shared>> -> memref<128x80xf32, #tpu.memory_space<vmem_shared>>
      %dma_start3A_53 = arith.constant 0 : i32
      %dma_start3A_54 = tpu.memref_slice %arg14[%add3A_12, %dma_start3A_53] : memref<10240x80xf32, #tpu.memory_space<vmem_shared>> -> memref<128x80xf32, #tpu.memory_space<vmem_shared>>
      tpu.enqueue_dma source(%arg10 : memref<128x80xf32, #tpu.memory_space<vmem>>) target(%dma_start3A_54 : memref<128x80xf32, #tpu.memory_space<vmem_shared>>) target_semaphore(%run_scoped3A : memref<!tpu.dma_semaphore, #tpu.memory_space<semaphore_mem>>)
      %dma_wait3A = arith.constant 0 : i32
      %dma_wait3A_55 = tpu.memref_slice %arg14[%add3A_12, %dma_wait3A] : memref<10240x80xf32, #tpu.memory_space<vmem_shared>> -> memref<128x80xf32, #tpu.memory_space<vmem_shared>>
      %dma_wait3A_56 = arith.constant 0 : i32
      %dma_wait3A_57 = tpu.memref_slice %arg14[%add3A_12, %dma_wait3A_56] : memref<10240x80xf32, #tpu.memory_space<vmem_shared>> -> memref<128x80xf32, #tpu.memory_space<vmem_shared>>
      tpu.wait_dma2 semaphore(%run_scoped3A : memref<!tpu.dma_semaphore, #tpu.memory_space<semaphore_mem>>) src(%arg10 : memref<128x80xf32, #tpu.memory_space<vmem>>) dst(%dma_wait3A_57 : memref<128x80xf32, #tpu.memory_space<vmem_shared>>)
      tpu.yield
    }) : () -> ()
    %add3A_13 = arith.constant 256 : i32
    %add3A_14 = arith.addi %mul3A_8, %add3A_13 : i32
    "tpu.region"() ({
      %run_scoped3A = tpu.sem_alloc : memref<!tpu.dma_semaphore, #tpu.memory_space<semaphore_mem>>
      %dma_start3A = arith.constant 0 : i32
      %dma_start3A_52 = tpu.memref_slice %arg14[%add3A_14, %dma_start3A] : memref<10240x80xf32, #tpu.memory_space<vmem_shared>> -> memref<128x80xf32, #tpu.memory_space<vmem_shared>>
      %dma_start3A_53 = arith.constant 0 : i32
      %dma_start3A_54 = tpu.memref_slice %arg14[%add3A_14, %dma_start3A_53] : memref<10240x80xf32, #tpu.memory_space<vmem_shared>> -> memref<128x80xf32, #tpu.memory_space<vmem_shared>>
      tpu.enqueue_dma source(%arg10 : memref<128x80xf32, #tpu.memory_space<vmem>>) target(%dma_start3A_54 : memref<128x80xf32, #tpu.memory_space<vmem_shared>>) target_semaphore(%run_scoped3A : memref<!tpu.dma_semaphore, #tpu.memory_space<semaphore_mem>>)
      %dma_wait3A = arith.constant 0 : i32
      %dma_wait3A_55 = tpu.memref_slice %arg14[%add3A_14, %dma_wait3A] : memref<10240x80xf32, #tpu.memory_space<vmem_shared>> -> memref<128x80xf32, #tpu.memory_space<vmem_shared>>
      %dma_wait3A_56 = arith.constant 0 : i32
      %dma_wait3A_57 = tpu.memref_slice %arg14[%add3A_14, %dma_wait3A_56] : memref<10240x80xf32, #tpu.memory_space<vmem_shared>> -> memref<128x80xf32, #tpu.memory_space<vmem_shared>>
      tpu.wait_dma2 semaphore(%run_scoped3A : memref<!tpu.dma_semaphore, #tpu.memory_space<semaphore_mem>>) src(%arg10 : memref<128x80xf32, #tpu.memory_space<vmem>>) dst(%dma_wait3A_57 : memref<128x80xf32, #tpu.memory_space<vmem_shared>>)
      tpu.yield
    }) : () -> ()
    %add3A_15 = arith.constant 384 : i32
    %add3A_16 = arith.addi %mul3A_8, %add3A_15 : i32
    "tpu.region"() ({
      %run_scoped3A = tpu.sem_alloc : memref<!tpu.dma_semaphore, #tpu.memory_space<semaphore_mem>>
      %dma_start3A = arith.constant 0 : i32
      %dma_start3A_52 = tpu.memref_slice %arg14[%add3A_16, %dma_start3A] : memref<10240x80xf32, #tpu.memory_space<vmem_shared>> -> memref<128x80xf32, #tpu.memory_space<vmem_shared>>
      %dma_start3A_53 = arith.constant 0 : i32
      %dma_start3A_54 = tpu.memref_slice %arg14[%add3A_16, %dma_start3A_53] : memref<10240x80xf32, #tpu.memory_space<vmem_shared>> -> memref<128x80xf32, #tpu.memory_space<vmem_shared>>
      tpu.enqueue_dma source(%arg10 : memref<128x80xf32, #tpu.memory_space<vmem>>) target(%dma_start3A_54 : memref<128x80xf32, #tpu.memory_space<vmem_shared>>) target_semaphore(%run_scoped3A : memref<!tpu.dma_semaphore, #tpu.memory_space<semaphore_mem>>)
      %dma_wait3A = arith.constant 0 : i32
      %dma_wait3A_55 = tpu.memref_slice %arg14[%add3A_16, %dma_wait3A] : memref<10240x80xf32, #tpu.memory_space<vmem_shared>> -> memref<128x80xf32, #tpu.memory_space<vmem_shared>>
      %dma_wait3A_56 = arith.constant 0 : i32
      %dma_wait3A_57 = tpu.memref_slice %arg14[%add3A_16, %dma_wait3A_56] : memref<10240x80xf32, #tpu.memory_space<vmem_shared>> -> memref<128x80xf32, #tpu.memory_space<vmem_shared>>
      tpu.wait_dma2 semaphore(%run_scoped3A : memref<!tpu.dma_semaphore, #tpu.memory_space<semaphore_mem>>) src(%arg10 : memref<128x80xf32, #tpu.memory_space<vmem>>) dst(%dma_wait3A_57 : memref<128x80xf32, #tpu.memory_space<vmem_shared>>)
      tpu.yield
    }) : () -> ()
    %add3A_17 = arith.constant 512 : i32
    %add3A_18 = arith.addi %mul3A_8, %add3A_17 : i32
    "tpu.region"() ({
      %run_scoped3A = tpu.sem_alloc : memref<!tpu.dma_semaphore, #tpu.memory_space<semaphore_mem>>
      %dma_start3A = arith.constant 0 : i32
      %dma_start3A_52 = tpu.memref_slice %arg14[%add3A_18, %dma_start3A] : memref<10240x80xf32, #tpu.memory_space<vmem_shared>> -> memref<128x80xf32, #tpu.memory_space<vmem_shared>>
      %dma_start3A_53 = arith.constant 0 : i32
      %dma_start3A_54 = tpu.memref_slice %arg14[%add3A_18, %dma_start3A_53] : memref<10240x80xf32, #tpu.memory_space<vmem_shared>> -> memref<128x80xf32, #tpu.memory_space<vmem_shared>>
      tpu.enqueue_dma source(%arg10 : memref<128x80xf32, #tpu.memory_space<vmem>>) target(%dma_start3A_54 : memref<128x80xf32, #tpu.memory_space<vmem_shared>>) target_semaphore(%run_scoped3A : memref<!tpu.dma_semaphore, #tpu.memory_space<semaphore_mem>>)
      %dma_wait3A = arith.constant 0 : i32
      %dma_wait3A_55 = tpu.memref_slice %arg14[%add3A_18, %dma_wait3A] : memref<10240x80xf32, #tpu.memory_space<vmem_shared>> -> memref<128x80xf32, #tpu.memory_space<vmem_shared>>
      %dma_wait3A_56 = arith.constant 0 : i32
      %dma_wait3A_57 = tpu.memref_slice %arg14[%add3A_18, %dma_wait3A_56] : memref<10240x80xf32, #tpu.memory_space<vmem_shared>> -> memref<128x80xf32, #tpu.memory_space<vmem_shared>>
      tpu.wait_dma2 semaphore(%run_scoped3A : memref<!tpu.dma_semaphore, #tpu.memory_space<semaphore_mem>>) src(%arg10 : memref<128x80xf32, #tpu.memory_space<vmem>>) dst(%dma_wait3A_57 : memref<128x80xf32, #tpu.memory_space<vmem_shared>>)
      tpu.yield
    }) : () -> ()
    %barrier3A = arith.constant 0 : index
    tpu.barrier barrier_id(%barrier3A)
    %iota3A = tpu.iota {dimensions = array<i32: 0>} : vector<16xi32>
    %get3A = arith.constant 0 : i32
    %get3A_19 = arith.index_cast %get3A : i32 to index
    %get3A_20 = arith.constant 0 : index
    %get3A_21 = tpu.vector_load %arg11[%get3A_19, %get3A_20] {strides = array<i32>} : memref<4x16xf32, #tpu.memory_space<vmem>>, vector<16xf32>,
    %get3A_22 = arith.constant 1 : i32
    %get3A_23 = arith.index_cast %get3A_22 : i32 to index
    %get3A_24 = arith.constant 0 : index
    %get3A_25 = tpu.vector_load %arg11[%get3A_23, %get3A_24] {strides = array<i32>} : memref<4x16xf32, #tpu.memory_space<vmem>>, vector<16xf32>,
    %get3A_26 = arith.constant 2 : i32
    %get3A_27 = arith.index_cast %get3A_26 : i32 to index
    %get3A_28 = arith.constant 0 : index
    %get3A_29 = tpu.vector_load %arg11[%get3A_27, %get3A_28] {strides = array<i32>} : memref<4x16xf32, #tpu.memory_space<vmem>>, vector<16xf32>,
    %get3A_30 = arith.constant 3 : i32
    %get3A_31 = arith.index_cast %get3A_30 : i32 to index
    %get3A_32 = arith.constant 0 : index
    %get3A_33 = tpu.vector_load %arg11[%get3A_31, %get3A_32] {strides = array<i32>} : memref<4x16xf32, #tpu.memory_space<vmem>>, vector<16xf32>,
    %scan3A_34 = arith.constant 0 : i32
    %scan3A_35 = arith.constant 0 : i32
    %scan3A_36 = arith.constant 81 : i32
    %scan3A_37 = arith.addi %scan3A_35, %scan3A_36 : i32
    %scan3A_38 = arith.constant 1 : i32
    %scan3A_39 = scf.for %scan3A_52 = %scan3A_35 to %scan3A_37 step %scan3A_38 iter_args(%scan3A_53 = %scan3A_34) -> (i32)  : i32 {
      %dma_start3A = arith.constant 0 : i32
      %dma_start3A_54 = tpu.memref_slice %arg12[%scan3A_52, %dma_start3A] : memref<81x128xi32, #tpu.memory_space<vmem>> -> memref<1x128xi32, #tpu.memory_space<vmem>>
      %dma_start3A_55 = tpu.memref_squeeze %dma_start3A_54 : memref<1x128xi32, #tpu.memory_space<vmem>> -> memref<128xi32, #tpu.memory_space<vmem>>
      %dma_start3A_56 = arith.constant 0 : i32
      %dma_start3A_57 = arith.constant 0 : i32
      %dma_start3A_58 = tpu.memref_slice %arg2[%dma_start3A_56, %dma_start3A_57] : memref<10000x64xf32, #tpu.memory_space<hbm>> -> memref<10000x64xf32, #tpu.memory_space<hbm>>
      tpu.enqueue_indirect_dma source(%dma_start3A_58 : memref<10000x64xf32, #tpu.memory_space<hbm>>) target(%arg8 : memref<128x64xf32, #tpu.memory_space<vmem>>) offsets(%dma_start3A_55 : memref<128xi32, #tpu.memory_space<vmem>>) semaphore(%arg15 : memref<!tpu.dma_semaphore, #tpu.memory_space<semaphore_mem>>)
      %dma_start3A_59 = arith.constant 0 : i32
      %dma_start3A_60 = tpu.memref_slice %arg13[%scan3A_52, %dma_start3A_59] : memref<81x128xi32, #tpu.memory_space<vmem>> -> memref<1x128xi32, #tpu.memory_space<vmem>>
      %dma_start3A_61 = tpu.memref_squeeze %dma_start3A_60 : memref<1x128xi32, #tpu.memory_space<vmem>> -> memref<128xi32, #tpu.memory_space<vmem>>
      %dma_start3A_62 = arith.constant 0 : i32
      %dma_start3A_63 = arith.constant 0 : i32
      %dma_start3A_64 = tpu.memref_slice %arg3[%dma_start3A_62, %dma_start3A_63] : memref<10000x64xf32, #tpu.memory_space<hbm>> -> memref<10000x64xf32, #tpu.memory_space<hbm>>
      tpu.enqueue_indirect_dma source(%dma_start3A_64 : memref<10000x64xf32, #tpu.memory_space<hbm>>) target(%arg9 : memref<128x64xf32, #tpu.memory_space<vmem>>) offsets(%dma_start3A_61 : memref<128xi32, #tpu.memory_space<vmem>>) semaphore(%arg16 : memref<!tpu.dma_semaphore, #tpu.memory_space<semaphore_mem>>)
      %dma_wait3A = arith.constant 0 : i32
      %dma_wait3A_65 = tpu.memref_slice %arg12[%scan3A_52, %dma_wait3A] : memref<81x128xi32, #tpu.memory_space<vmem>> -> memref<1x128xi32, #tpu.memory_space<vmem>>
      %dma_wait3A_66 = tpu.memref_squeeze %dma_wait3A_65 : memref<1x128xi32, #tpu.memory_space<vmem>> -> memref<128xi32, #tpu.memory_space<vmem>>
      %dma_wait3A_67 = arith.constant 0 : i32
      %dma_wait3A_68 = arith.constant 0 : i32
      %dma_wait3A_69 = tpu.memref_slice %arg2[%dma_wait3A_67, %dma_wait3A_68] : memref<10000x64xf32, #tpu.memory_space<hbm>> -> memref<10000x64xf32, #tpu.memory_space<hbm>>
      tpu.wait_indirect_dma semaphore(%arg15 : memref<!tpu.dma_semaphore, #tpu.memory_space<semaphore_mem>>) src(%dma_wait3A_69 : memref<10000x64xf32, #tpu.memory_space<hbm>>) dst(%arg8 : memref<128x64xf32, #tpu.memory_space<vmem>>)
      %dma_wait3A_70 = arith.constant 0 : i32
      %dma_wait3A_71 = tpu.memref_slice %arg13[%scan3A_52, %dma_wait3A_70] : memref<81x128xi32, #tpu.memory_space<vmem>> -> memref<1x128xi32, #tpu.memory_space<vmem>>
      %dma_wait3A_72 = tpu.memref_squeeze %dma_wait3A_71 : memref<1x128xi32, #tpu.memory_space<vmem>> -> memref<128xi32, #tpu.memory_space<vmem>>
      %dma_wait3A_73 = arith.constant 0 : i32
      %dma_wait3A_74 = arith.constant 0 : i32
      %dma_wait3A_75 = tpu.memref_slice %arg3[%dma_wait3A_73, %dma_wait3A_74] : memref<10000x64xf32, #tpu.memory_space<hbm>> -> memref<10000x64xf32, #tpu.memory_space<hbm>>
      tpu.wait_indirect_dma semaphore(%arg16 : memref<!tpu.dma_semaphore, #tpu.memory_space<semaphore_mem>>) src(%dma_wait3A_75 : memref<10000x64xf32, #tpu.memory_space<hbm>>) dst(%arg9 : memref<128x64xf32, #tpu.memory_space<vmem>>)
      %parallel_loop3A = arith.constant 0 : i32
      %parallel_loop3A_76 = arith.constant 128 : i32
      %parallel_loop3A_77 = arith.constant 1 : i32
      scf.for %parallel_loop3A_79 = %parallel_loop3A to %parallel_loop3A_76 step %parallel_loop3A_77  : i32 {
        %parallel_loop3A_80 = arith.constant 0.000000e+00 : f32
        %parallel_loop3A_81 = vector.broadcast %parallel_loop3A_80 : f32 to vector<16xf32>
        %parallel_loop3A_82 = arith.index_cast %parallel_loop3A_79 : i32 to index
        %parallel_loop3A_83 = arith.constant 0 : index
        %parallel_loop3A_84 = tpu.vector_load %arg8[%parallel_loop3A_82, %parallel_loop3A_83] {strides = array<i32>} : memref<128x64xf32, #tpu.memory_space<vmem>>, vector<16xf32>,
        %parallel_loop3A_85 = arith.index_cast %parallel_loop3A_79 : i32 to index
        %parallel_loop3A_86 = arith.constant 0 : index
        %parallel_loop3A_87 = tpu.vector_load %arg9[%parallel_loop3A_85, %parallel_loop3A_86] {strides = array<i32>} : memref<128x64xf32, #tpu.memory_space<vmem>>, vector<16xf32>,
        %parallel_loop3A_88 = arith.addf %parallel_loop3A_84, %parallel_loop3A_87 : vector<16xf32>
        %parallel_loop3A_89 = arith.constant 2.000000e-01 : f32
        %parallel_loop3A_90 = vector.broadcast %parallel_loop3A_89 : f32 to vector<16xf32>
        %parallel_loop3A_91 = arith.mulf %parallel_loop3A_90, %parallel_loop3A_88 : vector<16xf32>
        %parallel_loop3A_92 = arith.maximumf %parallel_loop3A_88, %parallel_loop3A_91 : vector<16xf32>
        %parallel_loop3A_93 = arith.mulf %parallel_loop3A_92, %get3A_21 : vector<16xf32>
        %parallel_loop3A_94 = arith.index_cast %parallel_loop3A_79 : i32 to index
        %parallel_loop3A_95 = arith.constant 16 : index
        %parallel_loop3A_96 = tpu.vector_load %arg8[%parallel_loop3A_94, %parallel_loop3A_95] {strides = array<i32>} : memref<128x64xf32, #tpu.memory_space<vmem>>, vector<16xf32>,
        %parallel_loop3A_97 = arith.index_cast %parallel_loop3A_79 : i32 to index
        %parallel_loop3A_98 = arith.constant 16 : index
        %parallel_loop3A_99 = tpu.vector_load %arg9[%parallel_loop3A_97, %parallel_loop3A_98] {strides = array<i32>} : memref<128x64xf32, #tpu.memory_space<vmem>>, vector<16xf32>,
        %parallel_loop3A_100 = arith.addf %parallel_loop3A_96, %parallel_loop3A_99 : vector<16xf32>
        %parallel_loop3A_101 = arith.constant 2.000000e-01 : f32
        %parallel_loop3A_102 = vector.broadcast %parallel_loop3A_101 : f32 to vector<16xf32>
        %parallel_loop3A_103 = arith.mulf %parallel_loop3A_102, %parallel_loop3A_100 : vector<16xf32>
        %parallel_loop3A_104 = arith.maximumf %parallel_loop3A_100, %parallel_loop3A_103 : vector<16xf32>
        %parallel_loop3A_105 = arith.mulf %parallel_loop3A_104, %get3A_25 : vector<16xf32>
        %parallel_loop3A_106 = arith.addf %parallel_loop3A_93, %parallel_loop3A_105 : vector<16xf32>
        %parallel_loop3A_107 = arith.index_cast %parallel_loop3A_79 : i32 to index
        %parallel_loop3A_108 = arith.constant 32 : index
        %parallel_loop3A_109 = tpu.vector_load %arg8[%parallel_loop3A_107, %parallel_loop3A_108] {strides = array<i32>} : memref<128x64xf32, #tpu.memory_space<vmem>>, vector<16xf32>,
        %parallel_loop3A_110 = arith.index_cast %parallel_loop3A_79 : i32 to index
        %parallel_loop3A_111 = arith.constant 32 : index
        %parallel_loop3A_112 = tpu.vector_load %arg9[%parallel_loop3A_110, %parallel_loop3A_111] {strides = array<i32>} : memref<128x64xf32, #tpu.memory_space<vmem>>, vector<16xf32>,
        %parallel_loop3A_113 = arith.addf %parallel_loop3A_109, %parallel_loop3A_112 : vector<16xf32>
        %parallel_loop3A_114 = arith.constant 2.000000e-01 : f32
        %parallel_loop3A_115 = vector.broadcast %parallel_loop3A_114 : f32 to vector<16xf32>
        %parallel_loop3A_116 = arith.mulf %parallel_loop3A_115, %parallel_loop3A_113 : vector<16xf32>
        %parallel_loop3A_117 = arith.maximumf %parallel_loop3A_113, %parallel_loop3A_116 : vector<16xf32>
        %parallel_loop3A_118 = arith.mulf %parallel_loop3A_117, %get3A_29 : vector<16xf32>
        %parallel_loop3A_119 = arith.addf %parallel_loop3A_106, %parallel_loop3A_118 : vector<16xf32>
        %parallel_loop3A_120 = arith.index_cast %parallel_loop3A_79 : i32 to index
        %parallel_loop3A_121 = arith.constant 48 : index
        %parallel_loop3A_122 = tpu.vector_load %arg8[%parallel_loop3A_120, %parallel_loop3A_121] {strides = array<i32>} : memref<128x64xf32, #tpu.memory_space<vmem>>, vector<16xf32>,
        %parallel_loop3A_123 = arith.index_cast %parallel_loop3A_79 : i32 to index
        %parallel_loop3A_124 = arith.constant 48 : index
        %parallel_loop3A_125 = tpu.vector_load %arg9[%parallel_loop3A_123, %parallel_loop3A_124] {strides = array<i32>} : memref<128x64xf32, #tpu.memory_space<vmem>>, vector<16xf32>,
        %parallel_loop3A_126 = arith.addf %parallel_loop3A_122, %parallel_loop3A_125 : vector<16xf32>
        %parallel_loop3A_127 = arith.constant 2.000000e-01 : f32
        %parallel_loop3A_128 = vector.broadcast %parallel_loop3A_127 : f32 to vector<16xf32>
        %parallel_loop3A_129 = arith.mulf %parallel_loop3A_128, %parallel_loop3A_126 : vector<16xf32>
        %parallel_loop3A_130 = arith.maximumf %parallel_loop3A_126, %parallel_loop3A_129 : vector<16xf32>
        %parallel_loop3A_131 = arith.mulf %parallel_loop3A_130, %get3A_33 : vector<16xf32>
        %parallel_loop3A_132 = arith.addf %parallel_loop3A_119, %parallel_loop3A_131 : vector<16xf32>
        %parallel_loop3A_133 = arith.constant true
        %parallel_loop3A_134 = vector.broadcast %parallel_loop3A_133 : i1 to vector<16xi1>
        %parallel_loop3A_135 = tpu.scan <sum>, %parallel_loop3A_132 masked %parallel_loop3A_134 : vector<16xf32>, vector<16xi1> -> vector<16xf32>
        %parallel_loop3A_136 = vector.extract %parallel_loop3A_135[15] : f32 from vector<16xf32>
        %parallel_loop3A_137 = vector.broadcast %parallel_loop3A_136 : f32 to vector<16xf32>
        %parallel_loop3A_138 = math.exp %parallel_loop3A_137 : vector<16xf32>
        %parallel_loop3A_139 = arith.mulf %parallel_loop3A_84, %parallel_loop3A_138 : vector<16xf32>
        %parallel_loop3A_140 = arith.index_cast %parallel_loop3A_79 : i32 to index
        %parallel_loop3A_141 = arith.constant 0 : index
        %parallel_loop3A_142 = tpu.vector_load %arg10[%parallel_loop3A_140, %parallel_loop3A_141] {strides = array<i32>} : memref<128x80xf32, #tpu.memory_space<vmem>>, vector<16xf32>,
        tpu.vector_store %arg10[%parallel_loop3A_140, %parallel_loop3A_141], %parallel_loop3A_139 {strides = array<i32>} : memref<128x80xf32, #tpu.memory_space<vmem>>, vector<16xf32>,
        %parallel_loop3A_143 = arith.mulf %parallel_loop3A_96, %parallel_loop3A_138 : vector<16xf32>
        %parallel_loop3A_144 = arith.index_cast %parallel_loop3A_79 : i32 to index
        %parallel_loop3A_145 = arith.constant 16 : index
        %parallel_loop3A_146 = tpu.vector_load %arg10[%parallel_loop3A_144, %parallel_loop3A_145] {strides = array<i32>} : memref<128x80xf32, #tpu.memory_space<vmem>>, vector<16xf32>,
        tpu.vector_store %arg10[%parallel_loop3A_144, %parallel_loop3A_145], %parallel_loop3A_143 {strides = array<i32>} : memref<128x80xf32, #tpu.memory_space<vmem>>, vector<16xf32>,
        %parallel_loop3A_147 = arith.mulf %parallel_loop3A_109, %parallel_loop3A_138 : vector<16xf32>
        %parallel_loop3A_148 = arith.index_cast %parallel_loop3A_79 : i32 to index
        %parallel_loop3A_149 = arith.constant 32 : index
        %parallel_loop3A_150 = tpu.vector_load %arg10[%parallel_loop3A_148, %parallel_loop3A_149] {strides = array<i32>} : memref<128x80xf32, #tpu.memory_space<vmem>>, vector<16xf32>,
        tpu.vector_store %arg10[%parallel_loop3A_148, %parallel_loop3A_149], %parallel_loop3A_147 {strides = array<i32>} : memref<128x80xf32, #tpu.memory_space<vmem>>, vector<16xf32>,
        %parallel_loop3A_151 = arith.mulf %parallel_loop3A_122, %parallel_loop3A_138 : vector<16xf32>
        %parallel_loop3A_152 = arith.index_cast %parallel_loop3A_79 : i32 to index
        %parallel_loop3A_153 = arith.constant 48 : index
        %parallel_loop3A_154 = tpu.vector_load %arg10[%parallel_loop3A_152, %parallel_loop3A_153] {strides = array<i32>} : memref<128x80xf32, #tpu.memory_space<vmem>>, vector<16xf32>,
        tpu.vector_store %arg10[%parallel_loop3A_152, %parallel_loop3A_153], %parallel_loop3A_151 {strides = array<i32>} : memref<128x80xf32, #tpu.memory_space<vmem>>, vector<16xf32>,
        %parallel_loop3A_155 = arith.index_cast %parallel_loop3A_79 : i32 to index
        %parallel_loop3A_156 = arith.constant 64 : index
        %parallel_loop3A_157 = tpu.vector_load %arg10[%parallel_loop3A_155, %parallel_loop3A_156] {strides = array<i32>} : memref<128x80xf32, #tpu.memory_space<vmem>>, vector<16xf32>,
        tpu.vector_store %arg10[%parallel_loop3A_155, %parallel_loop3A_156], %parallel_loop3A_138 {strides = array<i32>} : memref<128x80xf32, #tpu.memory_space<vmem>>, vector<16xf32>,
      } {sc.loop_unroll_factor = 4 : i64, sc.parallel_access}
      "tpu.region"() ({
        %run_scoped3A = tpu.sem_alloc : memref<!tpu.dma_semaphore, #tpu.memory_space<semaphore_mem>>
        %dma_start3A_79 = arith.constant 0 : i32
        %dma_start3A_80 = tpu.memref_slice %arg13[%scan3A_52, %dma_start3A_79] : memref<81x128xi32, #tpu.memory_space<vmem>> -> memref<1x128xi32, #tpu.memory_space<vmem>>
        %dma_start3A_81 = tpu.memref_squeeze %dma_start3A_80 : memref<1x128xi32, #tpu.memory_space<vmem>> -> memref<128xi32, #tpu.memory_space<vmem>>
        %dma_start3A_82 = arith.constant 0 : i32
        %dma_start3A_83 = arith.constant 0 : i32
        %dma_start3A_84 = tpu.memref_slice %arg14[%dma_start3A_82, %dma_start3A_83] : memref<10240x80xf32, #tpu.memory_space<vmem_shared>> -> memref<10240x80xf32, #tpu.memory_space<vmem_shared>>
        tpu.enqueue_indirect_dma source(%arg10 : memref<128x80xf32, #tpu.memory_space<vmem>>) target(%dma_start3A_84 : memref<10240x80xf32, #tpu.memory_space<vmem_shared>>) offsets(%dma_start3A_81 : memref<128xi32, #tpu.memory_space<vmem>>) semaphore(%run_scoped3A : memref<!tpu.dma_semaphore, #tpu.memory_space<semaphore_mem>>) {add = true}
        %dma_wait3A_85 = arith.constant 0 : i32
        %dma_wait3A_86 = tpu.memref_slice %arg13[%scan3A_52, %dma_wait3A_85] : memref<81x128xi32, #tpu.memory_space<vmem>> -> memref<1x128xi32, #tpu.memory_space<vmem>>
        %dma_wait3A_87 = tpu.memref_squeeze %dma_wait3A_86 : memref<1x128xi32, #tpu.memory_space<vmem>> -> memref<128xi32, #tpu.memory_space<vmem>>
        %dma_wait3A_88 = arith.constant 0 : i32
        %dma_wait3A_89 = arith.constant 0 : i32
        %dma_wait3A_90 = tpu.memref_slice %arg14[%dma_wait3A_88, %dma_wait3A_89] : memref<10240x80xf32, #tpu.memory_space<vmem_shared>> -> memref<10240x80xf32, #tpu.memory_space<vmem_shared>>
        tpu.wait_indirect_dma semaphore(%run_scoped3A : memref<!tpu.dma_semaphore, #tpu.memory_space<semaphore_mem>>) src(%arg10 : memref<128x80xf32, #tpu.memory_space<vmem>>) dst(%dma_wait3A_90 : memref<10240x80xf32, #tpu.memory_space<vmem_shared>>)
        tpu.yield
      }) : () -> ()
      %scan3A_78 = arith.constant 0 : i32
      scf.yield %scan3A_78 : i32
    }
    %scan3A_40 = arith.constant 81 : i32
    %barrier3A_41 = arith.constant 0 : index
    tpu.barrier barrier_id(%barrier3A_41)
    %add3A_42 = arith.constant 0 : i32
    %add3A_43 = arith.addi %mul3A_8, %add3A_42 : i32
    "tpu.region"() ({
      %run_scoped3A = tpu.sem_alloc : memref<!tpu.dma_semaphore, #tpu.memory_space<semaphore_mem>>
      %dma_start3A = arith.constant 0 : i32
      %dma_start3A_52 = tpu.memref_slice %arg7[%arg0, %add3A_43, %dma_start3A] : memref<2x10240x80xf32, #tpu.memory_space<hbm>> -> memref<1x128x80xf32, #tpu.memory_space<hbm>>
      %dma_start3A_53 = tpu.memref_squeeze %dma_start3A_52 : memref<1x128x80xf32, #tpu.memory_space<hbm>> -> memref<128x80xf32, #tpu.memory_space<hbm>>
      %dma_start3A_54 = arith.constant 0 : i32
      %dma_start3A_55 = tpu.memref_slice %arg14[%add3A_43, %dma_start3A_54] : memref<10240x80xf32, #tpu.memory_space<vmem_shared>> -> memref<128x80xf32, #tpu.memory_space<vmem_shared>>
      tpu.enqueue_dma source(%dma_start3A_55 : memref<128x80xf32, #tpu.memory_space<vmem_shared>>) target(%dma_start3A_53 : memref<128x80xf32, #tpu.memory_space<hbm>>) target_semaphore(%run_scoped3A : memref<!tpu.dma_semaphore, #tpu.memory_space<semaphore_mem>>)
      %dma_wait3A = arith.constant 0 : i32
      %dma_wait3A_56 = tpu.memref_slice %arg7[%arg0, %add3A_43, %dma_wait3A] : memref<2x10240x80xf32, #tpu.memory_space<hbm>> -> memref<1x128x80xf32, #tpu.memory_space<hbm>>
      %dma_wait3A_57 = tpu.memref_squeeze %dma_wait3A_56 : memref<1x128x80xf32, #tpu.memory_space<hbm>> -> memref<128x80xf32, #tpu.memory_space<hbm>>
      %dma_wait3A_58 = arith.constant 0 : i32
      %dma_wait3A_59 = tpu.memref_slice %arg14[%add3A_43, %dma_wait3A_58] : memref<10240x80xf32, #tpu.memory_space<vmem_shared>> -> memref<128x80xf32, #tpu.memory_space<vmem_shared>>
      tpu.wait_dma2 semaphore(%run_scoped3A : memref<!tpu.dma_semaphore, #tpu.memory_space<semaphore_mem>>) src(%dma_wait3A_59 : memref<128x80xf32, #tpu.memory_space<vmem_shared>>) dst(%dma_wait3A_57 : memref<128x80xf32, #tpu.memory_space<hbm>>)
      tpu.yield
    }) : () -> ()
    %add3A_44 = arith.constant 128 : i32
    %add3A_45 = arith.addi %mul3A_8, %add3A_44 : i32
    "tpu.region"() ({
      %run_scoped3A = tpu.sem_alloc : memref<!tpu.dma_semaphore, #tpu.memory_space<semaphore_mem>>
      %dma_start3A = arith.constant 0 : i32
      %dma_start3A_52 = tpu.memref_slice %arg7[%arg0, %add3A_45, %dma_start3A] : memref<2x10240x80xf32, #tpu.memory_space<hbm>> -> memref<1x128x80xf32, #tpu.memory_space<hbm>>
      %dma_start3A_53 = tpu.memref_squeeze %dma_start3A_52 : memref<1x128x80xf32, #tpu.memory_space<hbm>> -> memref<128x80xf32, #tpu.memory_space<hbm>>
      %dma_start3A_54 = arith.constant 0 : i32
      %dma_start3A_55 = tpu.memref_slice %arg14[%add3A_45, %dma_start3A_54] : memref<10240x80xf32, #tpu.memory_space<vmem_shared>> -> memref<128x80xf32, #tpu.memory_space<vmem_shared>>
      tpu.enqueue_dma source(%dma_start3A_55 : memref<128x80xf32, #tpu.memory_space<vmem_shared>>) target(%dma_start3A_53 : memref<128x80xf32, #tpu.memory_space<hbm>>) target_semaphore(%run_scoped3A : memref<!tpu.dma_semaphore, #tpu.memory_space<semaphore_mem>>)
      %dma_wait3A = arith.constant 0 : i32
      %dma_wait3A_56 = tpu.memref_slice %arg7[%arg0, %add3A_45, %dma_wait3A] : memref<2x10240x80xf32, #tpu.memory_space<hbm>> -> memref<1x128x80xf32, #tpu.memory_space<hbm>>
      %dma_wait3A_57 = tpu.memref_squeeze %dma_wait3A_56 : memref<1x128x80xf32, #tpu.memory_space<hbm>> -> memref<128x80xf32, #tpu.memory_space<hbm>>
      %dma_wait3A_58 = arith.constant 0 : i32
      %dma_wait3A_59 = tpu.memref_slice %arg14[%add3A_45, %dma_wait3A_58] : memref<10240x80xf32, #tpu.memory_space<vmem_shared>> -> memref<128x80xf32, #tpu.memory_space<vmem_shared>>
      tpu.wait_dma2 semaphore(%run_scoped3A : memref<!tpu.dma_semaphore, #tpu.memory_space<semaphore_mem>>) src(%dma_wait3A_59 : memref<128x80xf32, #tpu.memory_space<vmem_shared>>) dst(%dma_wait3A_57 : memref<128x80xf32, #tpu.memory_space<hbm>>)
      tpu.yield
    }) : () -> ()
    %add3A_46 = arith.constant 256 : i32
    %add3A_47 = arith.addi %mul3A_8, %add3A_46 : i32
    "tpu.region"() ({
      %run_scoped3A = tpu.sem_alloc : memref<!tpu.dma_semaphore, #tpu.memory_space<semaphore_mem>>
      %dma_start3A = arith.constant 0 : i32
      %dma_start3A_52 = tpu.memref_slice %arg7[%arg0, %add3A_47, %dma_start3A] : memref<2x10240x80xf32, #tpu.memory_space<hbm>> -> memref<1x128x80xf32, #tpu.memory_space<hbm>>
      %dma_start3A_53 = tpu.memref_squeeze %dma_start3A_52 : memref<1x128x80xf32, #tpu.memory_space<hbm>> -> memref<128x80xf32, #tpu.memory_space<hbm>>
      %dma_start3A_54 = arith.constant 0 : i32
      %dma_start3A_55 = tpu.memref_slice %arg14[%add3A_47, %dma_start3A_54] : memref<10240x80xf32, #tpu.memory_space<vmem_shared>> -> memref<128x80xf32, #tpu.memory_space<vmem_shared>>
      tpu.enqueue_dma source(%dma_start3A_55 : memref<128x80xf32, #tpu.memory_space<vmem_shared>>) target(%dma_start3A_53 : memref<128x80xf32, #tpu.memory_space<hbm>>) target_semaphore(%run_scoped3A : memref<!tpu.dma_semaphore, #tpu.memory_space<semaphore_mem>>)
      %dma_wait3A = arith.constant 0 : i32
      %dma_wait3A_56 = tpu.memref_slice %arg7[%arg0, %add3A_47, %dma_wait3A] : memref<2x10240x80xf32, #tpu.memory_space<hbm>> -> memref<1x128x80xf32, #tpu.memory_space<hbm>>
      %dma_wait3A_57 = tpu.memref_squeeze %dma_wait3A_56 : memref<1x128x80xf32, #tpu.memory_space<hbm>> -> memref<128x80xf32, #tpu.memory_space<hbm>>
      %dma_wait3A_58 = arith.constant 0 : i32
      %dma_wait3A_59 = tpu.memref_slice %arg14[%add3A_47, %dma_wait3A_58] : memref<10240x80xf32, #tpu.memory_space<vmem_shared>> -> memref<128x80xf32, #tpu.memory_space<vmem_shared>>
      tpu.wait_dma2 semaphore(%run_scoped3A : memref<!tpu.dma_semaphore, #tpu.memory_space<semaphore_mem>>) src(%dma_wait3A_59 : memref<128x80xf32, #tpu.memory_space<vmem_shared>>) dst(%dma_wait3A_57 : memref<128x80xf32, #tpu.memory_space<hbm>>)
      tpu.yield
    }) : () -> ()
    %add3A_48 = arith.constant 384 : i32
    %add3A_49 = arith.addi %mul3A_8, %add3A_48 : i32
    "tpu.region"() ({
      %run_scoped3A = tpu.sem_alloc : memref<!tpu.dma_semaphore, #tpu.memory_space<semaphore_mem>>
      %dma_start3A = arith.constant 0 : i32
      %dma_start3A_52 = tpu.memref_slice %arg7[%arg0, %add3A_49, %dma_start3A] : memref<2x10240x80xf32, #tpu.memory_space<hbm>> -> memref<1x128x80xf32, #tpu.memory_space<hbm>>
      %dma_start3A_53 = tpu.memref_squeeze %dma_start3A_52 : memref<1x128x80xf32, #tpu.memory_space<hbm>> -> memref<128x80xf32, #tpu.memory_space<hbm>>
      %dma_start3A_54 = arith.constant 0 : i32
      %dma_start3A_55 = tpu.memref_slice %arg14[%add3A_49, %dma_start3A_54] : memref<10240x80xf32, #tpu.memory_space<vmem_shared>> -> memref<128x80xf32, #tpu.memory_space<vmem_shared>>
      tpu.enqueue_dma source(%dma_start3A_55 : memref<128x80xf32, #tpu.memory_space<vmem_shared>>) target(%dma_start3A_53 : memref<128x80xf32, #tpu.memory_space<hbm>>) target_semaphore(%run_scoped3A : memref<!tpu.dma_semaphore, #tpu.memory_space<semaphore_mem>>)
      %dma_wait3A = arith.constant 0 : i32
      %dma_wait3A_56 = tpu.memref_slice %arg7[%arg0, %add3A_49, %dma_wait3A] : memref<2x10240x80xf32, #tpu.memory_space<hbm>> -> memref<1x128x80xf32, #tpu.memory_space<hbm>>
      %dma_wait3A_57 = tpu.memref_squeeze %dma_wait3A_56 : memref<1x128x80xf32, #tpu.memory_space<hbm>> -> memref<128x80xf32, #tpu.memory_space<hbm>>
      %dma_wait3A_58 = arith.constant 0 : i32
      %dma_wait3A_59 = tpu.memref_slice %arg14[%add3A_49, %dma_wait3A_58] : memref<10240x80xf32, #tpu.memory_space<vmem_shared>> -> memref<128x80xf32, #tpu.memory_space<vmem_shared>>
      tpu.wait_dma2 semaphore(%run_scoped3A : memref<!tpu.dma_semaphore, #tpu.memory_space<semaphore_mem>>) src(%dma_wait3A_59 : memref<128x80xf32, #tpu.memory_space<vmem_shared>>) dst(%dma_wait3A_57 : memref<128x80xf32, #tpu.memory_space<hbm>>)
      tpu.yield
    }) : () -> ()
    %add3A_50 = arith.constant 512 : i32
    %add3A_51 = arith.addi %mul3A_8, %add3A_50 : i32
    "tpu.region"() ({
      %run_scoped3A = tpu.sem_alloc : memref<!tpu.dma_semaphore, #tpu.memory_space<semaphore_mem>>
      %dma_start3A = arith.constant 0 : i32
      %dma_start3A_52 = tpu.memref_slice %arg7[%arg0, %add3A_51, %dma_start3A] : memref<2x10240x80xf32, #tpu.memory_space<hbm>> -> memref<1x128x80xf32, #tpu.memory_space<hbm>>
      %dma_start3A_53 = tpu.memref_squeeze %dma_start3A_52 : memref<1x128x80xf32, #tpu.memory_space<hbm>> -> memref<128x80xf32, #tpu.memory_space<hbm>>
      %dma_start3A_54 = arith.constant 0 : i32
      %dma_start3A_55 = tpu.memref_slice %arg14[%add3A_51, %dma_start3A_54] : memref<10240x80xf32, #tpu.memory_space<vmem_shared>> -> memref<128x80xf32, #tpu.memory_space<vmem_shared>>
      tpu.enqueue_dma source(%dma_start3A_55 : memref<128x80xf32, #tpu.memory_space<vmem_shared>>) target(%dma_start3A_53 : memref<128x80xf32, #tpu.memory_space<hbm>>) target_semaphore(%run_scoped3A : memref<!tpu.dma_semaphore, #tpu.memory_space<semaphore_mem>>)
      %dma_wait3A = arith.constant 0 : i32
      %dma_wait3A_56 = tpu.memref_slice %arg7[%arg0, %add3A_51, %dma_wait3A] : memref<2x10240x80xf32, #tpu.memory_space<hbm>> -> memref<1x128x80xf32, #tpu.memory_space<hbm>>
      %dma_wait3A_57 = tpu.memref_squeeze %dma_wait3A_56 : memref<1x128x80xf32, #tpu.memory_space<hbm>> -> memref<128x80xf32, #tpu.memory_space<hbm>>
      %dma_wait3A_58 = arith.constant 0 : i32
      %dma_wait3A_59 = tpu.memref_slice %arg14[%add3A_51, %dma_wait3A_58] : memref<10240x80xf32, #tpu.memory_space<vmem_shared>> -> memref<128x80xf32, #tpu.memory_space<vmem_shared>>
      tpu.wait_dma2 semaphore(%run_scoped3A : memref<!tpu.dma_semaphore, #tpu.memory_space<semaphore_mem>>) src(%dma_wait3A_59 : memref<128x80xf32, #tpu.memory_space<vmem_shared>>) dst(%dma_wait3A_57 : memref<128x80xf32, #tpu.memory_space<hbm>>)
      tpu.yield
    }) : () -> ()
    return
  }
}

module attributes {stable_mosaic.version = 14 : i64} {
  func.func @_mm2_body(%arg0: i32, %arg1: i32, %arg2: memref<1000x128xf32, #tpu.memory_space<vmem>>, %arg3: memref<1x128x64xf32, #tpu.memory_space<vmem>>, %arg4: memref<1x128x64xf32, #tpu.memory_space<vmem>>, %arg5: memref<1x1000x64xf32, #tpu.memory_space<vmem>>, %arg6: memref<1x1000x64xf32, #tpu.memory_space<vmem>>) attributes {dimension_semantics = [#tpu.dimension_semantics<arbitrary>, #tpu.dimension_semantics<arbitrary>], iteration_bounds = array<i64: 10, 2>, scalar_prefetch = 0 : i64, scratch_operands = 0 : i64, tpu.core_type = #tpu.core_type<tc>, window_params = [{transform_indices = @transform_0, window_bounds = array<i64: 1000, 128>}, {transform_indices = @transform_1, window_bounds = array<i64: 1, 128, 64>}, {transform_indices = @transform_2, window_bounds = array<i64: 1, 128, 64>}, {transform_indices = @transform_3, window_bounds = array<i64: 1, 1000, 64>}, {transform_indices = @transform_4, window_bounds = array<i64: 1, 1000, 64>}]} {
    %get3A = arith.constant 0 : index
    %get3A_0 = arith.constant 0 : index
    %get3A_1 = vector.load %arg2[%get3A, %get3A_0] : memref<1000x128xf32, #tpu.memory_space<vmem>>, vector<1000x128xf32>
    %get3A_2 = arith.constant 0 : index
    %get3A_3 = arith.constant 0 : index
    %get3A_4 = arith.constant 0 : index
    %get3A_5 = vector.load %arg3[%get3A_2, %get3A_3, %get3A_4] : memref<1x128x64xf32, #tpu.memory_space<vmem>>, vector<1x128x64xf32>
    %get3A_6 = vector.shape_cast %get3A_5 : vector<1x128x64xf32> to vector<128x64xf32>
    %dot_general3A = arith.constant dense<0.000000e+00> : vector<1000x64xf32>
    %dot_general3A_7 = tpu.matmul %get3A_1, %get3A_6, %dot_general3A {dimension_numbers = #tpu.dot_dimension_numbers<[1], [0], [0], [1], [0, 0, 1, 1], [], []>, transpose_lhs_hint = false} : vector<1000x128xf32>, vector<128x64xf32>, vector<1000x64xf32> -> vector<1000x64xf32>
    %swap3A = arith.constant 0 : index
    %swap3A_8 = arith.constant 0 : index
    %swap3A_9 = arith.constant 0 : index
    %swap3A_10 = vector.load %arg5[%swap3A, %swap3A_8, %swap3A_9] : memref<1x1000x64xf32, #tpu.memory_space<vmem>>, vector<1x1000x64xf32>
    %swap3A_11 = vector.shape_cast %swap3A_10 : vector<1x1000x64xf32> to vector<1000x64xf32>
    %swap3A_12 = vector.shape_cast %dot_general3A_7 : vector<1000x64xf32> to vector<1x1000x64xf32>
    tpu.vector_store %arg5[%swap3A, %swap3A_8, %swap3A_9], %swap3A_12 {strides = array<i32>} : memref<1x1000x64xf32, #tpu.memory_space<vmem>>, vector<1x1000x64xf32>,
    %get3A_13 = arith.constant 0 : index
    %get3A_14 = arith.constant 0 : index
    %get3A_15 = arith.constant 0 : index
    %get3A_16 = vector.load %arg4[%get3A_13, %get3A_14, %get3A_15] : memref<1x128x64xf32, #tpu.memory_space<vmem>>, vector<1x128x64xf32>
    %get3A_17 = vector.shape_cast %get3A_16 : vector<1x128x64xf32> to vector<128x64xf32>
    %dot_general3A_18 = arith.constant dense<0.000000e+00> : vector<1000x64xf32>
    %dot_general3A_19 = tpu.matmul %get3A_1, %get3A_17, %dot_general3A_18 {dimension_numbers = #tpu.dot_dimension_numbers<[1], [0], [0], [1], [0, 0, 1, 1], [], []>, transpose_lhs_hint = false} : vector<1000x128xf32>, vector<128x64xf32>, vector<1000x64xf32> -> vector<1000x64xf32>
    %swap3A_20 = arith.constant 0 : index
    %swap3A_21 = arith.constant 0 : index
    %swap3A_22 = arith.constant 0 : index
    %swap3A_23 = vector.load %arg6[%swap3A_20, %swap3A_21, %swap3A_22] : memref<1x1000x64xf32, #tpu.memory_space<vmem>>, vector<1x1000x64xf32>
    %swap3A_24 = vector.shape_cast %swap3A_23 : vector<1x1000x64xf32> to vector<1000x64xf32>
    %swap3A_25 = vector.shape_cast %dot_general3A_19 : vector<1000x64xf32> to vector<1x1000x64xf32>
    tpu.vector_store %arg6[%swap3A_20, %swap3A_21, %swap3A_22], %swap3A_25 {strides = array<i32>} : memref<1x1000x64xf32, #tpu.memory_space<vmem>>, vector<1x1000x64xf32>,
    return
  }
  func.func @transform_0(%arg0: i32, %arg1: i32) -> (i32, i32) {
    %c0_i32 = arith.constant 0 : i32
    %c0_i32_0 = arith.constant 0 : i32
    return %arg0, %c0_i32 : i32, i32
  }
  func.func @transform_1(%arg0: i32, %arg1: i32) -> (i32, i32, i32) {
    %c0_i32 = arith.constant 0 : i32
    %c0_i32_0 = arith.constant 0 : i32
    %c0_i32_1 = arith.constant 0 : i32
    return %arg1, %c0_i32, %c0_i32_0 : i32, i32, i32
  }
  func.func @transform_2(%arg0: i32, %arg1: i32) -> (i32, i32, i32) {
    %c0_i32 = arith.constant 0 : i32
    %c0_i32_0 = arith.constant 0 : i32
    %c0_i32_1 = arith.constant 0 : i32
    return %arg1, %c0_i32, %c0_i32_0 : i32, i32, i32
  }
  func.func @transform_3(%arg0: i32, %arg1: i32) -> (i32, i32, i32) {
    %c0_i32 = arith.constant 0 : i32
    %c0_i32_0 = arith.constant 0 : i32
    return %arg1, %arg0, %c0_i32 : i32, i32, i32
  }
  func.func @transform_4(%arg0: i32, %arg1: i32) -> (i32, i32, i32) {
    %c0_i32 = arith.constant 0 : i32
    %c0_i32_0 = arith.constant 0 : i32
    return %arg1, %arg0, %c0_i32 : i32, i32, i32
  }
}

module attributes {stable_mosaic.version = 14 : i64} {
  func.func @_combine_body(%arg0: i32, %arg1: memref<1000x80xf32, #tpu.memory_space<vmem>>, %arg2: memref<1000x80xf32, #tpu.memory_space<vmem>>, %arg3: memref<16x64xf32, #tpu.memory_space<vmem>>, %arg4: memref<1x128xf32, #tpu.memory_space<vmem>>, %arg5: memref<128x64xf32, #tpu.memory_space<vmem>>, %arg6: memref<128x64xf32, #tpu.memory_space<vmem>>, %arg7: memref<1000x64xf32, #tpu.memory_space<vmem>>, %arg8: memref<1000x64xf32, #tpu.memory_space<vmem>>) attributes {dimension_semantics = [#tpu.dimension_semantics<arbitrary>], iteration_bounds = array<i64: 10>, scalar_prefetch = 0 : i64, scratch_operands = 0 : i64, tpu.core_type = #tpu.core_type<tc>, window_params = [{transform_indices = @transform_0, window_bounds = array<i64: 1000, 80>}, {transform_indices = @transform_1, window_bounds = array<i64: 1000, 80>}, {pipeline_mode = #tpu.pipeline_mode<synchronous>, transform_indices = @transform_2, window_bounds = array<i64: 16, 64>}, {pipeline_mode = #tpu.pipeline_mode<synchronous>, transform_indices = @transform_3, window_bounds = array<i64: 1, 128>}, {pipeline_mode = #tpu.pipeline_mode<synchronous>, transform_indices = @transform_4, window_bounds = array<i64: 128, 64>}, {pipeline_mode = #tpu.pipeline_mode<synchronous>, transform_indices = @transform_5, window_bounds = array<i64: 128, 64>}, {transform_indices = @transform_6, window_bounds = array<i64: 1000, 64>}, {transform_indices = @transform_7, window_bounds = array<i64: 1000, 64>}]} {
    %get3A = arith.constant 0 : index
    %get3A_0 = arith.constant 0 : index
    %get3A_1 = vector.load %arg1[%get3A, %get3A_0] : memref<1000x80xf32, #tpu.memory_space<vmem>>, vector<1000x80xf32>
    %get3A_2 = arith.constant 0 : index
    %get3A_3 = arith.constant 0 : index
    %get3A_4 = vector.load %arg2[%get3A_2, %get3A_3] : memref<1000x80xf32, #tpu.memory_space<vmem>>, vector<1000x80xf32>
    %slice3A = vector.extract_strided_slice %get3A_1 {offsets = [0, 64], sizes = [1000, 16], strides = [1, 1]} : vector<1000x80xf32> to vector<1000x16xf32>
    %add3A = arith.constant 1.000000e-16 : f32
    %add3A_5 = vector.broadcast %add3A : f32 to vector<1000x16xf32>
    %add3A_6 = arith.addf %slice3A, %add3A_5 : vector<1000x16xf32>
    %div3A = arith.constant 1.000000e+00 : f32
    %div3A_7 = vector.broadcast %div3A : f32 to vector<1000x16xf32>
    %div3A_8 = arith.divf %div3A_7, %add3A_6 : vector<1000x16xf32>
    %slice3A_9 = vector.extract_strided_slice %get3A_4 {offsets = [0, 64], sizes = [1000, 16], strides = [1, 1]} : vector<1000x80xf32> to vector<1000x16xf32>
    %add3A_10 = arith.constant 1.000000e-16 : f32
    %add3A_11 = vector.broadcast %add3A_10 : f32 to vector<1000x16xf32>
    %add3A_12 = arith.addf %slice3A_9, %add3A_11 : vector<1000x16xf32>
    %div3A_13 = arith.constant 1.000000e+00 : f32
    %div3A_14 = vector.broadcast %div3A_13 : f32 to vector<1000x16xf32>
    %div3A_15 = arith.divf %div3A_14, %add3A_12 : vector<1000x16xf32>
    %get3A_16 = arith.constant 0 : index
    %get3A_17 = arith.constant 0 : index
    %get3A_18 = vector.load %arg3[%get3A_16, %get3A_17] : memref<16x64xf32, #tpu.memory_space<vmem>>, vector<16x64xf32>
    %slice3A_19 = vector.extract_strided_slice %get3A_1 {offsets = [0, 0], sizes = [1000, 64], strides = [1, 1]} : vector<1000x80xf32> to vector<1000x64xf32>
    %dot_general3A = arith.constant dense<0.000000e+00> : vector<1000x64xf32>
    %dot_general3A_20 = tpu.matmul %div3A_8, %get3A_18, %dot_general3A {dimension_numbers = #tpu.dot_dimension_numbers<[1], [0], [0], [1], [0, 0, 1, 1], [], []>, transpose_lhs_hint = false} : vector<1000x16xf32>, vector<16x64xf32>, vector<1000x64xf32> -> vector<1000x64xf32>
    %mul3A = arith.mulf %slice3A_19, %dot_general3A_20 : vector<1000x64xf32>
    %slice3A_21 = vector.extract_strided_slice %get3A_4 {offsets = [0, 0], sizes = [1000, 64], strides = [1, 1]} : vector<1000x80xf32> to vector<1000x64xf32>
    %dot_general3A_22 = arith.constant dense<0.000000e+00> : vector<1000x64xf32>
    %dot_general3A_23 = tpu.matmul %div3A_15, %get3A_18, %dot_general3A_22 {dimension_numbers = #tpu.dot_dimension_numbers<[1], [0], [0], [1], [0, 0, 1, 1], [], []>, transpose_lhs_hint = false} : vector<1000x16xf32>, vector<16x64xf32>, vector<1000x64xf32> -> vector<1000x64xf32>
    %mul3A_24 = arith.mulf %slice3A_21, %dot_general3A_23 : vector<1000x64xf32>
    %concatenate3A = tpu.concatenate %mul3A, %mul3A_24 in 1 : vector<1000x64xf32>, vector<1000x64xf32> -> vector<1000x128xf32>
    %get3A_25 = arith.constant 0 : index
    %get3A_26 = arith.constant 0 : index
    %get3A_27 = vector.load %arg4[%get3A_25, %get3A_26] : memref<1x128xf32, #tpu.memory_space<vmem>>, vector<1x128xf32>
    %add3A_28 = vector.broadcast %get3A_27 : vector<1x128xf32> to vector<1000x128xf32>
    %add3A_29 = arith.addf %concatenate3A, %add3A_28 : vector<1000x128xf32>
    %gt3A = arith.constant 0.000000e+00 : f32
    %gt3A_30 = vector.broadcast %gt3A : f32 to vector<1000x128xf32>
    %gt3A_31 = arith.cmpf ogt, %add3A_29, %gt3A_30 : vector<1000x128xf32>
    %exp3A = math.exp %add3A_29 : vector<1000x128xf32>
    %sub3A = arith.constant 1.000000e+00 : f32
    %sub3A_32 = vector.broadcast %sub3A : f32 to vector<1000x128xf32>
    %sub3A_33 = arith.subf %exp3A, %sub3A_32 : vector<1000x128xf32>
    %select_n3A = arith.select %gt3A_31, %add3A_29, %sub3A_33 : vector<1000x128xi1>, vector<1000x128xf32>
    %get3A_34 = arith.constant 0 : index
    %get3A_35 = arith.constant 0 : index
    %get3A_36 = vector.load %arg5[%get3A_34, %get3A_35] : memref<128x64xf32, #tpu.memory_space<vmem>>, vector<128x64xf32>
    %dot_general3A_37 = arith.constant dense<0.000000e+00> : vector<1000x64xf32>
    %dot_general3A_38 = tpu.matmul %select_n3A, %get3A_36, %dot_general3A_37 {dimension_numbers = #tpu.dot_dimension_numbers<[1], [0], [0], [1], [0, 0, 1, 1], [], []>, transpose_lhs_hint = false} : vector<1000x128xf32>, vector<128x64xf32>, vector<1000x64xf32> -> vector<1000x64xf32>
    %swap3A = arith.constant 0 : index
    %swap3A_39 = arith.constant 0 : index
    %swap3A_40 = vector.load %arg7[%swap3A, %swap3A_39] : memref<1000x64xf32, #tpu.memory_space<vmem>>, vector<1000x64xf32>
    tpu.vector_store %arg7[%swap3A, %swap3A_39], %dot_general3A_38 {strides = array<i32>} : memref<1000x64xf32, #tpu.memory_space<vmem>>, vector<1000x64xf32>,
    %get3A_41 = arith.constant 0 : index
    %get3A_42 = arith.constant 0 : index
    %get3A_43 = vector.load %arg6[%get3A_41, %get3A_42] : memref<128x64xf32, #tpu.memory_space<vmem>>, vector<128x64xf32>
    %dot_general3A_44 = arith.constant dense<0.000000e+00> : vector<1000x64xf32>
    %dot_general3A_45 = tpu.matmul %select_n3A, %get3A_43, %dot_general3A_44 {dimension_numbers = #tpu.dot_dimension_numbers<[1], [0], [0], [1], [0, 0, 1, 1], [], []>, transpose_lhs_hint = false} : vector<1000x128xf32>, vector<128x64xf32>, vector<1000x64xf32> -> vector<1000x64xf32>
    %swap3A_46 = arith.constant 0 : index
    %swap3A_47 = arith.constant 0 : index
    %swap3A_48 = vector.load %arg8[%swap3A_46, %swap3A_47] : memref<1000x64xf32, #tpu.memory_space<vmem>>, vector<1000x64xf32>
    tpu.vector_store %arg8[%swap3A_46, %swap3A_47], %dot_general3A_45 {strides = array<i32>} : memref<1000x64xf32, #tpu.memory_space<vmem>>, vector<1000x64xf32>,
    return
  }
  func.func @transform_0(%arg0: i32) -> (i32, i32) {
    %c0_i32 = arith.constant 0 : i32
    %c0_i32_0 = arith.constant 0 : i32
    return %arg0, %c0_i32 : i32, i32
  }
  func.func @transform_1(%arg0: i32) -> (i32, i32) {
    %c0_i32 = arith.constant 0 : i32
    %c0_i32_0 = arith.constant 0 : i32
    return %arg0, %c0_i32 : i32, i32
  }
  func.func @transform_2(%arg0: i32) -> (i32, i32) {
    %c0_i32 = arith.constant 0 : i32
    %c0_i32_0 = arith.constant 0 : i32
    %c0_i32_1 = arith.constant 0 : i32
    return %c0_i32, %c0_i32_0 : i32, i32
  }
  func.func @transform_3(%arg0: i32) -> (i32, i32) {
    %c0_i32 = arith.constant 0 : i32
    %c0_i32_0 = arith.constant 0 : i32
    %c0_i32_1 = arith.constant 0 : i32
    return %c0_i32, %c0_i32_0 : i32, i32
  }
  func.func @transform_4(%arg0: i32) -> (i32, i32) {
    %c0_i32 = arith.constant 0 : i32
    %c0_i32_0 = arith.constant 0 : i32
    %c0_i32_1 = arith.constant 0 : i32
    return %c0_i32, %c0_i32_0 : i32, i32
  }
  func.func @transform_5(%arg0: i32) -> (i32, i32) {
    %c0_i32 = arith.constant 0 : i32
    %c0_i32_0 = arith.constant 0 : i32
    %c0_i32_1 = arith.constant 0 : i32
    return %c0_i32, %c0_i32_0 : i32, i32
  }
  func.func @transform_6(%arg0: i32) -> (i32, i32) {
    %c0_i32 = arith.constant 0 : i32
    %c0_i32_0 = arith.constant 0 : i32
    return %arg0, %c0_i32 : i32, i32
  }
  func.func @transform_7(%arg0: i32) -> (i32, i32) {
    %c0_i32 = arith.constant 0 : i32
    %c0_i32_0 = arith.constant 0 : i32
    return %arg0, %c0_i32 : i32, i32
  }
}

module attributes {stable_mosaic.version = 14 : i64} {
  func.func @_final_body(%arg0: i32, %arg1: memref<1000x80xf32, #tpu.memory_space<vmem>>, %arg2: memref<1000x80xf32, #tpu.memory_space<vmem>>, %arg3: memref<1x64xf32, #tpu.memory_space<vmem>>, %arg4: memref<1000x64xf32, #tpu.memory_space<vmem>>) attributes {dimension_semantics = [#tpu.dimension_semantics<arbitrary>], iteration_bounds = array<i64: 10>, scalar_prefetch = 0 : i64, scratch_operands = 0 : i64, tpu.core_type = #tpu.core_type<tc>, window_params = [{transform_indices = @transform_0, window_bounds = array<i64: 1000, 80>}, {transform_indices = @transform_1, window_bounds = array<i64: 1000, 80>}, {pipeline_mode = #tpu.pipeline_mode<synchronous>, transform_indices = @transform_2, window_bounds = array<i64: 1, 64>}, {transform_indices = @transform_3, window_bounds = array<i64: 1000, 64>}]} {
    %get3A = arith.constant 0 : index
    %get3A_0 = arith.constant 0 : index
    %get3A_1 = vector.load %arg1[%get3A, %get3A_0] : memref<1000x80xf32, #tpu.memory_space<vmem>>, vector<1000x80xf32>
    %get3A_2 = arith.constant 0 : index
    %get3A_3 = arith.constant 0 : index
    %get3A_4 = vector.load %arg2[%get3A_2, %get3A_3] : memref<1000x80xf32, #tpu.memory_space<vmem>>, vector<1000x80xf32>
    %slice3A = vector.extract_strided_slice %get3A_1 {offsets = [0, 0], sizes = [1000, 64], strides = [1, 1]} : vector<1000x80xf32> to vector<1000x64xf32>
    %slice3A_5 = vector.extract_strided_slice %get3A_4 {offsets = [0, 0], sizes = [1000, 64], strides = [1, 1]} : vector<1000x80xf32> to vector<1000x64xf32>
    %add3A = arith.addf %slice3A, %slice3A_5 : vector<1000x64xf32>
    %slice3A_6 = vector.extract_strided_slice %get3A_1 {offsets = [0, 64], sizes = [1000, 16], strides = [1, 1]} : vector<1000x80xf32> to vector<1000x16xf32>
    %slice3A_7 = vector.extract_strided_slice %get3A_4 {offsets = [0, 64], sizes = [1000, 16], strides = [1, 1]} : vector<1000x80xf32> to vector<1000x16xf32>
    %add3A_8 = arith.addf %slice3A_6, %slice3A_7 : vector<1000x16xf32>
    %add3A_9 = arith.constant 1.000000e-16 : f32
    %add3A_10 = vector.broadcast %add3A_9 : f32 to vector<1000x16xf32>
    %add3A_11 = arith.addf %add3A_8, %add3A_10 : vector<1000x16xf32>
    %div3A = arith.constant 1.000000e+00 : f32
    %div3A_12 = vector.broadcast %div3A : f32 to vector<1000x16xf32>
    %div3A_13 = arith.divf %div3A_12, %add3A_11 : vector<1000x16xf32>
    %slice3A_14 = vector.extract_strided_slice %div3A_13 {offsets = [0, 0], sizes = [1000, 1], strides = [1, 1]} : vector<1000x16xf32> to vector<1000x1xf32>
    %mul3A = vector.broadcast %slice3A_14 : vector<1000x1xf32> to vector<1000x64xf32>
    %mul3A_15 = arith.mulf %add3A, %mul3A : vector<1000x64xf32>
    %get3A_16 = arith.constant 0 : index
    %get3A_17 = arith.constant 0 : index
    %get3A_18 = vector.load %arg3[%get3A_16, %get3A_17] : memref<1x64xf32, #tpu.memory_space<vmem>>, vector<1x64xf32>
    %add3A_19 = vector.broadcast %get3A_18 : vector<1x64xf32> to vector<1000x64xf32>
    %add3A_20 = arith.addf %mul3A_15, %add3A_19 : vector<1000x64xf32>
    %reduce_max3A = arith.constant dense<0xFF800000> : vector<1000xf32>
    %reduce_max3A_21 = vector.multi_reduction <maximumf>, %add3A_20, %reduce_max3A [1] : vector<1000x64xf32> to vector<1000xf32>
    %broadcast_in_dim3A = vector.shape_cast %reduce_max3A_21 : vector<1000xf32> to vector<1000x1xf32>
    %sub3A = vector.broadcast %broadcast_in_dim3A : vector<1000x1xf32> to vector<1000x64xf32>
    %sub3A_22 = arith.subf %add3A_20, %sub3A : vector<1000x64xf32>
    %exp3A = math.exp %sub3A_22 : vector<1000x64xf32>
    %reduce_sum3A = arith.constant dense<0.000000e+00> : vector<1000xf32>
    %reduce_sum3A_23 = vector.multi_reduction <add>, %exp3A, %reduce_sum3A [1] : vector<1000x64xf32> to vector<1000xf32>
    %broadcast_in_dim3A_24 = vector.shape_cast %reduce_sum3A_23 : vector<1000xf32> to vector<1000x1xf32>
    %log3A = math.log %broadcast_in_dim3A_24 : vector<1000x1xf32>
    %sub3A_25 = vector.broadcast %broadcast_in_dim3A : vector<1000x1xf32> to vector<1000x64xf32>
    %sub3A_26 = arith.subf %add3A_20, %sub3A_25 : vector<1000x64xf32>
    %sub3A_27 = vector.broadcast %log3A : vector<1000x1xf32> to vector<1000x64xf32>
    %sub3A_28 = arith.subf %sub3A_26, %sub3A_27 : vector<1000x64xf32>
    %swap3A = arith.constant 0 : index
    %swap3A_29 = arith.constant 0 : index
    %swap3A_30 = vector.load %arg4[%swap3A, %swap3A_29] : memref<1000x64xf32, #tpu.memory_space<vmem>>, vector<1000x64xf32>
    tpu.vector_store %arg4[%swap3A, %swap3A_29], %sub3A_28 {strides = array<i32>} : memref<1000x64xf32, #tpu.memory_space<vmem>>, vector<1000x64xf32>,
    return
  }
  func.func @transform_0(%arg0: i32) -> (i32, i32) {
    %c0_i32 = arith.constant 0 : i32
    %c0_i32_0 = arith.constant 0 : i32
    return %arg0, %c0_i32 : i32, i32
  }
  func.func @transform_1(%arg0: i32) -> (i32, i32) {
    %c0_i32 = arith.constant 0 : i32
    %c0_i32_0 = arith.constant 0 : i32
    return %arg0, %c0_i32 : i32, i32
  }
  func.func @transform_2(%arg0: i32) -> (i32, i32) {
    %c0_i32 = arith.constant 0 : i32
    %c0_i32_0 = arith.constant 0 : i32
    %c0_i32_1 = arith.constant 0 : i32
    return %c0_i32, %c0_i32_0 : i32, i32
  }
  func.func @transform_3(%arg0: i32) -> (i32, i32) {
    %c0_i32 = arith.constant 0 : i32
    %c0_i32_0 = arith.constant 0 : i32
    return %arg0, %c0_i32 : i32, i32
  }
}

</mosaic_0001>

<sc_bundles>
// kernel: kernel.10.cloned.1.call-start
scs
__scs_entry_jumppad:
0x0: {  	(pc) =	sbr.rel $0x88, $3  }
0x1: {  	(tag) =	ssettag $0x0;
	lr =	simm.s32 $0x1  }
0x2: {  	[smem:$0x3F97] =	sst lr;
	_ =	strace $0xD0000000  }
0x3: {  	_ = 	snop  }
0x4: {  	_ = 	snop  }
0x5: {  	_ = 	snop  }
0x6: {  	_ = 	snop  }
0x7: {  	_ = 	snop  }
__scs_overlays_trampoline_lowered:
0x8: {  	[smem:$0x3FA6] =	sst s0  }
0x9: {  	[smem:$0x3FA7] =	sst s1  }
0xa: {  	[smem:$0x3FA8] =	sst s2  }
0xb: {  	[smem:$0x3FA9] =	sst s3  }
0xc: {  	[smem:$0x3FAA] =	sst s4  }
0xd: {  	[smem:$0x3FAB] =	sst s5  }
0xe: {  	[smem:$0x3FAC] =	sst s6  }
0xf: {  	[smem:$0x3FAD] =	sst s7  }
0x10: {  	[smem:$0x3FAE] =	sst s8  }
0x11: {  	[smem:$0x3FAF] =	sst s9;
	s0 =	simm.s32 @!p0 $0x0  }
0x12: {  	s1 =	sld [smem:$0x3F95];
	s0 =	simm.s32 @p0 $0x1  }
0x13: {  	[smem:$0x3FB0] =	sst s0;
	s0 =	simm.s32 @!p1 $0x0  }
0x14: {  	s2 =	sld [smem:$0x3F94];
	s0 =	simm.s32 @p1 $0x1  }
0x15: {  	[smem:$0x3FB1] =	sst s0;
	s0 =	simm.s32 @!p2 $0x0  }
0x16: {  	s3 =	sld [smem:$0x3FDB];
	s0 =	simm.s32 @p2 $0x1  }
0x17: {  	s4 =	simm.s32 $0x1BF5;
	[smem:$0x3FB3] =	sst s0  }
0x18: {  	s0 =	sld [smem:$0x3F96];
	_ =	swait.ge [sflag:s4], $0x0  }
0x19: {  	s7 =	sld [smem:$0x3F97]  }
0x1a: {  	s8 =	sadd.s32 $0xFFFFE003, lr  }
0x1b: {  	s9 =	sadd.s32 $0xFFFFFEF7, lr;
	s5 =	simm.s32 $0xFFFFFFFF;
	p2 =	slt.u32 s8, $0xFFFFF086  }
0x1c: {  	p1 =	slt.u32 s9, $0xF7A;
	s5 =	simm.s32 @!p2 $0x0  }
0x1d: {  	s5 =	simm.s32 @p1 $0x1;
	p0 =	seq.s32 s7, s2  }
0x1e: {  	s7 =	smul.u32 @!p0 $0xF7A, s2;
	p2 =	seq.s32 @!p0 s5, $0x0  }
0x1f: {  	s9 =	smul.u32 $0xF7A, s1;
	s8 =	simm.s32 @!p0 $0x1BF5;
	p2 =	por !p2, p0  }
0x20: {  	[sflag:s8] =	ssyncset.s32 @!p0 $0xFFFFF086;
	s6 =	sadd.s32 @!p0 s3, s7;
	s7 =	simm.s32 @!p0 $0x108  }
0x21: {  	s3 =	sadd.s32 s3, s9;
	s6 =	sadd.s32 @!p0 $0x88, s6;
	s7 =	simm.s32 @p2 $0x1082  }
0x22: {  	[simem:s7], [sflag:s8] =	dma.local @!p0 [hbm:s6], $0xF7A  }
0x23: {  	s9 =	sor.u32 $0xD0000000, s2;
	s6 =	simm.s32 $0x108;
	_ =	swait.ge @!p0 [sflag:s8], $0x0  }
0x24: {  	s3 =	sadd.s32 $0x88, s3;
	s6 =	simm.s32 @!p1 $0x1082;
	[sflag:s4] =	ssyncset.s32 $0xFFFFF086  }
0x25: {  	[simem:s6], [sflag:s4] =	dma.local [hbm:s3], $0xF7A  }
0x26: {  	[smem:$0x3F97] =	sst s1;
	(tag) =	ssettag s2;
	_ =	strace s9  }
0x27: {  	s1 =	sld [smem:$0x3FA7]  }
0x28: {  	s2 =	sld [smem:$0x3FA8]  }
0x29: {  	s4 =	sld [smem:$0x3FAA]  }
0x2a: {  	p0 =	seq.s32 s5, $0x0;
	s5 =	sld [smem:$0x3FAB]  }
0x2b: {  	s6 =	sld [smem:$0x3FAC]  }
0x2c: {  	s7 =	sld [smem:$0x3FAD]  }
0x2d: {  	s3 =	simm.s32 $0x108;
	s8 =	sld [smem:$0x3FAE]  }
0x2e: {  	s3 =	simm.s32 @!p0 $0x1082;
	s9 =	sld [smem:$0x3FAF]  }
0x2f: {  	lr =	sadd.s32 s0, s3;
	s0 =	sld [smem:$0x3FA6]  }
0x30: {  	s3 =	sld [smem:$0x3FA9]  }
0x31: {  	[smem:$0x3FB2] =	sst s10  }
0x32: {  	s10 =	sld [smem:$0x3FB0];
	_ =	sdelay $0x3  }
0x33: {  	p0 =	seq.s32 s10, $0x1;
	s10 =	sld [smem:$0x3FB2];
	_ =	sdelay $0x3  }
0x34: {  	[smem:$0x3FB2] =	sst s10  }
0x35: {  	s10 =	sld [smem:$0x3FB1];
	_ =	sdelay $0x3  }
0x36: {  	p1 =	seq.s32 s10, $0x1;
	s10 =	sld [smem:$0x3FB2];
	_ =	sdelay $0x3  }
0x37: {  	[smem:$0x3FB2] =	sst s10  }
0x38: {  	s10 =	sld [smem:$0x3FB3]  }
0x39: {  	_ = 	snop;
	(pc) =	sbr.ind lr, $3  }
0x3a: {  	_ = 	snop  }
0x3b: {  	_ = 	snop  }
0x3c: {  	p2 =	seq.s32 s10, $0x1;
	s10 =	sld [smem:$0x3FB2]  }
0x3d: {  	_ =	shalt  }
0x3e: {  	_ =	shalt  }
0x3f: {  	_ =	shalt  }
0x40: {  	_ =	shalt  }
0x41: {  	_ =	shalt  }
0x42: {  	_ =	shalt  }
0x43: {  	_ =	shalt  }
0x44: {  	_ =	shalt  }
0x45: {  	_ =	shalt  }
0x46: {  	_ =	shalt  }
0x47: {  	_ =	shalt  }
0x48: {  	_ =	shalt  }
0x49: {  	_ =	shalt  }
0x4a: {  	_ =	shalt  }
0x4b: {  	_ =	shalt  }
0x4c: {  	_ =	shalt  }
0x4d: {  	_ =	shalt  }
0x4e: {  	_ =	shalt  }
0x4f: {  	_ =	shalt  }
0x50: {  	_ =	shalt  }
0x51: {  	_ =	shalt  }
0x52: {  	_ =	shalt  }
0x53: {  	_ =	shalt  }
0x54: {  	_ =	shalt  }
0x55: {  	_ =	shalt  }
0x56: {  	_ =	shalt  }
0x57: {  	_ =	shalt  }
0x58: {  	_ =	shalt  }
0x59: {  	_ =	shalt  }
0x5a: {  	_ =	shalt  }
0x5b: {  	_ =	shalt  }
0x5c: {  	_ =	shalt  }
0x5d: {  	_ =	shalt  }
0x5e: {  	_ =	shalt  }
0x5f: {  	_ =	shalt  }
0x60: {  	_ =	shalt  }
0x61: {  	_ =	shalt  }
0x62: {  	_ =	shalt  }
0x63: {  	_ =	shalt  }
0x64: {  	_ =	shalt  }
0x65: {  	_ =	shalt  }
0x66: {  	_ =	shalt  }
0x67: {  	_ =	shalt  }
0x68: {  	_ =	shalt  }
0x69: {  	_ =	shalt  }
0x6a: {  	_ =	shalt  }
0x6b: {  	_ =	shalt  }
0x6c: {  	_ =	shalt  }
0x6d: {  	_ =	shalt  }
0x6e: {  	_ =	shalt  }
0x6f: {  	_ =	shalt  }
0x70: {  	_ =	shalt  }
0x71: {  	_ =	shalt  }
0x72: {  	_ =	shalt  }
0x73: {  	_ =	shalt  }
0x74: {  	_ =	shalt  }
0x75: {  	_ =	shalt  }
0x76: {  	_ =	shalt  }
0x77: {  	_ =	shalt  }
0x78: {  	_ =	shalt  }
0x79: {  	_ =	shalt  }
0x7a: {  	_ =	shalt  }
0x7b: {  	_ =	shalt  }
0x7c: {  	_ =	shalt  }
0x7d: {  	_ =	shalt  }
0x7e: {  	_ =	shalt  }
0x7f: {  	_ =	shalt  }
0x80: {  	_ =	shalt  }
0x81: {  	_ =	shalt  }
0x82: {  	_ =	shalt  }
0x83: {  	_ =	shalt  }
0x84: {  	_ =	shalt  }
0x85: {  	_ =	shalt  }
0x86: {  	_ =	shalt  }
0x87: {  	_ =	shalt  }
.Lfunc_end0:
.L_simem_size_0:
called_computation.1_lowered:
.L_overlay_start_0:
0x88: {  	s2 =	sld [smem:$0x3FD9]  }
0x89: {  	s3 =	sld [smem:$0x3FFE];
	_ =	sdelay $0x1  }
0x8a: {  	s1 =	srdreg.scid  }
0x8b: {  	s0 =	sand.u32 $0x1, s1  }
0x8c: {  	s17 =	sshll.u32 s0, $0xA;
	s2 =	sadd.s32 s3, s2  }
0x8d: {  	s2 =	sadd.s32 s2, s17  }
0x8e: {  	[smem:$0x3FBE] =	sst s2  }
0x8f: {  	_ = 	snop  }
0x90: {  	s2 =	sld [smem:$0x3FC1]  }
0x91: {  	s18 =	sld [smem:$0x3FD0];
	(tm) =	ssettm $0x1  }
0x92: {  	s4 =	sld [smem:$0x3FFB];
	_ =	sdelay $0x3  }
0x93: {  	_ =	strace s4  }
0x94: {  	s4 =	sld [smem:$0x3FFC];
	_ =	sdelay $0x3  }
0x95: {  	_ =	strace s4  }
0x96: {  	s4 =	sld [smem:$0x3FFD];
	_ =	sdelay $0x3  }
0x97: {  	_ =	strace s4  }
0x98: {  	_ =	strace $0x8FFFFFFF  }
0x99: {  	s19 =	sld [smem:$0x3FDB];
	_ =	sdelay $0x1  }
0x9a: {  	s5 =	simm.s32 $_scs_section_size  }
0x9b: {  	s6 =	simm.s32 $_size__tile_overlayer_lowered;
	s7 =	simm.s32 $_tile_overlayer_lowered  }
0x9c: {  	s22 =	simm.s32 $0x1BFF;
	s21 =	sshll.u32 s7, $0x1;
	s4 =	sadd.s32 s5, s19  }
0x9d: {  	s8 =	simm.s32 $0x0;
	s20 =	sshll.u32 s6, $0x1;
	s6 =	sadd.s32 s21, s4  }
0x9e: {  	[timem:s8], [sflag:s22] =	dma.local [hbm:s6], s20  }
0x9f: {  	_ =	swait.ge [sflag:s22], s20  }
0xa0: {  	s5 =	ssub.s32 $0x0, s20;
	[sflag:s22] =	ssyncset.done $0x0  }
0xa1: {  	[sflag:s22] =	ssyncadd.s32 s5;
	_ =	sdelay $0x1  }
0xa2: {  	s23 =	simm.s32 $0x1B8B  }
0xa3: {  	_ =	swait.ge [sflag:s23], $0x1  }
0xa4: {  	[sflag:s23] =	ssyncset.done $0x0  }
0xa5: {  	s25 =	simm.s32 $0x1B8E;
	s24 =	sld [smem:$0x3FFE];
	[sflag:s23] =	ssyncadd.s32 $0xFFFFFFFF  }
0xa6: {  	s26 =	simm.s32 $execute0_lowered;
	[smem:$0x3FD2] =	sst s25  }
0xa7: {  	s6 =	sshll.u32 s26, $0x1;
	_ =	strace $0x80000049;
	[dreg:$0x1] =	wrdreg $0xFFFFFFFF  }
0xa8: {  	s28 =	simm.s32 $_size_execute0_lowered;
	s4 =	sadd.s32 s4, s6;
	[dreg:$0x0] =	wrdreg $0x0  }
0xa9: {  	s6 =	sshll.u32 s28, $0x1;
	[dreg:$0x2] =	wrdreg s4  }
0xaa: {  	[dreg:$0x3] =	wrdreg s6  }
0xab: {  	[dreg:$0x4] =	wrdreg $0xC0  }
0xac: {  	_ =	task [dreg:s8], $0x5FFFF  }
0xad: {  	[dreg:$0x1] =	wrdreg $0xFFFFFFFF  }
0xae: {  	[dreg:$0x0] =	wrdreg $0x60  }
0xaf: {  	[dreg:$0x2] =	wrdreg s18  }
0xb0: {  	[dreg:$0x3] =	wrdreg s24  }
0xb1: {  	[dreg:$0x4] =	wrdreg s2  }
0xb2: {  	[dreg:$0x5] =	wrdreg $0xB9400  }
0xb3: {  	[dreg:$0x6] =	wrdreg $0x9  }
0xb4: {  	_ =	task.clear_ibuf [dreg:s8], $0x7FFFF;
	_ =	strace $0x90000049  }
0xb5: {  	s29 =	simm.s32 $0x9;
	_ =	strace $0x8000004B  }
0xb6: {  	_ =	swait.ge [sflag:s29], $0x1  }
0xb7: {  	[sflag:s29] =	ssyncadd.s32 $0xFFFFFFFF  }
0xb8: {  	_ =	strace $0x9000004B  }
0xb9: {  	_ =	sfence  }
0xba: {  	s30 =	sld [smem:$0x0];
	_ =	sdelay $0x2  }
0xbb: {  	s31 =	sshll.u32 s1, $0xD;
	s1 =	sshrl.u32 s1, $0x2  }
0xbc: {  	s3 =	sand.u32 $0x4000, s31;
	s1 =	sadd.s32 s1, s30  }
0xbd: {  	s0 =	sor.u32 s3, s0;
	s1 =	sshll.u32 s1, $0x11  }
0xbe: {  	s0 =	sor.u32 s1, s0  }
0xbf: {  	s0 =	sadd.s32 $0x8F2B, s0  }
0xc0: {  	[sflag:s0] =	ssyncadd.remote.s32 $0x1  }
0xc1: {  	_ =	sfence.sel $0xFFFF  }
0xc2: {  	[dreg:$0x0] =	wrdreg $0xFFFFFFFF;
	(pc) =	sbr.abs _section_cstart, $3  }
0xc3: {  	[dreg:$0x1] =	wrdreg $0xFFFFFFFF  }
0xc4: {  	_ =	task.clear_ibuf [dreg:s8], $0x2FFFF;
	_ =	strace $0x9FFFFFFF  }
0xc5: {  	(tm) =	ssettm $0x7FFFFFFF  }
tec
execute0_lowered:
.L_overlay_start_1:
0x0: {  	(tag) =	ssettag $0x1  }
0x1: {  	s0 =	rddreg [dreg:$0x0]  }
0x2: {  	s1 =	rddreg [dreg:$0x1]  }
0x3: {  	s2 =	srdreg.scid;
	s4 =	rddreg [dreg:$0x3]  }
0x4: {  	s9 =	stileid.u32;
	s5 =	simm.s32 $0x0;
	s21 =	simm.s32 $0x3  }
0x5: {  	s28 =	simm.s32 $0x2;
	s29 =	simm.s32 $0x80;
	s30 =	simm.s32 $0x0  }
0x6: {  	s2 =	sand.u32 $0x1, s2;
	[smem:$0x7FF] =	sst s5;
	s6 =	sadd.s32 $0x1800, s1  }
0x7: {  	s13 =	smul.u32 $0xC800, s9;
	s3 =	sshll.u32 s2, $0x4;
	_ =	strace $0x8000004A  }
0x8: {  	s7 =	ssub.s32 $0x2, s2;
	s2 =	smul.u32 $0xC8000, s2;
	s3 =	sor.u32 s9, s3  }
0x9: {  	s8 =	sshrl.u32 s7, $0x1;
	s9 =	sadd.s32 s13, s4;
	s25 =	sadd.s32 $0x2800, s13  }
0xa: {  	s16 =	sadd.s32 $0x5000, s13;
	s17 =	sadd.s32 $0x7800, s13;
	s18 =	sadd.s32 $0xA000, s13  }
0xb: {  	s3 =	smul.u32 $0x510, s3;
	s7 =	ssub.s32 s7, s8;
	s10 =	sadd.s32 s25, s4  }
0xc: {  	s11 =	sadd.s32 s16, s4;
	s12 =	sadd.s32 s17, s4;
	s14 =	sadd.s32 s13, s2  }
0xd: {  	s13 =	sadd.s32 s18, s4;
	s26 =	sadd.s32 s2, s16;
	s31 =	sadd.s32 s2, s17  }
0xe: {  	s14 =	sshrl.u32 s14, $0x3;
	s17 =	sshrl.u32 s31, $0x3;
	s3 =	sadd.s32 s3, s1  }
0xf: {  	s19 =	smax.u32 s7, $0x1;
	s1 =	sadd.s32 $0x3CE00, s1;
	s24 =	sadd.s32 $0x28A00, s3  }
0x10: {  	s8 =	sadd.s32 $0x32C00, s3;
	s3 =	sadd.s32 s2, s25;
	s14 =	sadd.s32 s1, s14  }
0x11: {  	s2 =	sadd.s32 s2, s18;
	s17 =	sadd.s32 s1, s17;
	s25 =	simm.s32 $0x2000  }
0x12: {  	[dreg:$0x5] =	wrdreg s24;
	s3 =	sshrl.u32 s3, $0x3;
	s2 =	sshrl.u32 s2, $0x3  }
0x13: {  	s24 =	simm.s32 $0x4000;
	s15 =	sadd.s32 s1, s3;
	s3 =	sshrl.u32 s26, $0x3  }
0x14: {  	v0 =	vimm.f32 $0.0e+00;
	s18 =	sadd.s32 s1, s2;
	s26 =	simm.s32 $0x1;
	s16 =	sadd.s32 s1, s3  }
.LBB2_1:
0x15: {  	s1 =	rddreg [dreg:$0x5];
	s2 =	simm.s32 $0x6840  }
0x16: {  	[tilespmem:s2], [sflag:$0x3] =	stream.linear.gather [hbm4b:s1+s5], $0x2880, $0x38;
	[tilespmem:$0x18140] =	vst v63  }
0x17: {  	_ =	swait.ge [sflag:s21], $0x2880  }
0x18: {  	[sflag:s21] =	ssyncset.done $0x0  }
0x19: {  	s22 =	simm.s32 $0x90C0;
	[sflag:s21] =	ssyncadd.s32 $0xFFFFD780  }
0x1a: {  	[tilespmem:s22], [sflag:$0x3] =	stream.linear.gather [hbm4b:s8+s5], $0x2880, $0x38;
	[tilespmem:$0x18140] =	vst v63  }
0x1b: {  	_ =	swait.ge [sflag:s21], $0x2880  }
0x1c: {  	[sflag:s21] =	ssyncset.done $0x0  }
0x1d: {  	[sflag:s21] =	ssyncadd.s32 $0xFFFFD780  }
0x1e: {  	s31 =	simm.s32 $0x6800;
	s23 =	rddreg [dreg:$0x2]  }
0x1f: {  	[tilespmem:s31], [sflag:$0x3] =	stream.linear.gather [hbm4b:s23+s5], $0x40, $0x38;
	[tilespmem:$0x18140] =	vst v63  }
0x20: {  	_ =	swait.ge [sflag:s21], $0x40  }
0x21: {  	[sflag:s21] =	ssyncset.done $0x0  }
0x22: {  	s2 =	simm.s32 $0x140;
	s1 =	simm.s32 $0x0;
	[sflag:s21] =	ssyncadd.s32 $0xFFFFFFC0  }
.LBB2_2:
0x23: {  	p0 =	sne.s32 s2, $0x9EC0;
	[tilespmem:s1+$0x4040] =	vst v0;
	s3 =	smov.u32 s2;
	s2 =	sadd.s32 $0x140, s2  }
.Ltmp0:
0x24: {  	[tilespmem:s1+$0x4030] =	vst v0;
	(pc) =	sbr.rel @p0 .LBB2_2-.Ltmp0, $4  }
0x25: {  	[tilespmem:s1+$0x4020] =	vst v0  }
0x26: {  	[tilespmem:s1+$0x4000] =	vst v0  }
0x27: {  	[tilespmem:s1+$0x4010] =	vst v0  }
0x28: {  	s1 =	sshra.s32 s3, $0x2  }
0x29: {  	[tilespmem:s1+$0x4040] =	vst v0  }
0x2a: {  	[tilespmem:s1+$0x4030] =	vst v0  }
0x2b: {  	[tilespmem:s1+$0x4020] =	vst v0  }
0x2c: {  	[tilespmem:s1+$0x4000] =	vst v0  }
0x2d: {  	[tilespmem:s1+$0x4010] =	vst v0  }
0x2e: {  	[spmem:s9] =	stream.linear.scatter [tilespmem:s24], [sflag:$0x3], $0x2800, $0x38;
	[tilespmem:$0x18140] =	vst v63  }
0x2f: {  	_ =	swait.ge [sflag:s21], $0x2800  }
0x30: {  	[sflag:s21] =	ssyncset.done $0x0  }
0x31: {  	[sflag:s21] =	ssyncadd.s32 $0xFFFFD800  }
0x32: {  	[spmem:s10] =	stream.linear.scatter [tilespmem:s24], [sflag:$0x3], $0x2800, $0x38;
	[tilespmem:$0x18140] =	vst v63  }
0x33: {  	_ =	swait.ge [sflag:s21], $0x2800  }
0x34: {  	[sflag:s21] =	ssyncset.done $0x0  }
0x35: {  	[sflag:s21] =	ssyncadd.s32 $0xFFFFD800  }
0x36: {  	[spmem:s11] =	stream.linear.scatter [tilespmem:s24], [sflag:$0x3], $0x2800, $0x38;
	[tilespmem:$0x18140] =	vst v63  }
0x37: {  	_ =	swait.ge [sflag:s21], $0x2800  }
0x38: {  	[sflag:s21] =	ssyncset.done $0x0  }
0x39: {  	[sflag:s21] =	ssyncadd.s32 $0xFFFFD800  }
0x3a: {  	[spmem:s12] =	stream.linear.scatter [tilespmem:s24], [sflag:$0x3], $0x2800, $0x38;
	[tilespmem:$0x18140] =	vst v63  }
0x3b: {  	_ =	swait.ge [sflag:s21], $0x2800  }
0x3c: {  	[sflag:s21] =	ssyncset.done $0x0  }
0x3d: {  	[sflag:s21] =	ssyncadd.s32 $0xFFFFD800  }
0x3e: {  	[spmem:s13] =	stream.linear.scatter [tilespmem:s24], [sflag:$0x3], $0x2800, $0x38;
	[tilespmem:$0x18140] =	vst v63  }
0x3f: {  	_ =	swait.ge [sflag:s21], $0x2800  }
0x40: {  	[sflag:s21] =	ssyncset.done $0x0  }
0x41: {  	[sflag:s21] =	ssyncadd.s32 $0xFFFFD800  }
0x42: {  	[bflag:$0x0] =	sbarrier.arrive $0xFFFF  }
0x43: {  	v4 =	vld [tilespmem:$0x6830];
	_ =	sdelay $0x1  }
0x44: {  	v1 =	vld [tilespmem:$0x6800]  }
0x45: {  	v2 =	vld [tilespmem:$0x6810]  }
0x46: {  	s31 =	simm.s32 $0x0;
	v3 =	vld [tilespmem:$0x6820]  }
.LBB2_4:
0x47: {  	s1 =	sshll.u32 s31, $0x7  }
0x48: {  	s2 =	simm.s32 $0x80;
	s3 =	sadd.s32 $0x6840, s1  }
0x49: {  	[tilespmem:s5], [sflag:$0x1] =	stream.indirect.gather [hbm4b:s0+s2], $0x40, s3, s2, $0xb8;
	[tilespmem:$0x18140] =	vst v63  }
0x4a: {  	s1 =	sadd.s32 $0x90C0, s1  }
0x4b: {  	[tilespmem:s25], [sflag:$0x2] =	stream.indirect.gather [hbm4b:s6+s2], $0x40, s1, s2, $0xb8;
	[tilespmem:$0x18140] =	vst v63  }
0x4c: {  	_ =	swait.ge [sflag:s26], $0x2000  }
0x4d: {  	[sflag:s26] =	ssyncset.done $0x0  }
0x4e: {  	[sflag:s26] =	ssyncadd.s32 $0xFFFFE000  }
0x4f: {  	_ =	swait.ge [sflag:s28], $0x2000  }
0x50: {  	[sflag:s28] =	ssyncset.done $0x0  }
0x51: {  	[sflag:s28] =	ssyncadd.s32 $0xFFFFE000  }
0x52: {  	v9 =	vld [tilespmem:s2+$0x70]  }
0x53: {  	s23 =	simm.s32 $0x2080;
	v10 =	vld [tilespmem:s2+$0x40]  }
0x54: {  	v5 =	vld [tilespmem:s23+$0x40]  }
0x55: {  	v25 =	vld [tilespmem:s2+$0x50]  }
0x56: {  	v6 =	vld [tilespmem:s23+$0x50]  }
0x57: {  	v26 =	vld [tilespmem:s2+$0x60]  }
0x58: {  	v7 =	vld [tilespmem:s23+$0x60]  }
0x59: {  	v8 =	vld [tilespmem:s23+$0x70]  }
0x5a: {  	v11 =	vld [tilespmem:s23+$0xFFFFFF80]  }
0x5b: {  	v28 =	vld [tilespmem:s2+$0xFFFFFF90]  }
0x5c: {  	v27 =	vld [tilespmem:s2+$0xFFFFFFC0]  }
0x5d: {  	v14 =	vld [tilespmem:s23+$0xFFFFFFC0]  }
0x5e: {  	v13 =	vld [tilespmem:s23+$0xFFFFFF90]  }
0x5f: {  	v33 =	vld [tilespmem:s2+$0xFFFFFFD0];
	v12 =	vadd.f32 v5, v10;
	v6 =	vadd.f32 v6, v25  }
0x60: {  	v15 =	vld [tilespmem:s23+$0xFFFFFFD0]  }
0x61: {  	v34 =	vld [tilespmem:s2+$0xFFFFFF80];
	v7 =	vadd.f32 v7, v26;
	v16 =	vmul.f32 $2.000000030e-01, v12;
	v17 =	vmul.f32 $2.000000030e-01, v6  }
0x62: {  	v18 =	vld [tilespmem:s23+$0x0];
	v8 =	vadd.f32 v8, v9;
	v14 =	vadd.f32 v14, v27  }
0x63: {  	v19 =	vld [tilespmem:s23+$0x10];
	v16 =	vmax.f32 v12, v16;
	v6 =	vmax.f32 v6, v17;
	v17 =	vmul.f32 $2.000000030e-01, v7  }
0x64: {  	v32 =	vld [tilespmem:s2+$0xFFFFFFA0];
	v16 =	vmul.f32 v16, v1;
	v6 =	vmul.f32 v6, v2  }
0x65: {  	v22 =	vld [tilespmem:s2+$0xFFFFFFE0];
	v21 =	vmul.f32 $2.000000030e-01, v14;
	v7 =	vmax.f32 v7, v17;
	v17 =	vmul.f32 $2.000000030e-01, v8  }
0x66: {  	v5 =	vld [tilespmem:s2+$0x0];
	v11 =	vadd.f32 v11, v34;
	v6 =	vadd.f32 v6, v16;
	v7 =	vmul.f32 v7, v3  }
0x67: {  	v20 =	vld [tilespmem:s23+$0xFFFFFFE0];
	v13 =	vadd.f32 v13, v28;
	v14 =	vmax.f32 v14, v21;
	v8 =	vmax.f32 v8, v17  }
0x68: {  	v12 =	vld [tilespmem:s2+$0x10];
	v21 =	vmul.f32 $2.000000030e-01, v11;
	v6 =	vadd.f32 v7, v6;
	v7 =	vmul.f32 v8, v4  }
0x69: {  	v35 =	vld [tilespmem:s2+$0xFFFFFFB0];
	v8 =	vadd.f32 v15, v33;
	v15 =	vmul.f32 $2.000000030e-01, v13  }
0x6a: {  	v11 =	vmax.f32 v11, v21;
	v16 =	vld [tilespmem:s23+$0xFFFFFFA0];
	v6 =	vadd.f32 v7, v6  }
0x6b: {  	v29 =	vld [tilespmem:s2+$0xFFFFFFF0];
	v7 =	vmul.f32 $2.000000030e-01, v8;
	v13 =	vmax.f32 v13, v15;
	v15 =	vadd.f32 v18, v5  }
0x6c: {  	v23 =	vld [tilespmem:s23+$0xFFFFFFF0];
	v14 =	vmul.f32 v14, v1;
	v11 =	vmul.f32 v11, v1  }
0x6d: {  	v17 =	vld [tilespmem:s2+$0x20];
	(xrf2) =	vadd.scan.msk.f32 $0xffff, v6;
	v6 =	vmax.f32 v8, v7;
	v7 =	vmul.f32 $2.000000030e-01, v15;
	v8 =	vadd.f32 v19, v12  }
0x6e: {  	v13 =	vmul.f32 v13, v2;
	v19 =	vld [tilespmem:s23+$0xFFFFFFB0];
	v6 =	vmul.f32 v6, v2  }
0x6f: {  	v18 =	vld [tilespmem:s23+$0x20];
	v16 =	vadd.f32 v16, v32;
	v7 =	vmax.f32 v15, v7;
	v15 =	vmul.f32 $2.000000030e-01, v8  }
0x70: {  	s7 =	simm.s32 $0x180;
	v24 =	vld [tilespmem:s2+$0x30];
	v11 =	vadd.f32 v13, v11;
	v14 =	vadd.f32 v6, v14  }
0x71: {  	v36 =	vld [tilespmem:s7+$0x70];
	v6 =	vmul.f32 $2.000000030e-01, v16;
	v8 =	vmax.f32 v8, v15;
	v15 =	vadd.f32 v20, v22  }
0x72: {  	v37 =	vld [tilespmem:s7+$0x40];
	v13 =	vadd.f32 v23, v29;
	v7 =	vmul.f32 v7, v1;
	v8 =	vmul.f32 v8, v2  }
0x73: {  	s20 =	simm.s32 $0x2180;
	v6 =	vmax.f32 v16, v6;
	v16 =	vld [tilespmem:s23+$0x30];
	v19 =	vadd.f32 v19, v35;
	v20 =	vmul.f32 $2.000000030e-01, v15  }
0x74: {  	v38 =	vld [tilespmem:s20+$0xFFFFFFD0];
	v18 =	vadd.f32 v18, v17;
	v30 =	vmul.f32 $2.000000030e-01, v13;
	v6 =	vmul.f32 v6, v3  }
0x75: {  	v7 =	vadd.f32 v8, v7;
	v8 =	vmax.f32 v15, v20;
	v15 =	vmul.f32 $2.000000030e-01, v19;
	v20 =	vld [tilespmem:s20+$0x40]  }
0x76: {  	v21 =	vmul.f32 $2.000000030e-01, v18;
	v11 =	vadd.f32 v6, v11;
	v6 =	vld [tilespmem:s7+$0x50]  }
0x77: {  	v13 =	vmax.f32 v13, v30;
	v31 =	vmul.f32 v8, v3;
	v23, _, _ =	vpop (xrf2);
	v8 =	vmax.f32 v19, v15;
	v15 =	vld [tilespmem:s20+$0x50]  }
0x78: {  	v30 =	vld [tilespmem:s20+$0x60];
	v16 =	vadd.f32 v16, v24;
	v23 =	vmul.f32 $1.442695020e+00, v23;
	v19 =	vmul.f32 v8, v4  }
0x79: {  	v13 =	vmul.f32 v13, v4;
	v18 =	vmax.f32 v18, v21;
	v8 =	vld [tilespmem:s7+$0x60];
	v14 =	vadd.f32 v31, v14  }
0x7a: {  	v40 =	vld [tilespmem:s20+$0x10];
	v21 =	vmul.f32 $2.000000030e-01, v16;
	v23 =	vbroadcast v23, $0xF;
	v11 =	vadd.f32 v19, v11  }
0x7b: {  	v18 =	vmul.f32 v18, v3;
	v19 =	vld [tilespmem:s20+$0x70];
	v13 =	vadd.f32 v13, v14;
	v20 =	vadd.f32 v20, v37  }
0x7c: {  	v31 =	vld [tilespmem:s20+$0xFFFFFFC0];
	v14 =	vmax.f32 v16, v21;
	(erf) = vpow2.f32 v23;
	(xrf2) =	vadd.scan.msk.f32 $0xffff, v11;
	v21 =	vadd.f32 v15, v6  }
0x7d: {  	v7 =	vadd.f32 v18, v7;
	v14 =	vmul.f32 v14, v4;
	v11 =	vld [tilespmem:s7+$0xFFFFFF90];
	v18 =	vmul.f32 $2.000000030e-01, v20  }
0x7e: {  	(xrf2) =	vadd.scan.msk.f32 $0xffff, v13;
	v13 =	vld [tilespmem:s20+$0xFFFFFF90];
	v30 =	vadd.f32 v30, v8;
	v23 =	vmul.f32 $2.000000030e-01, v21  }
0x7f: {  	v15 =	vld [tilespmem:s7+$0xFFFFFFC0];
	v7 =	vadd.f32 v14, v7;
	v18 =	vmax.f32 v20, v18  }
0x80: {  	v46 =	vld [tilespmem:s20+$0xFFFFFFE0];
	v14 =	vadd.f32 v19, v36;
	v20 =	vmax.f32 v21, v23;
	v21 =	vmul.f32 $2.000000030e-01, v30  }
0x81: {  	v19 =	vld [tilespmem:s7+$0xFFFFFFD0];
	v18 =	vmul.f32 v18, v1;
	(xrf2) =	vadd.scan.msk.f32 $0xffff, v7;
	v20 =	vmul.f32 v20, v2  }
0x82: {  	v23 =	vld [tilespmem:s7+$0x0];
	v7 =	vmax.f32 v30, v21;
	v21 =	vmul.f32 $2.000000030e-01, v14  }
0x83: {  	v13 =	vadd.f32 v13, v11;
	v30 =	vld [tilespmem:s20+$0x0];
	v18 =	vadd.f32 v20, v18;
	v20 =	vmul.f32 v7, v3  }
0x84: {  	v16 =	vld [tilespmem:s20+$0xFFFFFF80];
	v31 =	vadd.f32 v31, v15;
	v14 =	vmax.f32 v14, v21  }
0x85: {  	v21 =	vld [tilespmem:s7+$0xFFFFFF80];
	v39 =	vpop (erf);
	v18 =	vadd.f32 v20, v18;
	v14 =	vmul.f32 v14, v4;
	v20 =	vmul.f32 $2.000000030e-01, v13  }
0x86: {  	v7 =	vld [tilespmem:s7+$0x10];
	v38 =	vadd.f32 v38, v19;
	v43 =	vmul.f32 v39, v10;
	v10, _, _ =	vpop (xrf2);
	v42 =	vmul.f32 v39, v9  }
0x87: {  	v48 =	vld [tilespmem:s20+$0x20];
	v9 =	vmul.f32 $1.442695020e+00, v10;
	v10 =	vadd.f32 v14, v18;
	v18 =	vmul.f32 $2.000000030e-01, v31  }
0x88: {  	v13 =	vmax.f32 v13, v20;
	v20 =	vld [tilespmem:s7+$0xFFFFFFA0];
	v30 =	vadd.f32 v30, v23  }
0x89: {  	v44 =	vmul.f32 v13, v2;
	v13 =	vld [tilespmem:s20+$0xFFFFFFA0];
	v18 =	vmax.f32 v31, v18;
	v31 =	vmul.f32 $2.000000030e-01, v38  }
0x8a: {  	v14, _, _ =	vpop (xrf2);
	(xrf2) =	vadd.scan.msk.f32 $0xffff, v10;
	v10 =	vld [tilespmem:s7+$0xFFFFFFE0];
	v45 =	vbroadcast v9, $0xF;
	v60 =	vmul.f32 $2.000000030e-01, v30;
	v16 =	vadd.f32 v16, v21  }
0x8b: {  	v40 =	vadd.f32 v40, v7;
	v9 =	vld [tilespmem:s7+$0x20];
	v14 =	vmul.f32 $1.442695020e+00, v14;
	v18 =	vmul.f32 v18, v1;
	v41, _, _ =	vpop (xrf2)  }
0x8c: {  	v31 =	vmax.f32 v38, v31;
	v47 =	vmul.f32 $1.442695020e+00, v41;
	v61 =	vmul.f32 $2.000000030e-01, v16  }
0x8d: {  	v51 =	vld [tilespmem:s20+$0xFFFFFFB0];
	(erf) = vpow2.f32 v45;
	v31 =	vmul.f32 v31, v2  }
0x8e: {  	v41 =	vld [tilespmem:s7+$0xFFFFFFB0];
	v49 =	vbroadcast v14, $0xF;
	v14 =	vmax.f32 v30, v60;
	v30 =	vmul.f32 $2.000000030e-01, v40  }
0x8f: {  	v63 =	vld [tilespmem:s20+$0xFFFFFFF0];
	v50 =	vadd.f32 v13, v20;
	v52 =	vmul.f32 v14, v1;
	v16 =	vmax.f32 v16, v61  }
0x90: {  	v14 =	vld [tilespmem:s7+$0xFFFFFFF0];
	v13 =	vmax.f32 v40, v30;
	v62 =	vadd.f32 v46, v10;
	v48 =	vadd.f32 v48, v9  }
0x91: {  	v46 =	vadd.f32 v31, v18;
	v30 =	vmul.f32 $2.000000030e-01, v50;
	v18 =	vmul.f32 v13, v2  }
0x92: {  	v57 =	vld [tilespmem:s20+$0x30];
	v16 =	vmul.f32 v16, v1;
	v59 =	vmul.f32 $2.000000030e-01, v48  }
0x93: {  	s3 =	simm.s32 $0x2280;
	v13 =	vld [tilespmem:s7+$0x30];
	v30 =	vmax.f32 v50, v30;
	v52 =	vadd.f32 v18, v52;
	v18 =	vadd.f32 v51, v41  }
0x94: {  	v61 =	vld [tilespmem:s3+$0x40];
	v56 =	vmul.f32 $2.000000030e-01, v62;
	v16 =	vadd.f32 v44, v16;
	v58 =	vmul.f32 v30, v3  }
0x95: {  	v45 =	vadd.f32 v63, v14;
	v48 =	vmax.f32 v48, v59;
	v63 =	vld [tilespmem:s3+$0x50];
	v31, _, _ =	vpop (xrf2);
	v53 =	vmul.f32 $2.000000030e-01, v18  }
0x96: {  	s22 =	simm.s32 $0x280;
	v40 =	vmax.f32 v62, v56;
	v62 =	vmul.f32 v48, v3;
	v48 =	vld [tilespmem:s3+$0xFFFFFF90];
	v30 =	vmul.f32 $1.442695020e+00, v31  }
0x97: {  	v40 =	vmul.f32 v40, v3;
	v31 =	vld [tilespmem:s22+$0x70];
	v44 =	vadd.f32 v58, v16;
	v54 =	vmul.f32 $2.000000030e-01, v45  }
0x98: {  	v50 =	vadd.f32 v57, v13;
	v16 =	vld [tilespmem:s22+$0x50];
	v18 =	vmax.f32 v18, v53;
	v60 =	vbroadcast v30, $0xF  }
0x99: {  	v38 =	vbroadcast v47, $0xF;
	v40 =	vadd.f32 v40, v46;
	v30 =	vld [tilespmem:s22+$0x40];
	v53 =	vmul.f32 v18, v4  }
0x9a: {  	v58 =	vld [tilespmem:s3+$0x60];
	v45 =	vmax.f32 v45, v54;
	v57 =	vmul.f32 $2.000000030e-01, v50;
	(erf) = vpow2.f32 v60  }
0x9b: {  	v18 =	vld [tilespmem:s22+$0x60];
	v45 =	vmul.f32 v45, v4;
	v44 =	vadd.f32 v53, v44;
	(erf) = vpow2.f32 v49  }
0x9c: {  	v59 =	vmax.f32 v50, v57;
	v50 =	vld [tilespmem:s3+$0x70];
	v60 =	vadd.f32 v62, v52;
	v49 =	vpop (erf);
	(erf) = vpow2.f32 v38  }
0x9d: {  	v53 =	vmul.f32 v49, v34;
	v54 =	vmul.f32 v49, v28;
	v28 =	vadd.f32 v45, v40;
	v34 =	vld [tilespmem:s22+$0xFFFFFF90]  }
0x9e: {  	v45 =	vld [tilespmem:s3+$0xFFFFFF80];
	v38 =	vmul.f32 v59, v4;
	v52 =	vmul.f32 v49, v35;
	v35 =	vadd.f32 v61, v30  }
0x9f: {  	v55 =	vmul.f32 v39, v26;
	(xrf2) =	vadd.scan.msk.f32 $0xffff, v44;
	v40 =	vld [tilespmem:s22+$0xFFFFFF80];
	v61 =	vadd.f32 v63, v16  }
0xa0: {  	v51 =	vmul.f32 v39, v25;
	(xrf2) =	vadd.scan.msk.f32 $0xffff, v28;
	v28 =	vadd.f32 v38, v60;
	v25 =	vmul.f32 $2.000000030e-01, v35  }
0xa1: {  	v26 =	vld [tilespmem:s22+$0xFFFFFFC0];
	v47 =	vmul.f32 v49, v32;
	v63 =	vadd.f32 v58, v18;
	v62 =	vmul.f32 $2.000000030e-01, v61  }
0xa2: {  	v46 =	vld [tilespmem:s3+$0xFFFFFFC0];
	v60 =	vadd.f32 v50, v31;
	(xrf2) =	vadd.scan.msk.f32 $0xffff, v28;
	v25 =	vmax.f32 v35, v25;
	v48 =	vadd.f32 v48, v34  }
0xa3: {  	v50 =	vld [tilespmem:s3+$0xFFFFFFD0];
	v61 =	vmax.f32 v61, v62;
	v62 =	vmul.f32 $2.000000030e-01, v63;
	v57 =	vmul.f32 v25, v1;
	v32 =	vpop (erf)  }
0xa4: {  	v28 =	vld [tilespmem:s22+$0xFFFFFFD0];
	v45 =	vadd.f32 v45, v40;
	v35 =	vmul.f32 v61, v2;
	v61 =	vmul.f32 $2.000000030e-01, v48;
	v38 =	vpop (erf)  }
0xa5: {  	v58 =	vmul.f32 v38, v27;
	v27 =	vmax.f32 v63, v62;
	v63 =	vmul.f32 $2.000000030e-01, v60  }
0xa6: {  	v44 =	vld [tilespmem:s3+$0x0];
	v56 =	vmul.f32 v32, v37;
	v35 =	vadd.f32 v35, v57;
	v57 =	vmul.f32 v27, v3  }
0xa7: {  	s20 =	simm.s32 $0x40A0;
	v25 =	vld [tilespmem:s22+$0x0];
	v59 =	vmul.f32 v38, v33;
	v33 =	vadd.f32 v46, v26;
	v37 =	vmax.f32 v60, v63  }
0xa8: {  	[tilespmem:s20+$0xFFFFFF70] =	vst v54;
	v54 =	vmul.f32 $2.000000030e-01, v45;
	v46 =	vld [tilespmem:s3+$0x10];
	v35 =	vadd.f32 v57, v35;
	v37 =	vmul.f32 v37, v4  }
0xa9: {  	v50 =	vadd.f32 v50, v28;
	v48 =	vmax.f32 v48, v61;
	v27 =	vld [tilespmem:s22+$0x10];
	v62 =	vmul.f32 $2.000000030e-01, v33  }
0xaa: {  	[tilespmem:s20+$0x80] =	vst v42;
	v42 =	vld [tilespmem:s22+$0xFFFFFFA0];
	v36 =	vmul.f32 v32, v36;
	v48 =	vmul.f32 v48, v2;
	v60, _, _ =	vpop (xrf2);
	v35 =	vadd.f32 v37, v35  }
0xab: {  	[tilespmem:s20+$0x90] =	vst v39;
	v39 =	vmul.f32 $2.000000030e-01, v50;
	v57 =	vmul.f32 $1.442695020e+00, v60;
	v60, _, _ =	vpop (xrf2);
	v33 =	vmax.f32 v33, v62;
	v37 =	vld [tilespmem:s3+$0xFFFFFFA0]  }
0xac: {  	[tilespmem:s20+$0x50] =	vst v43;
	v43 =	vmul.f32 $1.442695020e+00, v60;
	v60, _, _ =	vpop (xrf2);
	v62 =	vmul.f32 v33, v1;
	v33 =	vld [tilespmem:s22+$0xFFFFFFE0];
	(xrf2) =	vadd.scan.msk.f32 $0xffff, v35  }
0xad: {  	[tilespmem:s20+$0xFFFFFFA0] =	vst v49;
	v61 =	vadd.f32 v44, v25;
	v49 =	vmul.f32 $1.442695020e+00, v60;
	v60 =	vmax.f32 v50, v39;
	v50 =	vld [tilespmem:s3+$0xFFFFFFE0]  }
0xae: {  	v57 =	vbroadcast v57, $0xF;
	v46 =	vadd.f32 v46, v27;
	v44 =	vbroadcast v43, $0xF;
	v43 =	vld [tilespmem:s3+$0x20]  }
0xaf: {  	[tilespmem:s20+$0xFFFFFF60] =	vst v53;
	v45 =	vmax.f32 v45, v54;
	v39 =	vmul.f32 $2.000000030e-01, v61;
	v53 =	vmul.f32 v60, v2;
	v35 =	vld [tilespmem:s22+$0x20]  }
0xb0: {  	[tilespmem:s20+$0xFFFFFF90] =	vst v52;
	v52 =	vld [tilespmem:s3+$0xFFFFFFB0];
	v45 =	vmul.f32 v45, v1;
	v63 =	vmul.f32 $2.000000030e-01, v46;
	v60 =	vadd.f32 v37, v42  }
0xb1: {  	[tilespmem:s20+$0xFFFFFF80] =	vst v47;
	(erf) = vpow2.f32 v57;
	v47 =	vmax.f32 v61, v39;
	v39 =	vld [tilespmem:s22+$0xFFFFFFB0];
	v53 =	vadd.f32 v53, v62  }
0xb2: {  	s23 =	simm.s32 $0x41E0;
	[tilespmem:s20+$0x60] =	vst v51;
	v54 =	vld [tilespmem:s3+$0xFFFFFFF0];
	v61 =	vmax.f32 v46, v63;
	v50 =	vadd.f32 v50, v33;
	v57 =	vmul.f32 $2.000000030e-01, v60  }
0xb3: {  	[tilespmem:s23+$0x80] =	vst v36;
	v37 =	vld [tilespmem:s22+$0xFFFFFFF0];
	v46 =	vmul.f32 v47, v1;
	v63 =	vmul.f32 v61, v2;
	v61 =	vadd.f32 v48, v45  }
0xb4: {  	v36 =	vld [tilespmem:s22+$0x30];
	[tilespmem:s20+$0xFFFFFFC0] =	vst v59;
	v59 =	vadd.f32 v43, v35;
	v62 =	vmax.f32 v60, v57;
	v60 =	vmul.f32 $2.000000030e-01, v50  }
0xb5: {  	[tilespmem:s23+$0x50] =	vst v56;
	v56 =	vld [tilespmem:s3+$0x30];
	v45 =	vbroadcast v49, $0xF;
	v46 =	vadd.f32 v63, v46;
	v47 =	vmul.f32 v62, v3  }
0xb6: {  	[tilespmem:s20+$0xFFFFFFB0] =	vst v58;
	v51 =	vadd.f32 v52, v39;
	v63 =	vmul.f32 $2.000000030e-01, v59;
	v62 =	vmax.f32 v50, v60;
	v58, _, _ =	vpop (xrf2)  }
0xb7: {  	[tilespmem:s20+$0x70] =	vst v55;
	v48 =	vadd.f32 v47, v61;
	v60 =	vmul.f32 v62, v3;
	v61 =	vmul.f32 $1.442695020e+00, v58  }
0xb8: {  	[tilespmem:s23+$0x90] =	vst v32;
	v52 =	vadd.f32 v54, v37;
	v63 =	vmax.f32 v59, v63;
	v62 =	vmul.f32 $2.000000030e-01, v51  }
0xb9: {  	[tilespmem:s20+$0xFFFFFFF0] =	vst v38;
	v43 =	vpop (erf);
	v49 =	vmul.f32 v63, v3;
	v47 =	vadd.f32 v60, v53;
	v53 =	vbroadcast v61, $0xF  }
0xba: {  	s2 =	simm.s32 $0x8;
	s7 =	simm.s32 $0x380;
	s22 =	simm.s32 $0x41E0;
	[tilespmem:s20+$0x40] =	vst v43;
	v50 =	vpop (erf);
	v54 =	vmul.f32 $2.000000030e-01, v52;
	v55 =	vmax.f32 v51, v62;
	v51 =	vadd.f32 v56, v36  }
.LBB2_5:
0xbb: {  	v56 =	vld [tilespmem:s7+$0x70];
	v55 =	vmul.f32 v55, v4;
	v46 =	vadd.f32 v49, v46;
	(erf) = vpow2.f32 v53;
	[tilespmem:s23+$0xFFFFFFA0] =	vst v50  }
0xbc: {  	s3 =	sadd.s32 $0x100, s3;
	v49 =	vld [tilespmem:s7+$0x40];
	v52 =	vmax.f32 v52, v54;
	v53 =	vmul.f32 $2.000000030e-01, v51;
	(erf) = vpow2.f32 v44  }
0xbd: {  	v44 =	vld [tilespmem:s3+$0x40];
	v48 =	vadd.f32 v55, v48;
	v52 =	vmul.f32 v52, v4;
	(erf) = vpow2.f32 v45  }
0xbe: {  	v55 =	vmul.f32 v50, v21;
	v45 =	vld [tilespmem:s7+$0x50];
	v51 =	vmax.f32 v51, v53;
	v53 =	vmul.f32 v50, v11;
	v11 =	vmovc v34  }
0xbf: {  	s2 =	sadd.s32 $0x4, s2;
	v54 =	vld [tilespmem:s3+$0x50];
	v34 =	vadd.f32 v52, v47;
	v47 =	vmul.f32 v51, v4;
	(xrf2) =	vadd.scan.msk.f32 $0xffff, v48;
	v48 =	vmul.f32 v50, v20  }
0xc0: {  	v41 =	vmul.f32 v50, v41;
	v22 =	vmul.f32 v38, v22;
	p0 =	slt.u32 s2, $0x7C;
	v21 =	vmovc v40;
	v20 =	vmov v42;
	v51 =	vld [tilespmem:s7+$0x60];
	[tilespmem:s23+$0xFFFFFF60] =	vst v55  }
0xc1: {  	v29 =	vmul.f32 v38, v29;
	v40 =	vld [tilespmem:s3+$0x60];
	v42 =	vadd.f32 v47, v46;
	[tilespmem:s23+$0xFFFFFF70] =	vst v53;
	v46 =	vmul.f32 v43, v5  }
0xc2: {  	v12 =	vmul.f32 v43, v12;
	v17 =	vmul.f32 v43, v17;
	v5 =	vmovc v23;
	v47 =	vld [tilespmem:s3+$0x70];
	(xrf2) =	vadd.scan.msk.f32 $0xffff, v34;
	[tilespmem:s23+$0xFFFFFF80] =	vst v48  }
0xc3: {  	v24 =	vmul.f32 v43, v24;
	v23 =	vmul.f32 v32, v6;
	v6 =	vmovc v16;
	v48 =	vld [tilespmem:s3+$0xFFFFFF80];
	[tilespmem:s23+$0xFFFFFF90] =	vst v41;
	v16 =	vmov v45  }
0xc4: {  	v41 =	vadd.f32 v44, v49;
	v45 =	vmul.f32 v32, v8;
	v34 =	vld [tilespmem:s7+$0xFFFFFF90];
	v44 =	vadd.f32 v54, v16;
	v32 =	vpop (erf);
	[tilespmem:s20+$0xFFFFFFD0] =	vst v22  }
0xc5: {  	v8 =	vld [tilespmem:s3+$0xFFFFFF90];
	v22 =	vmul.f32 v32, v30;
	v30 =	vmul.f32 v32, v31;
	(xrf2) =	vadd.scan.msk.f32 $0xffff, v42;
	v38 =	vpop (erf);
	[tilespmem:s20+$0xFFFFFFE0] =	vst v29  }
0xc6: {  	s23 =	sadd.s32 $0x140, s23;
	v54 =	vmul.f32 $2.000000030e-01, v41;
	v29 =	vld [tilespmem:s7+$0xFFFFFFC0];
	v42 =	vmul.f32 $2.000000030e-01, v44;
	v40 =	vadd.f32 v40, v51;
	v43 =	vpop (erf);
	[tilespmem:s20+$0x0] =	vst v46  }
0xc7: {  	v15 =	vmul.f32 v38, v15;
	v19 =	vmul.f32 v38, v19;
	v46 =	vld [tilespmem:s3+$0xFFFFFFC0];
	v47 =	vadd.f32 v47, v56;
	[tilespmem:s23+$0x80] =	vst v30  }
0xc8: {  	v31 =	vmovc v56;
	v53 =	vmax.f32 v41, v54;
	v50 =	vld [tilespmem:s7+$0xFFFFFFD0];
	v41 =	vmax.f32 v44, v42;
	v42 =	vmul.f32 $2.000000030e-01, v40;
	[tilespmem:s20+$0x10] =	vst v12  }
0xc9: {  	v44 =	vmul.f32 v53, v1;
	v12 =	vld [tilespmem:s3+$0xFFFFFFD0];
	v41 =	vmul.f32 v41, v2;
	v52, _, _ =	vpop (xrf2);
	[tilespmem:s22+$0xFFFFFFB0] =	vst v15;
	v30 =	vmov v49  }
0xca: {  	v49 =	vadd.f32 v8, v34;
	v53 =	vld [tilespmem:s7+$0x0];
	v15 =	vmax.f32 v40, v42;
	v40 =	vmul.f32 $2.000000030e-01, v47;
	[tilespmem:s22+$0xFFFFFFC0] =	vst v19;
	v8 =	vmovc v18  }
0xcb: {  	v18 =	vmovc v51;
	v19 =	vld [tilespmem:s3+$0x0];
	v41 =	vadd.f32 v41, v44;
	v54 =	vmul.f32 v15, v3;
	v44 =	vmul.f32 $1.442695020e+00, v52;
	[tilespmem:s20+$0x20] =	vst v17  }
0xcc: {  	v17 =	vmul.f32 $2.000000030e-01, v49;
	v46 =	vadd.f32 v46, v29;
	v51 =	vld [tilespmem:s7+$0x10];
	v40 =	vmax.f32 v47, v40;
	v42, _, _ =	vpop (xrf2);
	[tilespmem:s20+$0x30] =	vst v24;
	s20 =	smov.u32 s22;
	s22 =	smov.u32 s23  }
0xcd: {  	v24 =	vld [tilespmem:s3+$0x10];
	v41 =	vadd.f32 v54, v41;
	v47 =	vmul.f32 v40, v4;
	v52 =	vmul.f32 $1.442695020e+00, v42;
	[tilespmem:s23+$0x50] =	vst v22;
	v15 =	vmovc v26  }
0xce: {  	v26 =	vmovc v29;
	v40 =	vld [tilespmem:s7+$0xFFFFFF80];
	v17 =	vmax.f32 v49, v17;
	v22 =	vmul.f32 $2.000000030e-01, v46;
	v12 =	vadd.f32 v12, v50;
	[tilespmem:s20+$0x60] =	vst v23  }
0xcf: {  	v29 =	vbroadcast v44, $0xF;
	v49 =	vmul.f32 v17, v2;
	v42 =	vld [tilespmem:s7+$0xFFFFFFA0];
	v17 =	vadd.f32 v47, v41;
	v23, _, _ =	vpop (xrf2);
	[tilespmem:s20+$0x70] =	vst v45  }
0xd0: {  	v41 =	vld [tilespmem:s3+$0xFFFFFFA0];
	v22 =	vmax.f32 v46, v22;
	v44 =	vmul.f32 $2.000000030e-01, v12;
	v45 =	vadd.f32 v19, v53;
	[tilespmem:s20+$0xFFFFFFF0] =	vst v38;
	v19 =	vmovc v28  }
0xd1: {  	v28 =	vmovc v50;
	v46 =	vmul.f32 v22, v1;
	v47 =	vld [tilespmem:s7+$0xFFFFFFE0];
	(xrf2) =	vadd.scan.msk.f32 $0xffff, v17;
	v17 =	vmul.f32 $1.442695020e+00, v23;
	[tilespmem:s20+$0x40] =	vst v43  }
0xd2: {  	v23 =	vmovc v25;
	v56 =	vmax.f32 v12, v44;
	v50 =	vld [tilespmem:s3+$0xFFFFFFE0];
	v60 =	vmul.f32 $2.000000030e-01, v45;
	v24 =	vadd.f32 v24, v51;
	[tilespmem:s23+$0x90] =	vst v32  }
0xd3: {  	v25 =	vmovc v53;
	v44 =	vbroadcast v52, $0xF;
	v12 =	vmovc v7;
	v48 =	vadd.f32 v48, v40;
	v54 =	vmul.f32 v56, v2;
	v55 =	vld [tilespmem:s7+$0x20]  }
0xd4: {  	v7 =	vmovc v27;
	v27 =	vmovc v51;
	v59 =	vmax.f32 v45, v60;
	v52 =	vmul.f32 $2.000000030e-01, v24;
	v53 =	vld [tilespmem:s3+$0x20];
	v45 =	vbroadcast v17, $0xF  }
0xd5: {  	v22 =	vmovc v10;
	v10 =	vmovc v33;
	v51 =	vmul.f32 $2.000000030e-01, v48;
	v56 =	vadd.f32 v41, v42;
	v57 =	vld [tilespmem:s7+$0xFFFFFFB0];
	v58 =	vmul.f32 v59, v1  }
0xd6: {  	v54 =	vadd.f32 v54, v46;
	v17 =	vmovc v9;
	v59 =	vld [tilespmem:s3+$0xFFFFFFB0];
	v24 =	vmax.f32 v24, v52;
	(erf) = vpow2.f32 v29;
	v33 =	vmovc v47  }
0xd7: {  	v9 =	vmovc v35;
	v41 =	vmovc v39;
	v52 =	vmax.f32 v48, v51;
	v46 =	vmul.f32 $2.000000030e-01, v56;
	v47 =	vadd.f32 v50, v33;
	v50 =	vld [tilespmem:s7+$0xFFFFFFF0]  }
0xd8: {  	v29 =	vmovc v14;
	v14 =	vmovc v37;
	v48 =	vmul.f32 v24, v2;
	v60 =	vmul.f32 v52, v1;
	v51 =	vld [tilespmem:s3+$0xFFFFFFF0];
	v35 =	vmov v55  }
0xd9: {  	v37 =	vmax.f32 v56, v46;
	v61 =	vmul.f32 $2.000000030e-01, v47;
	v53 =	vadd.f32 v53, v35;
	v24 =	vmovc v13;
	v13 =	vmovc v36;
	v36 =	vld [tilespmem:s7+$0x30]  }
0xda: {  	v46 =	vadd.f32 v48, v58;
	v49 =	vadd.f32 v49, v60;
	v60 =	vmul.f32 v37, v3;
	v56 =	vld [tilespmem:s3+$0x30];
	v39 =	vmovc v57  }
.Ltmp1:
0xdb: {  	v55 =	vadd.f32 v59, v39;
	v47 =	vmax.f32 v47, v61;
	v57 =	vmul.f32 $2.000000030e-01, v53;
	v52, _, _ =	vpop (xrf2);
	(pc) =	sbr.rel @p0 .LBB2_5-.Ltmp1, $4  }
0xdc: {  	v48 =	vadd.f32 v60, v49;
	v47 =	vmul.f32 v47, v3;
	v58 =	vmul.f32 $1.442695020e+00, v52;
	v37 =	vmovc v50  }
0xdd: {  	v59 =	vmul.f32 $2.000000030e-01, v55;
	v52 =	vadd.f32 v51, v37;
	v49 =	vmax.f32 v53, v57  }
0xde: {  	v47 =	vadd.f32 v47, v54;
	v49 =	vmul.f32 v49, v3;
	v53 =	vbroadcast v58, $0xF  }
0xdf: {  	s7 =	sadd.s32 $0x100, s7;
	v55 =	vmax.f32 v55, v59;
	v54 =	vmul.f32 $2.000000030e-01, v52;
	v51 =	vadd.f32 v56, v36;
	v50 =	vpop (erf)  }
0xe0: {  	v55 =	vmul.f32 v55, v4;
	_ =	sdelay $0x1  }
0xe1: {  	v48 =	vadd.f32 v55, v48;
	_ =	sdelay $0x1  }
0xe2: {  	(xrf2) =	vadd.scan.msk.f32 $0xffff, v48;
	_ =	sdelay $0x2  }
0xe3: {  	(erf) = vpow2.f32 v53;
	v21 =	vmul.f32 v50, v21  }
0xe4: {  	[tilespmem:s23+$0xFFFFFFA0] =	vst v50;
	v11 =	vmul.f32 v50, v11;
	v61 =	vmax.f32 v52, v54  }
0xe5: {  	v20 =	vmul.f32 v50, v20;
	v62 =	vmul.f32 v61, v4;
	[tilespmem:s23+$0xFFFFFF60] =	vst v21  }
0xe6: {  	v63 =	vmul.f32 v50, v41;
	(erf) = vpow2.f32 v44;
	[tilespmem:s23+$0xFFFFFF70] =	vst v11  }
0xe7: {  	v22 =	vmul.f32 v38, v22;
	[tilespmem:s23+$0xFFFFFF80] =	vst v20;
	v44 =	vadd.f32 v62, v47  }
0xe8: {  	v5 =	vmul.f32 v43, v5;
	[tilespmem:s23+$0xFFFFFF90] =	vst v63  }
0xe9: {  	v12 =	vmul.f32 v43, v12;
	v41 =	vmul.f32 $2.000000030e-01, v51;
	[tilespmem:s20+$0xFFFFFFD0] =	vst v22;
	(xrf2) =	vadd.scan.msk.f32 $0xffff, v44  }
0xea: {  	v53 =	vmul.f32 v43, v24;
	v6 =	vmul.f32 v32, v6;
	[tilespmem:s20+$0x0] =	vst v5;
	v47, _, _ =	vpop (xrf2)  }
0xeb: {  	v8 =	vmul.f32 v32, v8;
	[tilespmem:s20+$0x10] =	vst v12;
	v11 =	vmax.f32 v51, v41;
	v21 =	vmul.f32 $1.442695020e+00, v47  }
0xec: {  	[tilespmem:s20+$0x30] =	vst v53;
	v51 =	vadd.f32 v49, v46;
	v11 =	vmul.f32 v11, v4;
	v48 =	vpop (erf);
	(erf) = vpow2.f32 v45  }
0xed: {  	[tilespmem:s22+$0x60] =	vst v6;
	v44 =	vmul.f32 v38, v29;
	v5 =	vbroadcast v21, $0xF  }
0xee: {  	[tilespmem:s22+$0x70] =	vst v8;
	v11 =	vadd.f32 v11, v51  }
0xef: {  	s2 =	sadd.s32 $0x140, s23;
	[tilespmem:s20+$0xFFFFFFE0] =	vst v44;
	v52 =	vpop (erf);
	(erf) = vpow2.f32 v5;
	v5 =	vmul.f32 v43, v17  }
0xf0: {  	v50 =	vmul.f32 v48, v31;
	[tilespmem:s2+$0x90] =	vst v48;
	(xrf2) =	vadd.scan.msk.f32 $0xffff, v11  }
0xf1: {  	[tilespmem:s22+$0xFFFFFFF0] =	vst v52  }
0xf2: {  	v54 =	vmul.f32 v48, v30;
	[tilespmem:s2+$0x80] =	vst v50  }
0xf3: {  	v15 =	vmul.f32 v52, v15;
	[tilespmem:s20+$0x20] =	vst v5;
	v5, _, _ =	vpop (xrf2)  }
0xf4: {  	v19 =	vmul.f32 v52, v19;
	[tilespmem:s2+$0x50] =	vst v54;
	v5 =	vmul.f32 $1.442695020e+00, v5  }
0xf5: {  	v10 =	vmul.f32 v52, v10;
	[tilespmem:s22+$0xFFFFFFB0] =	vst v15;
	v6 =	vpop (erf)  }
0xf6: {  	[tilespmem:s22+$0xFFFFFFC0] =	vst v19;
	v7 =	vmul.f32 v6, v7;
	v5 =	vbroadcast v5, $0xF  }
0xf7: {  	v60 =	vmul.f32 v52, v14;
	[tilespmem:s22+$0xFFFFFFD0] =	vst v10  }
0xf8: {  	[tilespmem:s22+$0x10] =	vst v7;
	v7 =	vmul.f32 v6, v9;
	(erf) = vpow2.f32 v5  }
0xf9: {  	[tilespmem:s22+$0xFFFFFFE0] =	vst v60  }
0xfa: {  	[tilespmem:s22+$0x20] =	vst v7;
	v7 =	vmul.f32 v48, v18;
	v57, _, _ =	vpop (xrf2)  }
0xfb: {  	[tilespmem:s22+$0x40] =	vst v6;
	v59 =	vmul.f32 $1.442695020e+00, v57;
	v5 =	vpop (erf)  }
0xfc: {  	[tilespmem:s2+$0x70] =	vst v7;
	v55 =	vmul.f32 v5, v40  }
0xfd: {  	v8 =	vbroadcast v59, $0xF;
	[tilespmem:s2+$0xFFFFFFA0] =	vst v5;
	v56 =	vmul.f32 v5, v34  }
0xfe: {  	v58 =	vmul.f32 v5, v42;
	v5 =	vmul.f32 v5, v39;
	[tilespmem:s2+$0xFFFFFF60] =	vst v55  }
0xff: {  	(erf) = vpow2.f32 v8;
	[tilespmem:s2+$0xFFFFFF70] =	vst v56  }
0x100: {  	[tilespmem:s2+$0xFFFFFF90] =	vst v5;
	v5 =	vmul.f32 v6, v23  }
0x101: {  	[tilespmem:s2+$0xFFFFFF80] =	vst v58;
	v61 =	vpop (erf)  }
0x102: {  	[tilespmem:s22+$0x0] =	vst v5;
	v5 =	vmul.f32 v61, v26  }
0x103: {  	v62 =	vmul.f32 v61, v28;
	[tilespmem:s2+$0xFFFFFFF0] =	vst v61  }
0x104: {  	v7 =	vmul.f32 v61, v37;
	[tilespmem:s2+$0xFFFFFFB0] =	vst v5;
	v5 =	vmul.f32 v6, v13  }
0x105: {  	[tilespmem:s2+$0xFFFFFFC0] =	vst v62;
	v6 =	vmul.f32 v48, v16  }
0x106: {  	[tilespmem:s2+$0xFFFFFFE0] =	vst v7  }
0x107: {  	[tilespmem:s2+$0x60] =	vst v6;
	v6 =	vmul.f32 v61, v33  }
0x108: {  	[tilespmem:s22+$0x30] =	vst v5;
	v5 =	vpop (erf)  }
0x109: {  	[tilespmem:s2+$0xFFFFFFD0] =	vst v6;
	v63 =	vmul.f32 v5, v25  }
0x10a: {  	[tilespmem:s2+$0x40] =	vst v5;
	v6 =	vmul.f32 v5, v27  }
0x10b: {  	v7 =	vmul.f32 v5, v35;
	[tilespmem:s2+$0x0] =	vst v63  }
0x10c: {  	s31 =	sadd.s32 $0x1, s31;
	v5 =	vmul.f32 v5, v36;
	[tilespmem:s2+$0x10] =	vst v6  }
0x10d: {  	p0 =	sne.s32 s31, $0x51;
	[tilespmem:s2+$0x20] =	vst v7  }
.Ltmp2:
0x10e: {  	[tilespmem:s2+$0x30] =	vst v5;
	(pc) =	sbr.rel @p0 .LBB2_4-.Ltmp2, $4  }
0x10f: {  	[spmem:s4] =	stream.indirect.scatter.add.f32 [tilespmem:s24], [sflag:$0x3], $0x50, s1, s29, $0xb8;
	[tilespmem:$0x18140] =	vst v63  }
0x110: {  	_ =	swait.ge [sflag:s21], $0x2800  }
0x111: {  	[sflag:s21] =	ssyncset.done $0x0  }
0x112: {  	[sflag:s21] =	ssyncadd.s32 $0xFFFFD800  }
0x113: {  	s1 =	stileid.u32  }
0x114: {  	s1 =	sshll.u32 s1, $0x6  }
0x115: {  	[bflag:$0x0] =	sbarrier.arrive $0xFFFF;
	s2 =	sshrl.u32 s9, $0x3;
	s1 =	sor.u32 $0x1C03, s1  }
0x116: {  	[hbm:s14], [sflag:s1] =	dma.local [spmem:s2], $0x500  }
0x117: {  	_ =	swait.ge [sflag:s21], $0x500  }
0x118: {  	[sflag:s21] =	ssyncset.done $0x0  }
0x119: {  	s20 =	sshrl.u32 s10, $0x3;
	[sflag:s21] =	ssyncadd.s32 $0xFFFFFB00  }
0x11a: {  	[hbm:s15], [sflag:s1] =	dma.local [spmem:s20], $0x500  }
0x11b: {  	_ =	swait.ge [sflag:s21], $0x500  }
0x11c: {  	[sflag:s21] =	ssyncset.done $0x0  }
0x11d: {  	s22 =	sshrl.u32 s11, $0x3;
	[sflag:s21] =	ssyncadd.s32 $0xFFFFFB00  }
0x11e: {  	[hbm:s16], [sflag:s1] =	dma.local [spmem:s22], $0x500  }
0x11f: {  	_ =	swait.ge [sflag:s21], $0x500  }
0x120: {  	[sflag:s21] =	ssyncset.done $0x0  }
0x121: {  	s23 =	sshrl.u32 s12, $0x3;
	[sflag:s21] =	ssyncadd.s32 $0xFFFFFB00  }
0x122: {  	[hbm:s17], [sflag:s1] =	dma.local [spmem:s23], $0x500  }
0x123: {  	s30 =	sadd.s32 $0x1, s30;
	_ =	swait.ge [sflag:s21], $0x500  }
0x124: {  	p0 =	sne.s32 s30, s19;
	[sflag:s21] =	ssyncset.done $0x0  }
.Ltmp3:
0x125: {  	s31 =	sshrl.u32 s13, $0x3;
	[sflag:s21] =	ssyncadd.s32 $0xFFFFFB00;
	(pc) =	sbr.rel @p0 .LBB2_1-.Ltmp3, $4  }
0x126: {  	[hbm:s18], [sflag:s1] =	dma.local [spmem:s31], $0x500  }
0x127: {  	_ =	swait.ge [sflag:s21], $0x500  }
0x128: {  	[sflag:s21] =	ssyncset.done $0x0  }
0x129: {  	[sflag:s21] =	ssyncadd.s32 $0xFFFFFB00  }
0x12a: {  	_ =	sfence.sel $0x180000  }
0x12b: {  	[bflag:$0x0] =	sbarrier.arrive $0xFFFF  }
0x12c: {  	_ =	strace $0x9000004A  }
0x12d: {  	s0 =	stileid.u32;
	[bflag:$0x2] =	sbarrier.arrive $0xFFFF  }
0x12e: {  	p0 =	sne.s32 s0, $0x0;
	s0 =	rddreg [dreg:$0x4]  }
0x12f: {  	s0 =	sadd.s32 @!p0 $0x100000, s0  }
0x130: {  	[sflag:s0] =	ssyncadd.tile.s32 @!p0 $0x1;
	_ =	shalt  }
.Lfunc_end2:
_tile_overlayer_lowered:
.L_overlay_start_2:
0x131: {  	(tag) =	ssettag $0x2  }
0x132: {  	s0 =	rddreg [dreg:$0x0];
	s2 =	stileid.u32  }
0x133: {  	s1 =	rddreg [dreg:$0x1];
	p0 =	sne.s32 s2, $0x0  }
0x134: {  	s3 =	rddreg [dreg:$0x2];
	[bflag:$0x3] =	sbarrier.arrive $0xFFFF;
	s2 =	simm.s32 @!p0 $0x1C03  }
0x135: {  	[timem:s3], [sflag:s2] =	dma.local @!p0 [hbm:s0], s1  }
0x136: {  	s0 =	simm.s32 @!p0 $0x3  }
0x137: {  	_ =	swait.ge @!p0 [sflag:s0], s1  }
0x138: {  	s1 =	ssub.s32 @!p0 $0x0, s1;
	[sflag:s0] =	ssyncset.done @!p0 $0x0  }
0x139: {  	[sflag:s0] =	ssyncadd.s32 @!p0 s1  }
0x13a: {  	[bflag:$0x3] =	sbarrier.arrive $0xFFFF  }
0x13b: {  	_ =	shalt  }

// kernel: kernel.7.cloned.1.call-start
scs
__scs_entry_jumppad:
0x0: {  	(pc) =	sbr.rel $0x88, $3  }
0x1: {  	(tag) =	ssettag $0x0;
	lr =	simm.s32 $0x1  }
0x2: {  	[smem:$0x3F97] =	sst lr;
	_ =	strace $0xD0000000  }
0x3: {  	_ = 	snop  }
0x4: {  	_ = 	snop  }
0x5: {  	_ = 	snop  }
0x6: {  	_ = 	snop  }
0x7: {  	_ = 	snop  }
__scs_overlays_trampoline_lowered:
0x8: {  	[smem:$0x3FA6] =	sst s0  }
0x9: {  	[smem:$0x3FA7] =	sst s1  }
0xa: {  	[smem:$0x3FA8] =	sst s2  }
0xb: {  	[smem:$0x3FA9] =	sst s3  }
0xc: {  	[smem:$0x3FAA] =	sst s4  }
0xd: {  	[smem:$0x3FAB] =	sst s5  }
0xe: {  	[smem:$0x3FAC] =	sst s6  }
0xf: {  	[smem:$0x3FAD] =	sst s7  }
0x10: {  	[smem:$0x3FAE] =	sst s8  }
0x11: {  	[smem:$0x3FAF] =	sst s9;
	s0 =	simm.s32 @!p0 $0x0  }
0x12: {  	s1 =	sld [smem:$0x3F95];
	s0 =	simm.s32 @p0 $0x1  }
0x13: {  	[smem:$0x3FB0] =	sst s0;
	s0 =	simm.s32 @!p1 $0x0  }
0x14: {  	s2 =	sld [smem:$0x3F94];
	s0 =	simm.s32 @p1 $0x1  }
0x15: {  	[smem:$0x3FB1] =	sst s0;
	s0 =	simm.s32 @!p2 $0x0  }
0x16: {  	s3 =	sld [smem:$0x3FDB];
	s0 =	simm.s32 @p2 $0x1  }
0x17: {  	s4 =	simm.s32 $0x1BF5;
	[smem:$0x3FB3] =	sst s0  }
0x18: {  	s0 =	sld [smem:$0x3F96];
	_ =	swait.ge [sflag:s4], $0x0  }
0x19: {  	s7 =	sld [smem:$0x3F97]  }
0x1a: {  	s8 =	sadd.s32 $0xFFFFE003, lr  }
0x1b: {  	s9 =	sadd.s32 $0xFFFFFEF7, lr;
	s5 =	simm.s32 $0xFFFFFFFF;
	p2 =	slt.u32 s8, $0xFFFFF086  }
0x1c: {  	p1 =	slt.u32 s9, $0xF7A;
	s5 =	simm.s32 @!p2 $0x0  }
0x1d: {  	s5 =	simm.s32 @p1 $0x1;
	p0 =	seq.s32 s7, s2  }
0x1e: {  	s7 =	smul.u32 @!p0 $0xF7A, s2;
	p2 =	seq.s32 @!p0 s5, $0x0  }
0x1f: {  	s9 =	smul.u32 $0xF7A, s1;
	s8 =	simm.s32 @!p0 $0x1BF5;
	p2 =	por !p2, p0  }
0x20: {  	[sflag:s8] =	ssyncset.s32 @!p0 $0xFFFFF086;
	s6 =	sadd.s32 @!p0 s3, s7;
	s7 =	simm.s32 @!p0 $0x108  }
0x21: {  	s3 =	sadd.s32 s3, s9;
	s6 =	sadd.s32 @!p0 $0x88, s6;
	s7 =	simm.s32 @p2 $0x1082  }
0x22: {  	[simem:s7], [sflag:s8] =	dma.local @!p0 [hbm:s6], $0xF7A  }
0x23: {  	s9 =	sor.u32 $0xD0000000, s2;
	s6 =	simm.s32 $0x108;
	_ =	swait.ge @!p0 [sflag:s8], $0x0  }
0x24: {  	s3 =	sadd.s32 $0x88, s3;
	s6 =	simm.s32 @!p1 $0x1082;
	[sflag:s4] =	ssyncset.s32 $0xFFFFF086  }
0x25: {  	[simem:s6], [sflag:s4] =	dma.local [hbm:s3], $0xF7A  }
0x26: {  	[smem:$0x3F97] =	sst s1;
	(tag) =	ssettag s2;
	_ =	strace s9  }
0x27: {  	s1 =	sld [smem:$0x3FA7]  }
0x28: {  	s2 =	sld [smem:$0x3FA8]  }
0x29: {  	s4 =	sld [smem:$0x3FAA]  }
0x2a: {  	p0 =	seq.s32 s5, $0x0;
	s5 =	sld [smem:$0x3FAB]  }
0x2b: {  	s6 =	sld [smem:$0x3FAC]  }
0x2c: {  	s7 =	sld [smem:$0x3FAD]  }
0x2d: {  	s3 =	simm.s32 $0x108;
	s8 =	sld [smem:$0x3FAE]  }
0x2e: {  	s3 =	simm.s32 @!p0 $0x1082;
	s9 =	sld [smem:$0x3FAF]  }
0x2f: {  	lr =	sadd.s32 s0, s3;
	s0 =	sld [smem:$0x3FA6]  }
0x30: {  	s3 =	sld [smem:$0x3FA9]  }
0x31: {  	[smem:$0x3FB2] =	sst s10  }
0x32: {  	s10 =	sld [smem:$0x3FB0];
	_ =	sdelay $0x3  }
0x33: {  	p0 =	seq.s32 s10, $0x1;
	s10 =	sld [smem:$0x3FB2];
	_ =	sdelay $0x3  }
0x34: {  	[smem:$0x3FB2] =	sst s10  }
0x35: {  	s10 =	sld [smem:$0x3FB1];
	_ =	sdelay $0x3  }
0x36: {  	p1 =	seq.s32 s10, $0x1;
	s10 =	sld [smem:$0x3FB2];
	_ =	sdelay $0x3  }
0x37: {  	[smem:$0x3FB2] =	sst s10  }
0x38: {  	s10 =	sld [smem:$0x3FB3]  }
0x39: {  	_ = 	snop;
	(pc) =	sbr.ind lr, $3  }
0x3a: {  	_ = 	snop  }
0x3b: {  	_ = 	snop  }
0x3c: {  	p2 =	seq.s32 s10, $0x1;
	s10 =	sld [smem:$0x3FB2]  }
0x3d: {  	_ =	shalt  }
0x3e: {  	_ =	shalt  }
0x3f: {  	_ =	shalt  }
0x40: {  	_ =	shalt  }
0x41: {  	_ =	shalt  }
0x42: {  	_ =	shalt  }
0x43: {  	_ =	shalt  }
0x44: {  	_ =	shalt  }
0x45: {  	_ =	shalt  }
0x46: {  	_ =	shalt  }
0x47: {  	_ =	shalt  }
0x48: {  	_ =	shalt  }
0x49: {  	_ =	shalt  }
0x4a: {  	_ =	shalt  }
0x4b: {  	_ =	shalt  }
0x4c: {  	_ =	shalt  }
0x4d: {  	_ =	shalt  }
0x4e: {  	_ =	shalt  }
0x4f: {  	_ =	shalt  }
0x50: {  	_ =	shalt  }
0x51: {  	_ =	shalt  }
0x52: {  	_ =	shalt  }
0x53: {  	_ =	shalt  }
0x54: {  	_ =	shalt  }
0x55: {  	_ =	shalt  }
0x56: {  	_ =	shalt  }
0x57: {  	_ =	shalt  }
0x58: {  	_ =	shalt  }
0x59: {  	_ =	shalt  }
0x5a: {  	_ =	shalt  }
0x5b: {  	_ =	shalt  }
0x5c: {  	_ =	shalt  }
0x5d: {  	_ =	shalt  }
0x5e: {  	_ =	shalt  }
0x5f: {  	_ =	shalt  }
0x60: {  	_ =	shalt  }
0x61: {  	_ =	shalt  }
0x62: {  	_ =	shalt  }
0x63: {  	_ =	shalt  }
0x64: {  	_ =	shalt  }
0x65: {  	_ =	shalt  }
0x66: {  	_ =	shalt  }
0x67: {  	_ =	shalt  }
0x68: {  	_ =	shalt  }
0x69: {  	_ =	shalt  }
0x6a: {  	_ =	shalt  }
0x6b: {  	_ =	shalt  }
0x6c: {  	_ =	shalt  }
0x6d: {  	_ =	shalt  }
0x6e: {  	_ =	shalt  }
0x6f: {  	_ =	shalt  }
0x70: {  	_ =	shalt  }
0x71: {  	_ =	shalt  }
0x72: {  	_ =	shalt  }
0x73: {  	_ =	shalt  }
0x74: {  	_ =	shalt  }
0x75: {  	_ =	shalt  }
0x76: {  	_ =	shalt  }
0x77: {  	_ =	shalt  }
0x78: {  	_ =	shalt  }
0x79: {  	_ =	shalt  }
0x7a: {  	_ =	shalt  }
0x7b: {  	_ =	shalt  }
0x7c: {  	_ =	shalt  }
0x7d: {  	_ =	shalt  }
0x7e: {  	_ =	shalt  }
0x7f: {  	_ =	shalt  }
0x80: {  	_ =	shalt  }
0x81: {  	_ =	shalt  }
0x82: {  	_ =	shalt  }
0x83: {  	_ =	shalt  }
0x84: {  	_ =	shalt  }
0x85: {  	_ =	shalt  }
0x86: {  	_ =	shalt  }
0x87: {  	_ =	shalt  }
.Lfunc_end0:
.L_simem_size_0:
called_computation_lowered:
.L_overlay_start_0:
0x88: {  	s2 =	sld [smem:$0x3FD9]  }
0x89: {  	s3 =	sld [smem:$0x3FFE];
	_ =	sdelay $0x1  }
0x8a: {  	s1 =	srdreg.scid  }
0x8b: {  	s0 =	sand.u32 $0x1, s1  }
0x8c: {  	s17 =	sshll.u32 s0, $0xA;
	s2 =	sadd.s32 s3, s2  }
0x8d: {  	s2 =	sadd.s32 s2, s17  }
0x8e: {  	[smem:$0x3FBE] =	sst s2  }
0x8f: {  	_ = 	snop  }
0x90: {  	s2 =	sld [smem:$0x3FD0];
	(tm) =	ssettm $0x1  }
0x91: {  	s18 =	sld [smem:$0x3FFB];
	_ =	sdelay $0x3  }
0x92: {  	_ =	strace s18  }
0x93: {  	s3 =	sld [smem:$0x3FFC];
	_ =	sdelay $0x3  }
0x94: {  	_ =	strace s3  }
0x95: {  	s3 =	sld [smem:$0x3FFD];
	_ =	sdelay $0x3  }
0x96: {  	_ =	strace s3  }
0x97: {  	_ =	strace $0x8FFFFFFF  }
0x98: {  	s19 =	sld [smem:$0x3FDB];
	_ =	sdelay $0x1  }
0x99: {  	s4 =	simm.s32 $_scs_section_size  }
0x9a: {  	s5 =	simm.s32 $_size__tile_overlayer_lowered;
	s6 =	simm.s32 $_tile_overlayer_lowered  }
0x9b: {  	s22 =	simm.s32 $0x1BFF;
	s21 =	sshll.u32 s6, $0x1;
	s3 =	sadd.s32 s4, s19  }
0x9c: {  	s7 =	simm.s32 $0x0;
	s20 =	sshll.u32 s5, $0x1;
	s5 =	sadd.s32 s21, s3  }
0x9d: {  	[timem:s7], [sflag:s22] =	dma.local [hbm:s5], s20  }
0x9e: {  	_ =	swait.ge [sflag:s22], s20  }
0x9f: {  	s4 =	ssub.s32 $0x0, s20;
	[sflag:s22] =	ssyncset.done $0x0  }
0xa0: {  	[sflag:s22] =	ssyncadd.s32 s4;
	_ =	sdelay $0x1  }
0xa1: {  	s23 =	simm.s32 $0x1B8B  }
0xa2: {  	_ =	swait.ge [sflag:s23], $0x1  }
0xa3: {  	[sflag:s23] =	ssyncset.done $0x0  }
0xa4: {  	s25 =	simm.s32 $0x1B8E;
	s24 =	sld [smem:$0x3FFE];
	[sflag:s23] =	ssyncadd.s32 $0xFFFFFFFF  }
0xa5: {  	s26 =	simm.s32 $execute0_lowered;
	[smem:$0x3FD2] =	sst s25  }
0xa6: {  	s5 =	sshll.u32 s26, $0x1;
	_ =	strace $0x80000046;
	[dreg:$0x1] =	wrdreg $0xFFFFFFFF  }
0xa7: {  	s28 =	simm.s32 $_size_execute0_lowered;
	s3 =	sadd.s32 s3, s5;
	[dreg:$0x0] =	wrdreg $0x0  }
0xa8: {  	s5 =	sshll.u32 s28, $0x1;
	[dreg:$0x2] =	wrdreg s3  }
0xa9: {  	[dreg:$0x3] =	wrdreg s5  }
0xaa: {  	[dreg:$0x4] =	wrdreg $0xC0  }
0xab: {  	_ =	task [dreg:s7], $0x5FFFF  }
0xac: {  	[dreg:$0x1] =	wrdreg $0xFFFFFFFF  }
0xad: {  	[dreg:$0x0] =	wrdreg $0x60  }
0xae: {  	[dreg:$0x2] =	wrdreg s24  }
0xaf: {  	[dreg:$0x3] =	wrdreg s2  }
0xb0: {  	[dreg:$0x4] =	wrdreg $0x10A800  }
0xb1: {  	[dreg:$0x5] =	wrdreg $0x9  }
0xb2: {  	_ =	task.clear_ibuf [dreg:s7], $0x6FFFF;
	_ =	strace $0x90000046  }
0xb3: {  	s29 =	simm.s32 $0x9;
	_ =	strace $0x80000048  }
0xb4: {  	_ =	swait.ge [sflag:s29], $0x1  }
0xb5: {  	[sflag:s29] =	ssyncadd.s32 $0xFFFFFFFF  }
0xb6: {  	_ =	strace $0x90000048  }
0xb7: {  	_ =	sfence  }
0xb8: {  	s30 =	sld [smem:$0x0];
	_ =	sdelay $0x2  }
0xb9: {  	s31 =	sshll.u32 s1, $0xD;
	s1 =	sshrl.u32 s1, $0x2  }
0xba: {  	s3 =	sand.u32 $0x4000, s31;
	s1 =	sadd.s32 s1, s30  }
0xbb: {  	s0 =	sor.u32 s3, s0;
	s1 =	sshll.u32 s1, $0x11  }
0xbc: {  	s0 =	sor.u32 s1, s0  }
0xbd: {  	s0 =	sadd.s32 $0x8F2B, s0  }
0xbe: {  	[sflag:s0] =	ssyncadd.remote.s32 $0x1  }
0xbf: {  	_ =	sfence.sel $0xFFFF  }
0xc0: {  	[dreg:$0x0] =	wrdreg $0xFFFFFFFF;
	(pc) =	sbr.abs _section_cstart, $3  }
0xc1: {  	[dreg:$0x1] =	wrdreg $0xFFFFFFFF  }
0xc2: {  	_ =	task.clear_ibuf [dreg:s7], $0x2FFFF;
	_ =	strace $0x9FFFFFFF  }
0xc3: {  	(tm) =	ssettm $0x7FFFFFFF  }
tec
execute0_lowered:
.L_overlay_start_1:
0x0: {  	(tag) =	ssettag $0x1  }
0x1: {  	s0 =	rddreg [dreg:$0x0]  }
0x2: {  	s2 =	rddreg [dreg:$0x2]  }
0x3: {  	s3 =	simm.s32 $0x0;
	s1 =	srdreg.scid;
	s7 =	stileid.u32  }
0x4: {  	s28 =	simm.s32 $0x1;
	s29 =	simm.s32 $0x2;
	s5 =	smul.u32 $0xA20, s7  }
0x5: {  	s30 =	simm.s32 $0x80;
	s1 =	sand.u32 $0x1, s1;
	s7 =	smul.u32 $0xC800, s7  }
0x6: {  	s31 =	simm.s32 $0x0;
	[smem:$0x7FF] =	sst s3;
	s4 =	smul.u32 $0x13880, s1  }
0x7: {  	_ =	strace $0x80000047;
	s6 =	ssub.s32 $0x2, s1;
	s16 =	smul.u32 $0xC8000, s1  }
0x8: {  	s12 =	sshll.u32 s1, $0x6;
	s5 =	sadd.s32 s5, s0;
	s8 =	sshrl.u32 s6, $0x1  }
0x9: {  	s25 =	sadd.s32 $0x2800, s7;
	s18 =	sadd.s32 s7, s2;
	s26 =	sadd.s32 $0x5000, s7  }
0xa: {  	s15 =	sadd.s32 $0x7800, s7;
	s17 =	sadd.s32 $0xA000, s7;
	s4 =	sadd.s32 s4, s0  }
0xb: {  	s0 =	sadd.s32 $0x76C00, s0;
	s6 =	ssub.s32 s6, s8;
	s24 =	sadd.s32 $0x28A00, s5  }
0xc: {  	s5 =	sadd.s32 $0x32C00, s5;
	s19 =	sadd.s32 s25, s2;
	s20 =	sadd.s32 s26, s2  }
0xd: {  	s21 =	sadd.s32 s15, s2;
	s23 =	sadd.s32 s17, s2;
	s7 =	sadd.s32 s7, s16  }
0xe: {  	s9 =	sadd.s32 s16, s25;
	s11 =	sadd.s32 s16, s26;
	[dreg:$0x4] =	wrdreg s24  }
0xf: {  	s15 =	sadd.s32 s16, s15;
	s22 =	sadd.s32 s16, s17;
	[dreg:$0x5] =	wrdreg s5  }
0x10: {  	s13 =	sadd.s32 $0x4FA00, s4;
	s1 =	sshrl.u32 s7, $0x3;
	[dreg:$0x6] =	wrdreg s21  }
0x11: {  	s14 =	sadd.s32 $0x1800, s4;
	s26 =	smax.u32 s6, $0x1;
	[dreg:$0x7] =	wrdreg s23  }
0x12: {  	s10 =	sshrl.u32 s9, $0x3;
	s1 =	sadd.s32 s0, s1;
	[dreg:$0xd] =	wrdreg s26  }
0x13: {  	s4 =	sshrl.u32 s15, $0x3;
	[dreg:$0x8] =	wrdreg s1;
	s1 =	sadd.s32 s0, s10  }
0x14: {  	s24 =	sadd.s32 s0, s4;
	[dreg:$0x9] =	wrdreg s1;
	s1 =	sshrl.u32 s11, $0x3  }
0x15: {  	s25 =	sshrl.u32 s22, $0x3;
	[dreg:$0xb] =	wrdreg s24;
	s1 =	sadd.s32 s0, s1  }
0x16: {  	v0 =	vimm.f32 $0.0e+00;
	vm0 =	vmmov $0x1;
	s22 =	simm.s32 $0x3;
	s0 =	sadd.s32 s0, s25;
	[dreg:$0xa] =	wrdreg s1  }
0x17: {  	vm1 =	vcmask $0x310;
	vm2 =	vcmask $0x710;
	vm3 =	vcmask $0xB10;
	s26 =	simm.s32 $0x2000;
	s25 =	simm.s32 $0x4000;
	[dreg:$0xc] =	wrdreg s0  }
.LBB2_1:
0x18: {  	s0 =	rddreg [dreg:$0x4];
	s1 =	simm.s32 $0x6880  }
0x19: {  	[tilespmem:s1], [sflag:$0x3] =	stream.linear.gather [hbm4b:s0+s3], $0x5100, $0x38;
	[tilespmem:$0x1D280] =	vst v63  }
0x1a: {  	_ =	swait.ge [sflag:s22], $0x5100  }
0x1b: {  	[sflag:s22] =	ssyncset.done $0x0  }
0x1c: {  	s16 =	simm.s32 $0xB980;
	s15 =	rddreg [dreg:$0x5];
	[sflag:s22] =	ssyncadd.s32 $0xFFFFAF00  }
0x1d: {  	[tilespmem:s16], [sflag:$0x3] =	stream.linear.gather [hbm4b:s15+s3], $0x5100, $0x38;
	[tilespmem:$0x1D280] =	vst v63  }
0x1e: {  	_ =	swait.ge [sflag:s22], $0x5100  }
0x1f: {  	[sflag:s22] =	ssyncset.done $0x0  }
0x20: {  	[sflag:s22] =	ssyncadd.s32 $0xFFFFAF00  }
0x21: {  	s24 =	simm.s32 $0x6800;
	s17 =	rddreg [dreg:$0x1]  }
0x22: {  	[tilespmem:s24], [sflag:$0x3] =	stream.linear.gather [hbm4b:s17+s3], $0x80, $0x38;
	[tilespmem:$0x1D280] =	vst v63  }
0x23: {  	_ =	swait.ge [sflag:s22], $0x80  }
0x24: {  	[sflag:s22] =	ssyncset.done $0x0  }
0x25: {  	s1 =	simm.s32 $0x140;
	s0 =	simm.s32 $0x0;
	[sflag:s22] =	ssyncadd.s32 $0xFFFFFF80  }
.LBB2_2:
0x26: {  	p0 =	sne.s32 s1, $0x9EC0;
	[tilespmem:s0+$0x4040] =	vst v0;
	s4 =	smov.u32 s1;
	s1 =	sadd.s32 $0x140, s1  }
.Ltmp0:
0x27: {  	[tilespmem:s0+$0x4030] =	vst v0;
	(pc) =	sbr.rel @p0 .LBB2_2-.Ltmp0, $4  }
0x28: {  	[tilespmem:s0+$0x4020] =	vst v0  }
0x29: {  	[tilespmem:s0+$0x4000] =	vst v0  }
0x2a: {  	[tilespmem:s0+$0x4010] =	vst v0  }
0x2b: {  	s0 =	sshra.s32 s4, $0x2  }
0x2c: {  	[tilespmem:s0+$0x4040] =	vst v0  }
0x2d: {  	[tilespmem:s0+$0x4030] =	vst v0  }
0x2e: {  	[tilespmem:s0+$0x4020] =	vst v0  }
0x2f: {  	[tilespmem:s0+$0x4000] =	vst v0  }
0x30: {  	[tilespmem:s0+$0x4010] =	vst v0  }
0x31: {  	[spmem:s18] =	stream.linear.scatter [tilespmem:s25], [sflag:$0x3], $0x2800, $0x38;
	[tilespmem:$0x1D280] =	vst v63  }
0x32: {  	_ =	swait.ge [sflag:s22], $0x2800  }
0x33: {  	[sflag:s22] =	ssyncset.done $0x0  }
0x34: {  	[sflag:s22] =	ssyncadd.s32 $0xFFFFD800  }
0x35: {  	[spmem:s19] =	stream.linear.scatter [tilespmem:s25], [sflag:$0x3], $0x2800, $0x38;
	[tilespmem:$0x1D280] =	vst v63  }
0x36: {  	_ =	swait.ge [sflag:s22], $0x2800  }
0x37: {  	[sflag:s22] =	ssyncset.done $0x0  }
0x38: {  	[sflag:s22] =	ssyncadd.s32 $0xFFFFD800  }
0x39: {  	[spmem:s20] =	stream.linear.scatter [tilespmem:s25], [sflag:$0x3], $0x2800, $0x38;
	[tilespmem:$0x1D280] =	vst v63  }
0x3a: {  	_ =	swait.ge [sflag:s22], $0x2800  }
0x3b: {  	[sflag:s22] =	ssyncset.done $0x0  }
0x3c: {  	[sflag:s22] =	ssyncadd.s32 $0xFFFFD800  }
0x3d: {  	[spmem:s21] =	stream.linear.scatter [tilespmem:s25], [sflag:$0x3], $0x2800, $0x38;
	[tilespmem:$0x1D280] =	vst v63  }
0x3e: {  	_ =	swait.ge [sflag:s22], $0x2800  }
0x3f: {  	[sflag:s22] =	ssyncset.done $0x0  }
0x40: {  	[sflag:s22] =	ssyncadd.s32 $0xFFFFD800  }
0x41: {  	[spmem:s23] =	stream.linear.scatter [tilespmem:s25], [sflag:$0x3], $0x2800, $0x38;
	[tilespmem:$0x1D280] =	vst v63  }
0x42: {  	_ =	swait.ge [sflag:s22], $0x2800  }
0x43: {  	[sflag:s22] =	ssyncset.done $0x0  }
0x44: {  	[sflag:s22] =	ssyncadd.s32 $0xFFFFD800  }
0x45: {  	[bflag:$0x0] =	sbarrier.arrive $0xFFFF  }
0x46: {  	v1 =	vld [tilespmem:s12+$0x6800]  }
0x47: {  	v2 =	vld [tilespmem:s12+$0x6810]  }
0x48: {  	s9 =	smov.u32 s18;
	v3 =	vld [tilespmem:s12+$0x6820]  }
0x49: {  	s10 =	smov.u32 s19;
	s11 =	smov.u32 s20;
	s0 =	simm.s32 $0x0;
	v4 =	vld [tilespmem:s12+$0x6830]  }
.LBB2_4:
0x4a: {  	s1 =	sshll.u32 s0, $0x7  }
0x4b: {  	s17 =	simm.s32 $0x80;
	s4 =	sadd.s32 $0x6880, s1  }
0x4c: {  	[tilespmem:s3], [sflag:$0x1] =	stream.indirect.gather [hbm4b:s13+s17], $0x40, s4, s17, $0xb8;
	[tilespmem:$0x1D280] =	vst v63  }
0x4d: {  	s1 =	sadd.s32 $0xB980, s1  }
0x4e: {  	[tilespmem:s26], [sflag:$0x2] =	stream.indirect.gather [hbm4b:s14+s17], $0x40, s1, s17, $0xb8;
	[tilespmem:$0x1D280] =	vst v63  }
0x4f: {  	_ =	swait.ge [sflag:s28], $0x2000  }
0x50: {  	[sflag:s28] =	ssyncset.done $0x0  }
0x51: {  	[sflag:s28] =	ssyncadd.s32 $0xFFFFE000  }
0x52: {  	_ =	swait.ge [sflag:s29], $0x2000  }
0x53: {  	[sflag:s29] =	ssyncset.done $0x0  }
0x54: {  	[sflag:s29] =	ssyncadd.s32 $0xFFFFE000  }
0x55: {  	s19 =	simm.s32 $0x2080;
	v5 =	vld [tilespmem:s17+$0x40]  }
0x56: {  	v6 =	vld [tilespmem:s19+$0x40];
	_ =	sdelay $0x4  }
0x57: {  	v7 =	vld [tilespmem:s19+$0xFFFFFF80];
	v6 =	vadd.f32 v6, v5  }
0x58: {  	v8 =	vld [tilespmem:s17+$0xFFFFFFC0]  }
0x59: {  	v9 =	vld [tilespmem:s19+$0xFFFFFFC0];
	v11 =	vmul.f32 $2.000000030e-01, v6  }
0x5a: {  	v10 =	vld [tilespmem:s17+$0xFFFFFF80]  }
0x5b: {  	v6 =	vmax.f32 v6, v11  }
0x5c: {  	v6 =	vmul.f32 v6, v1;
	_ =	sdelay $0x1  }
0x5d: {  	v9 =	vadd.f32 v9, v8;
	(xrf2) =	vadd.scan.msk.f32 $0xffff, v6  }
0x5e: {  	v7 =	vadd.f32 v7, v10  }
0x5f: {  	v6 =	vmul.f32 $2.000000030e-01, v9  }
0x60: {  	v11 =	vmul.f32 $2.000000030e-01, v7  }
0x61: {  	v6 =	vmax.f32 v9, v6  }
0x62: {  	v7 =	vmax.f32 v7, v11;
	v6 =	vmul.f32 v6, v1  }
0x63: {  	v7 =	vmul.f32 v7, v1  }
0x64: {  	(xrf2) =	vadd.scan.msk.f32 $0xffff, v6  }
0x65: {  	(xrf2) =	vadd.scan.msk.f32 $0xffff, v7;
	_ =	sdelay $0x1  }
0x66: {  	v6, _, _ =	vpop (xrf2)  }
0x67: {  	v6 =	vmul.f32 $1.442695020e+00, v6;
	_ =	sdelay $0x1  }
0x68: {  	v6 =	vbroadcast v6, $0xF;
	_ =	sdelay $0x3  }
0x69: {  	(erf) = vpow2.f32 v6;
	v6, _, _ =	vpop (xrf2)  }
0x6a: {  	v6 =	vmul.f32 $1.442695020e+00, v6;
	v7, _, _ =	vpop (xrf2)  }
0x6b: {  	v7 =	vmul.f32 $1.442695020e+00, v7  }
0x6c: {  	v6 =	vbroadcast v6, $0xF  }
0x6d: {  	v7 =	vbroadcast v7, $0xF  }
0x6e: {  	(erf) = vpow2.f32 v6  }
0x6f: {  	(erf) = vpow2.f32 v7;
	_ =	sdelay $0x2  }
0x70: {  	v11 =	vld [tilespmem:s19+$0x0]  }
0x71: {  	v9 =	vld [tilespmem:s17+$0x0];
	v6 =	vpop (erf)  }
0x72: {  	v5 =	vmul.f32 v6, v5  }
0x73: {  	s21 =	simm.s32 $0x40A0  }
0x74: {  	[tilespmem:s21+$0x50] =	vst v5  }
0x75: {  	v12 =	vld [tilespmem:s17+$0x50];
	v7 =	vpop (erf)  }
0x76: {  	v11 =	vadd.f32 v11, v9;
	v13 =	vld [tilespmem:s19+$0x50];
	v5 =	vpop (erf)  }
0x77: {  	v10 =	vmul.f32 v5, v10  }
0x78: {  	v14 =	vmul.f32 $2.000000030e-01, v11  }
0x79: {  	[tilespmem:s21+$0xFFFFFF60] =	vst v10  }
0x7a: {  	v11 =	vmax.f32 v11, v14;
	v14 =	vld [tilespmem:s17+$0xFFFFFF90]  }
0x7b: {  	s24 =	simm.s32 $0x180;
	v11 =	vmul.f32 v11, v1;
	v10 =	vadd.f32 v13, v12;
	v13 =	vld [tilespmem:s19+$0xFFFFFF90]  }
0x7c: {  	s4 =	simm.s32 $0x2180;
	v17 =	vld [tilespmem:s24+$0x40]  }
0x7d: {  	(xrf2) =	vadd.scan.msk.f32 $0xffff, v11;
	v11 =	vld [tilespmem:s4+$0x40];
	v15 =	vmul.f32 $2.000000030e-01, v10;
	_ =	sdelay $0x1  }
0x7e: {  	v10 =	vmax.f32 v10, v15  }
0x7f: {  	v10 =	vmul.f32 v10, v2;
	v13 =	vadd.f32 v13, v14;
	_ =	sdelay $0x1  }
0x80: {  	v11 =	vadd.f32 v11, v17;
	(xrf2) =	vadd.scan.msk.f32 $0xffff, v10;
	v10 =	vmul.f32 $2.000000030e-01, v13;
	_ =	sdelay $0x1  }
0x81: {  	v10 =	vmax.f32 v13, v10;
	v13 =	vmul.f32 $2.000000030e-01, v11  }
0x82: {  	v18 =	vld [tilespmem:s4+$0xFFFFFFC0]  }
0x83: {  	v15 =	vld [tilespmem:s24+$0xFFFFFFC0]  }
0x84: {  	v16 =	vld [tilespmem:s4+$0xFFFFFF80];
	v10 =	vmul.f32 v10, v2  }
0x85: {  	v19 =	vld [tilespmem:s24+$0xFFFFFF80];
	v11 =	vmax.f32 v11, v13;
	v13, _, _ =	vpop (xrf2)  }
0x86: {  	(xrf2) =	vadd.scan.msk.f32 $0xffff, v10;
	v10 =	vmul.f32 v11, v1;
	v11 =	vmul.f32 $1.442695020e+00, v13;
	_ =	sdelay $0x1  }
0x87: {  	(xrf2) =	vadd.scan.msk.f32 $0xffff, v10;
	v10 =	vbroadcast v11, $0xF;
	v11 =	vadd.f32 v18, v15;
	_ =	sdelay $0x1  }
0x88: {  	v16 =	vadd.f32 v16, v19;
	v13, _, _ =	vpop (xrf2);
	(erf) = vpow2.f32 v10;
	v10 =	vmul.f32 $2.000000030e-01, v11  }
0x89: {  	v13 =	vmul.f32 $1.442695020e+00, v13  }
0x8a: {  	v18 =	vmul.f32 $2.000000030e-01, v16;
	v10 =	vmax.f32 v11, v10  }
0x8b: {  	v13 =	vbroadcast v13, $0xF;
	v10 =	vmul.f32 v10, v1;
	_ =	sdelay $0x1  }
0x8c: {  	v11 =	vmax.f32 v16, v18;
	(erf) = vpow2.f32 v13  }
0x8d: {  	v11 =	vmul.f32 v11, v1  }
0x8e: {  	(xrf2) =	vadd.scan.msk.f32 $0xffff, v10;
	v10, _, _ =	vpop (xrf2)  }
0x8f: {  	v8 =	vmul.f32 v7, v8;
	v10 =	vmul.f32 $1.442695020e+00, v10  }
0x90: {  	(xrf2) =	vadd.scan.msk.f32 $0xffff, v11  }
0x91: {  	v11, _, _ =	vpop (xrf2);
	v10 =	vbroadcast v10, $0xF  }
0x92: {  	v11 =	vmul.f32 $1.442695020e+00, v11  }
0x93: {  	v20 =	vld [tilespmem:s4+$0x0];
	[tilespmem:s21+$0xFFFFFFB0] =	vst v8;
	v8 =	vpop (erf);
	(erf) = vpow2.f32 v10  }
0x94: {  	v18 =	vld [tilespmem:s24+$0x0];
	v10 =	vbroadcast v11, $0xF;
	v11 =	vmul.f32 v8, v9  }
0x95: {  	v13 =	vld [tilespmem:s17+$0xFFFFFFD0];
	v9 =	vpop (erf)  }
0x96: {  	(erf) = vpow2.f32 v10;
	v10 =	vld [tilespmem:s19+$0xFFFFFFD0];
	[tilespmem:s21+$0x0] =	vst v11;
	v11 =	vmul.f32 v9, v12  }
0x97: {  	v16 =	vld [tilespmem:s17+$0x10]  }
0x98: {  	v12 =	vld [tilespmem:s19+$0x10];
	v21, _, _ =	vpop (xrf2);
	[tilespmem:s21+$0x60] =	vst v11  }
0x99: {  	v11 =	vmul.f32 $1.442695020e+00, v21;
	v30 =	vld [tilespmem:s17+$0x60]  }
0x9a: {  	v20 =	vadd.f32 v20, v18;
	v21, _, _ =	vpop (xrf2);
	v22 =	vld [tilespmem:s19+$0x60]  }
0x9b: {  	v21 =	vmul.f32 $1.442695020e+00, v21;
	v11 =	vbroadcast v11, $0xF  }
0x9c: {  	v24 =	vmul.f32 $2.000000030e-01, v20;
	v23 =	vadd.f32 v10, v13  }
0x9d: {  	v21 =	vbroadcast v21, $0xF;
	(erf) = vpow2.f32 v11;
	v10 =	vpop (erf)  }
0x9e: {  	v12 =	vadd.f32 v12, v16;
	v25 =	vmul.f32 $2.000000030e-01, v23;
	v14 =	vmul.f32 v10, v14  }
0x9f: {  	v20 =	vmax.f32 v20, v24;
	(erf) = vpow2.f32 v21;
	v22 =	vadd.f32 v22, v30;
	v11 =	vpop (erf)  }
0xa0: {  	[tilespmem:s21+$0xFFFFFF70] =	vst v14;
	v14 =	vmul.f32 v11, v17;
	v17 =	vmax.f32 v23, v25;
	v23 =	vmul.f32 $2.000000030e-01, v12  }
0xa1: {  	v20 =	vmul.f32 v20, v1;
	v24 =	vmul.f32 $2.000000030e-01, v22;
	v21 =	vld [tilespmem:s17+$0xFFFFFFA0]  }
0xa2: {  	s23 =	simm.s32 $0x41E0;
	v17 =	vmul.f32 v17, v2;
	v25 =	vld [tilespmem:s19+$0xFFFFFFA0];
	v12 =	vmax.f32 v12, v23  }
0xa3: {  	(xrf2) =	vadd.scan.msk.f32 $0xffff, v20;
	[tilespmem:s23+$0x50] =	vst v14;
	v14 =	vmax.f32 v22, v24;
	v12 =	vmul.f32 v12, v2  }
0xa4: {  	v31 =	vld [tilespmem:s24+$0x50];
	(xrf2) =	vadd.scan.msk.f32 $0xffff, v17;
	v14 =	vmul.f32 v14, v3  }
0xa5: {  	v17 =	vld [tilespmem:s4+$0x50]  }
0xa6: {  	(xrf2) =	vadd.scan.msk.f32 $0xffff, v12  }
0xa7: {  	(xrf2) =	vadd.scan.msk.f32 $0xffff, v14;
	v20 =	vadd.f32 v25, v21;
	v12 =	vpop (erf)  }
0xa8: {  	v14 =	vpop (erf)  }
0xa9: {  	v22 =	vmul.f32 $2.000000030e-01, v20;
	v19 =	vmul.f32 v14, v19  }
0xaa: {  	v17 =	vadd.f32 v17, v31  }
0xab: {  	[tilespmem:s23+$0xFFFFFF60] =	vst v19  }
0xac: {  	v20 =	vmax.f32 v20, v22;
	v19 =	vmul.f32 $2.000000030e-01, v17;
	v25 =	vld [tilespmem:s24+$0xFFFFFF90]  }
0xad: {  	s5 =	simm.s32 $0x280;
	v20 =	vmul.f32 v20, v3;
	v22, _, _ =	vpop (xrf2);
	v23 =	vld [tilespmem:s4+$0xFFFFFF90]  }
0xae: {  	s6 =	simm.s32 $0x2280;
	v26 =	vld [tilespmem:s5+$0x40];
	v17 =	vmax.f32 v17, v19;
	v19 =	vmul.f32 $1.442695020e+00, v22;
	v22, _, _ =	vpop (xrf2)  }
0xaf: {  	(xrf2) =	vadd.scan.msk.f32 $0xffff, v20;
	v20 =	vld [tilespmem:s6+$0x40];
	v17 =	vmul.f32 v17, v2;
	v22 =	vmul.f32 $1.442695020e+00, v22  }
0xb0: {  	v19 =	vbroadcast v19, $0xF;
	v24, _, _ =	vpop (xrf2)  }
0xb1: {  	(xrf2) =	vadd.scan.msk.f32 $0xffff, v17;
	v17 =	vbroadcast v22, $0xF;
	v22 =	vmul.f32 $1.442695020e+00, v24;
	v24, _, _ =	vpop (xrf2)  }
0xb2: {  	(erf) = vpow2.f32 v19;
	v19 =	vmul.f32 $1.442695020e+00, v24;
	v24 =	vadd.f32 v23, v25  }
0xb3: {  	(erf) = vpow2.f32 v17;
	v17 =	vbroadcast v22, $0xF  }
0xb4: {  	v20 =	vadd.f32 v20, v26;
	v19 =	vbroadcast v19, $0xF;
	v22 =	vmul.f32 $2.000000030e-01, v24  }
0xb5: {  	(erf) = vpow2.f32 v17  }
0xb6: {  	(erf) = vpow2.f32 v19;
	v19 =	vmax.f32 v24, v22;
	v22 =	vmul.f32 $2.000000030e-01, v20  }
0xb7: {  	v27 =	vld [tilespmem:s6+$0xFFFFFFC0]  }
0xb8: {  	v23 =	vld [tilespmem:s5+$0xFFFFFFC0];
	v19 =	vmul.f32 v19, v2;
	v20 =	vmax.f32 v20, v22  }
0xb9: {  	v17 =	vld [tilespmem:s6+$0xFFFFFF80]  }
0xba: {  	v24 =	vld [tilespmem:s5+$0xFFFFFF80];
	v29, _, _ =	vpop (xrf2);
	(xrf2) =	vadd.scan.msk.f32 $0xffff, v19  }
0xbb: {  	v15 =	vmul.f32 v12, v15;
	v19 =	vmul.f32 v20, v1;
	v20, _, _ =	vpop (xrf2)  }
0xbc: {  	v22 =	vpop (erf)  }
0xbd: {  	[tilespmem:s23+$0xFFFFFFB0] =	vst v15;
	v15 =	vadd.f32 v27, v23;
	v27 =	vpop (erf)  }
0xbe: {  	v20 =	vmul.f32 $1.442695020e+00, v20;
	v28 =	vpop (erf)  }
0xbf: {  	v41 =	vld [tilespmem:s6+$0x0];
	v34 =	vmul.f32 $1.442695020e+00, v29;
	v35 =	vmul.f32 $2.000000030e-01, v15;
	(xrf2) =	vadd.scan.msk.f32 $0xffff, v19;
	v17 =	vadd.f32 v17, v24;
	v29 =	vpop (erf)  }
0xc0: {  	v33 =	vld [tilespmem:s4+$0xFFFFFFD0];
	v32 =	vbroadcast v20, $0xF;
	v30 =	vmul.f32 v29, v30  }
0xc1: {  	v19 =	vld [tilespmem:s24+$0xFFFFFFD0];
	v15 =	vmax.f32 v15, v35;
	v36 =	vmul.f32 $2.000000030e-01, v17  }
0xc2: {  	v15 =	vmul.f32 v15, v1;
	v20 =	vld [tilespmem:s5+$0x0];
	(erf) = vpow2.f32 v32  }
0xc3: {  	v17 =	vmax.f32 v17, v36  }
0xc4: {  	v34 =	vbroadcast v34, $0xF;
	(xrf2) =	vadd.scan.msk.f32 $0xffff, v15;
	v17 =	vmul.f32 v17, v1;
	[tilespmem:s21+$0x70] =	vst v30;
	v30, _, _ =	vpop (xrf2)  }
0xc5: {  	v30 =	vmul.f32 $1.442695020e+00, v30  }
0xc6: {  	v18 =	vmul.f32 v22, v18;
	(erf) = vpow2.f32 v34;
	(xrf2) =	vadd.scan.msk.f32 $0xffff, v17;
	v15 =	vld [tilespmem:s17+$0x70]  }
0xc7: {  	v33 =	vadd.f32 v33, v19;
	v42 =	vld [tilespmem:s19+$0x70];
	v32 =	vadd.f32 v41, v20;
	v30 =	vbroadcast v30, $0xF  }
0xc8: {  	v13 =	vmul.f32 v27, v13;
	[tilespmem:s23+$0x0] =	vst v18  }
0xc9: {  	v18 =	vld [tilespmem:s24+$0x10];
	v17 =	vmul.f32 $2.000000030e-01, v33;
	v43, _, _ =	vpop (xrf2);
	v37 =	vmul.f32 $2.000000030e-01, v32  }
0xca: {  	v44 =	vld [tilespmem:s4+$0x10];
	[tilespmem:s21+$0xFFFFFFC0] =	vst v13;
	v13 =	vmul.f32 v28, v16;
	v35 =	vmul.f32 $1.442695020e+00, v43  }
0xcb: {  	v16 =	vld [tilespmem:s17+$0xFFFFFFE0];
	v33 =	vmax.f32 v33, v17;
	v32 =	vmax.f32 v32, v37;
	(erf) = vpow2.f32 v30;
	v30 =	vpop (erf)  }
0xcc: {  	[tilespmem:s21+$0x10] =	vst v13;
	v13 =	vld [tilespmem:s19+$0xFFFFFFE0];
	v35 =	vbroadcast v35, $0xF;
	v34 =	vadd.f32 v42, v15;
	v31 =	vmul.f32 v30, v31  }
0xcd: {  	v46 =	vld [tilespmem:s19+$0x20];
	v32 =	vmul.f32 v32, v1  }
0xce: {  	v17 =	vld [tilespmem:s17+$0x20];
	v47, _, _ =	vpop (xrf2);
	(erf) = vpow2.f32 v35;
	v38 =	vmul.f32 $2.000000030e-01, v34;
	[tilespmem:s23+$0x60] =	vst v31  }
0xcf: {  	v36 =	vadd.f32 v44, v18;
	v45 =	vmul.f32 v33, v2;
	(xrf2) =	vadd.scan.msk.f32 $0xffff, v32;
	v33 =	vpop (erf);
	v32 =	vld [tilespmem:s24+$0x60]  }
0xd0: {  	v35 =	vmul.f32 $1.442695020e+00, v47;
	v34 =	vmax.f32 v34, v38;
	v39, _, _ =	vpop (xrf2);
	v21 =	vmul.f32 v33, v21;
	v48 =	vld [tilespmem:s4+$0x60]  }
0xd1: {  	v49 =	vadd.f32 v13, v16;
	(xrf2) =	vadd.scan.msk.f32 $0xffff, v45;
	v34 =	vmul.f32 v34, v4;
	v39 =	vmul.f32 $1.442695020e+00, v39  }
0xd2: {  	v31 =	vmul.f32 $2.000000030e-01, v36;
	[tilespmem:s21+$0xFFFFFF80] =	vst v21;
	v21 =	vbroadcast v35, $0xF  }
0xd3: {  	v51 =	vmul.f32 $2.000000030e-01, v49;
	v50 =	vadd.f32 v46, v17  }
0xd4: {  	(xrf2) =	vadd.scan.msk.f32 $0xffff, v34;
	v39 =	vbroadcast v39, $0xF;
	v31 =	vmax.f32 v36, v31;
	(erf) = vpow2.f32 v21;
	v52 =	vpop (erf)  }
0xd5: {  	v13 =	vld [tilespmem:s17+$0xFFFFFFB0];
	v31 =	vmul.f32 v31, v2;
	v21 =	vmul.f32 v52, v25;
	v25 =	vadd.f32 v48, v32  }
0xd6: {  	v53 =	vmul.f32 $2.000000030e-01, v50;
	v40 =	vld [tilespmem:s19+$0xFFFFFFB0];
	(erf) = vpow2.f32 v39  }
0xd7: {  	v35 =	vmax.f32 v49, v51;
	v54 =	vpop (erf);
	(xrf2) =	vadd.scan.msk.f32 $0xffff, v31;
	v31 =	vmul.f32 $2.000000030e-01, v25  }
0xd8: {  	v34 =	vmax.f32 v50, v53;
	v35 =	vmul.f32 v35, v3;
	v26 =	vmul.f32 v54, v26;
	[tilespmem:s23+$0xFFFFFF70] =	vst v21  }
0xd9: {  	s15 =	simm.s32 $0x4320;
	v34 =	vmul.f32 v34, v3;
	v55, _, _ =	vpop (xrf2);
	v21 =	vld [tilespmem:s24+$0xFFFFFFA0];
	v25 =	vmax.f32 v25, v31  }
0xda: {  	(xrf2) =	vadd.scan.msk.f32 $0xffff, v35;
	v56 =	vld [tilespmem:s4+$0xFFFFFFA0];
	[tilespmem:s15+$0x50] =	vst v26;
	v26 =	vmul.f32 $1.442695020e+00, v55;
	v25 =	vmul.f32 v25, v3  }
0xdb: {  	v57, _, _ =	vpop (xrf2);
	v58 =	vadd.f32 v40, v13;
	(xrf2) =	vadd.scan.msk.f32 $0xffff, v34;
	v59 =	vld [tilespmem:s6+$0x50]  }
0xdc: {  	v38 =	vmul.f32 $1.442695020e+00, v57;
	v31 =	vld [tilespmem:s5+$0x50];
	v26 =	vbroadcast v26, $0xF  }
0xdd: {  	v6 =	vnsel vm0, $0x0, v6;
	v40 =	vmul.f32 $2.000000030e-01, v58;
	v60 =	vpop (erf)  }
0xde: {  	v5 =	vnsel vm0, $0x0, v5;
	v38 =	vbroadcast v38, $0xF;
	(erf) = vpow2.f32 v26;
	(xrf2) =	vadd.scan.msk.f32 $0xffff, v25;
	v25, _, _ =	vpop (xrf2)  }
0xdf: {  	v26 =	vmax.f32 v58, v40;
	v61 =	vadd.f32 v56, v21;
	v62 =	vpop (erf);
	v25 =	vmul.f32 $1.442695020e+00, v25  }
0xe0: {  	v8 =	vnsel vm0, $0x0, v8;
	v26 =	vmul.f32 v26, v4;
	v24 =	vmul.f32 v62, v24  }
0xe1: {  	v34 =	vadd.f32 v59, v31;
	v41 =	vmul.f32 $2.000000030e-01, v61;
	v63, _, _ =	vpop (xrf2);
	v25 =	vbroadcast v25, $0xF  }
0xe2: {  	v6 =	vsel vm1, v6, v9;
	(erf) = vpow2.f32 v38;
	(xrf2) =	vadd.scan.msk.f32 $0xffff, v26;
	v40 =	vmul.f32 $1.442695020e+00, v63  }
0xe3: {  	[tilespmem:s15+$0xFFFFFF60] =	vst v24;
	v42 =	vmul.f32 $2.000000030e-01, v34;
	(erf) = vpow2.f32 v25;
	v25 =	vmax.f32 v61, v41  }
0xe4: {  	v5 =	vsel vm1, v5, v10;
	v43 =	vnsel vm0, $0x0, v22;
	v44, _, _ =	vpop (xrf2);
	v24 =	vld [tilespmem:s5+$0xFFFFFF90];
	v25 =	vmul.f32 v25, v3  }
0xe5: {  	s18 =	simm.s32 $0x2380;
	v45 =	vld [tilespmem:s6+$0xFFFFFF90];
	v35 =	vmul.f32 $1.442695020e+00, v44;
	v46, _, _ =	vpop (xrf2);
	v26 =	vbroadcast v40, $0xF;
	v34 =	vmax.f32 v34, v42  }
0xe6: {  	s16 =	simm.s32 $0x380;
	v9 =	vld [tilespmem:s18+$0x40];
	v47 =	vnsel vm0, $0x0, v7;
	v7 =	vmul.f32 $1.442695020e+00, v46;
	v34 =	vmul.f32 v34, v2  }
0xe7: {  	v48 =	vnsel vm0, $0x0, v11;
	v35 =	vbroadcast v35, $0xF;
	(erf) = vpow2.f32 v26;
	v26 =	vld [tilespmem:s16+$0x40];
	(xrf2) =	vadd.scan.msk.f32 $0xffff, v25  }
0xe8: {  	v11 =	vsel vm1, v8, v28;
	v8 =	vsel vm2, v6, v29;
	v6 =	vld [tilespmem:s18+$0xFFFFFF80];
	v7 =	vbroadcast v7, $0xF;
	(xrf2) =	vadd.scan.msk.f32 $0xffff, v34;
	v25, _, _ =	vpop (xrf2)  }
0xe9: {  	(erf) = vpow2.f32 v35;
	v35 =	vsel vm1, v48, v30;
	v30 =	vld [tilespmem:s16+$0xFFFFFF80];
	v25 =	vmul.f32 $1.442695020e+00, v25  }
0xea: {  	v49 =	vnsel vm0, $0x0, v12;
	v12 =	vnsel vm0, $0x0, v14;
	v40 =	vadd.f32 v45, v24  }
0xeb: {  	v23 =	vmul.f32 v60, v23;
	v42 =	vsel vm1, v47, v27;
	v10 =	vbroadcast v25, $0xF  }
0xec: {  	v22 =	vld [tilespmem:s18+$0xFFFFFFC0];
	(erf) = vpow2.f32 v7;
	v14 =	vmul.f32 $2.000000030e-01, v40;
	v27, _, _ =	vpop (xrf2);
	v9 =	vadd.f32 v9, v26  }
0xed: {  	[tilespmem:s15+$0xFFFFFFB0] =	vst v23;
	v7 =	vpop (erf);
	v29 =	vmul.f32 $1.442695020e+00, v27;
	v25 =	vld [tilespmem:s16+$0xFFFFFFC0];
	(erf) = vpow2.f32 v10  }
0xee: {  	v23 =	vld [tilespmem:s5+$0xFFFFFFD0];
	v27 =	vmax.f32 v40, v14;
	v6 =	vadd.f32 v6, v30;
	v44 =	vmul.f32 $2.000000030e-01, v9  }
0xef: {  	v34 =	vsel vm1, v12, v52;
	v14 =	vsel vm2, v5, v33;
	v5 =	vld [tilespmem:s6+$0xFFFFFFD0];
	v51 =	vmul.f32 v27, v2;
	v10 =	vpop (erf)  }
0xf0: {  	v45 =	vld [tilespmem:s18+$0x0];
	v52 =	vbroadcast v29, $0xF;
	v56 =	vmul.f32 $2.000000030e-01, v6;
	v9 =	vmax.f32 v9, v44;
	v28 =	vpop (erf)  }
0xf1: {  	v12 =	vmul.f32 v7, v20;
	v27 =	vld [tilespmem:s16+$0x0];
	(xrf2) =	vadd.scan.msk.f32 $0xffff, v51;
	v9 =	vmul.f32 v9, v1;
	v20, _, _ =	vpop (xrf2)  }
0xf2: {  	v6 =	vmax.f32 v6, v56;
	(erf) = vpow2.f32 v52;
	v53 =	vadd.f32 v22, v25;
	v22, _, _ =	vpop (xrf2)  }
0xf3: {  	v29 =	vnsel vm0, $0x0, v54;
	v6 =	vmul.f32 v6, v1;
	v50 =	vpop (erf);
	v22 =	vmul.f32 $1.442695020e+00, v22  }
0xf4: {  	v5 =	vadd.f32 v5, v23;
	v19 =	vmul.f32 v10, v19;
	(xrf2) =	vadd.scan.msk.f32 $0xffff, v9;
	v20 =	vmul.f32 $1.442695020e+00, v20;
	v54 =	vpop (erf)  }
0xf5: {  	[tilespmem:s15+$0x0] =	vst v12;
	v12 =	vmul.f32 $2.000000030e-01, v53;
	v55 =	vpop (erf);
	v9 =	vbroadcast v22, $0xF  }
0xf6: {  	v45 =	vadd.f32 v45, v27;
	v47 =	vmul.f32 $2.000000030e-01, v5;
	v39 =	vmul.f32 v28, v15;
	v44 =	vpop (erf)  }
0xf7: {  	v46 =	vld [tilespmem:s6+$0x10];
	[tilespmem:s23+$0xFFFFFFC0] =	vst v19;
	v12 =	vmax.f32 v53, v12;
	(erf) = vpow2.f32 v9;
	v32 =	vmul.f32 v44, v32  }
0xf8: {  	v19 =	vld [tilespmem:s24+$0xFFFFFFE0];
	v9 =	vbroadcast v20, $0xF;
	v20 =	vmul.f32 v12, v1  }
0xf9: {  	v18 =	vmul.f32 v50, v18;
	v57 =	vmul.f32 $2.000000030e-01, v45;
	v15 =	vld [tilespmem:s4+$0xFFFFFFE0];
	[tilespmem:s23+$0x70] =	vst v32  }
0xfa: {  	v5 =	vmax.f32 v5, v47;
	v16 =	vmul.f32 v54, v16;
	(xrf2) =	vadd.scan.msk.f32 $0xffff, v20;
	(erf) = vpow2.f32 v9;
	v12 =	vld [tilespmem:s24+$0x70]  }
0xfb: {  	[tilespmem:s23+$0x10] =	vst v18;
	v18 =	vmul.f32 v5, v2;
	v5 =	vmax.f32 v45, v57;
	v58, _, _ =	vpop (xrf2);
	(xrf2) =	vadd.scan.msk.f32 $0xffff, v6;
	v9 =	vld [tilespmem:s4+$0x70]  }
0xfc: {  	v22 =	vld [tilespmem:s5+$0x10];
	v5 =	vmul.f32 v5, v1;
	v32 =	vmul.f32 $1.442695020e+00, v58  }
0xfd: {  	v38 =	vnsel vm0, $0x0, v62;
	v17 =	vmul.f32 v55, v17;
	v20 =	vld [tilespmem:s24+$0x20]  }
0xfe: {  	v41 =	vsel vm3, v8, v28;
	v6 =	vsel vm1, v49, v10;
	v10 =	vld [tilespmem:s4+$0x20];
	(xrf2) =	vadd.scan.msk.f32 $0xffff, v5;
	v59, _, _ =	vpop (xrf2);
	v28 =	vbroadcast v32, $0xF  }
0xff: {  	v33 =	vnsel vm0, $0x0, v60;
	v11 =	vsel vm2, v11, v55;
	[tilespmem:s21+$0xFFFFFFD0] =	vst v16;
	v32 =	vmul.f32 $1.442695020e+00, v59  }
0x100: {  	[tilespmem:s21+$0x20] =	vst v17;
	v16 =	vpop (erf);
	v15 =	vadd.f32 v15, v19;
	(erf) = vpow2.f32 v28;
	v60 =	vadd.f32 v9, v12  }
0x101: {  	v46 =	vadd.f32 v46, v22;
	v58 =	vmul.f32 v16, v13;
	(xrf2) =	vadd.scan.msk.f32 $0xffff, v18;
	v32 =	vbroadcast v32, $0xF;
	v17 =	vpop (erf)  }
0x102: {  	v61 =	vld [tilespmem:s19+$0xFFFFFFF0];
	v5 =	vsel vm1, v43, v50;
	v31 =	vmul.f32 v17, v31;
	v28 =	vmul.f32 $2.000000030e-01, v60  }
0x103: {  	v49 =	vld [tilespmem:s19+$0x30];
	v63 =	vmul.f32 $2.000000030e-01, v15;
	v8 =	vmul.f32 $2.000000030e-01, v46;
	v62 =	vadd.f32 v10, v20;
	v36 =	vpop (erf)  }
0x104: {  	v10 =	vld [tilespmem:s17+$0x30];
	(erf) = vpow2.f32 v32;
	v50, _, _ =	vpop (xrf2);
	[tilespmem:s15+$0x60] =	vst v31;
	v21 =	vmul.f32 v36, v21;
	v28 =	vmax.f32 v60, v28  }
0x105: {  	v9 =	vmax.f32 v46, v8;
	v32 =	vmul.f32 $1.442695020e+00, v50;
	v51, _, _ =	vpop (xrf2);
	v52 =	vld [tilespmem:s6+$0x60];
	v31 =	vmul.f32 v28, v4  }
0x106: {  	v15 =	vmax.f32 v15, v63;
	v18 =	vmul.f32 v9, v2;
	v28 =	vld [tilespmem:s5+$0x60];
	v46 =	vmul.f32 $1.442695020e+00, v51  }
0x107: {  	v8 =	vld [tilespmem:s17+$0xFFFFFFF0];
	v48 =	vmul.f32 $2.000000030e-01, v62;
	[tilespmem:s23+$0xFFFFFF80] =	vst v21;
	v32 =	vbroadcast v32, $0xF;
	(xrf2) =	vadd.scan.msk.f32 $0xffff, v31  }
0x108: {  	v53 =	vmul.f32 v15, v3;
	v9 =	vsel vm2, v42, v54;
	v55, _, _ =	vpop (xrf2);
	v15 =	vld [tilespmem:s24+$0xFFFFFFB0];
	v21 =	vbroadcast v46, $0xF  }
0x109: {  	v42 =	vmax.f32 v62, v48;
	v57 =	vld [tilespmem:s4+$0xFFFFFFB0];
	v56 =	vpop (erf);
	(erf) = vpow2.f32 v32;
	(xrf2) =	vadd.scan.msk.f32 $0xffff, v18;
	v32 =	vmul.f32 $1.442695020e+00, v55  }
0x10a: {  	v62 =	vsel vm3, v14, v16;
	v14 =	vsel vm1, v29, v17;
	v13 =	vmul.f32 v56, v24  }
0x10b: {  	v24, _, _ =	vpop (xrf2);
	(erf) = vpow2.f32 v21;
	v43 =	vadd.f32 v52, v28;
	v32 =	vbroadcast v32, $0xF  }
0x10c: {  	v42 =	vmul.f32 v42, v3;
	v31 =	vadd.f32 v61, v8;
	[tilespmem:s15+$0xFFFFFF70] =	vst v13;
	v13 =	vmul.f32 $1.442695020e+00, v24  }
0x10d: {  	v18 =	vadd.f32 v49, v10;
	(xrf2) =	vadd.scan.msk.f32 $0xffff, v53;
	v60 =	vpop (erf);
	v61 =	vmul.f32 $2.000000030e-01, v43;
	(erf) = vpow2.f32 v32  }
0x10e: {  	v54 =	vmul.f32 $2.000000030e-01, v31;
	(xrf2) =	vadd.scan.msk.f32 $0xffff, v42;
	v24 =	vld [tilespmem:s5+$0xFFFFFFA0];
	v16 =	vmul.f32 v60, v26;
	v26 =	vadd.f32 v57, v15  }
0x10f: {  	v59 =	vmul.f32 $2.000000030e-01, v18;
	v63 =	vld [tilespmem:s6+$0xFFFFFFA0];
	v13 =	vbroadcast v13, $0xF;
	v43 =	vmax.f32 v43, v61  }
0x110: {  	s20 =	simm.s32 $0x4460;
	v31 =	vmax.f32 v31, v54;
	v48 =	vmul.f32 $2.000000030e-01, v26;
	v17 =	vmul.f32 v43, v3  }
0x111: {  	v7 =	vnsel vm0, $0x0, v7;
	v31 =	vmul.f32 v31, v4;
	v18 =	vmax.f32 v18, v59;
	[tilespmem:s20+$0x50] =	vst v16;
	v49, _, _ =	vpop (xrf2)  }
0x112: {  	(erf) = vpow2.f32 v13;
	v29 =	vld [tilespmem:s16+$0x50];
	v50 =	vpop (erf);
	(xrf2) =	vadd.scan.msk.f32 $0xffff, v17;
	v17 =	vmax.f32 v26, v48;
	v26 =	vmul.f32 $1.442695020e+00, v49  }
0x113: {  	v21 =	vsel vm2, v35, v44;
	v32 =	vmul.f32 v18, v4;
	v18 =	vld [tilespmem:s18+$0x50];
	v25 =	vmul.f32 v50, v25;
	v51, _, _ =	vpop (xrf2)  }
0x114: {  	v53 =	vadd.f32 v63, v24;
	v52 =	vmul.f32 v17, v4;
	v54 =	vpop (erf);
	v40 =	vbroadcast v26, $0xF  }
0x115: {  	[tilespmem:s21+$0xFFFFFF90] =	vst v58;
	v16 =	vsel vm2, v34, v36;
	v35 =	vmul.f32 $1.442695020e+00, v51;
	v30 =	vmul.f32 v54, v30  }
0x116: {  	[tilespmem:s20+$0xFFFFFFB0] =	vst v25;
	v25 =	vmul.f32 $2.000000030e-01, v53;
	(xrf2) =	vadd.scan.msk.f32 $0xffff, v52;
	v59 =	vpop (erf);
	(erf) = vpow2.f32 v40  }
0x117: {  	v13 =	vsel vm1, v38, v56;
	v56, _, _ =	vpop (xrf2);
	v37 =	vld [tilespmem:s16+$0xFFFFFFD0];
	v55 =	vbroadcast v35, $0xF;
	[tilespmem:s20+$0xFFFFFF60] =	vst v30;
	v30 =	vmul.f32 v59, v27  }
0x118: {  	[tilespmem:s21+$0xFFFFFFA0] =	vst v62;
	v17 =	vnsel vm0, $0x0, v60;
	v58 =	vadd.f32 v18, v29;
	v62, _, _ =	vpop (xrf2);
	v57 =	vld [tilespmem:s18+$0xFFFFFFD0];
	v35 =	vmul.f32 $1.442695020e+00, v56  }
0x119: {  	v63 =	vmul.f32 $1.442695020e+00, v62;
	(xrf2) =	vadd.scan.msk.f32 $0xffff, v31;
	v25 =	vmax.f32 v53, v25;
	v27 =	vld [tilespmem:s16+$0xFFFFFF90];
	(erf) = vpow2.f32 v55  }
0x11a: {  	[tilespmem:s21+$0x90] =	vst v41;
	v26 =	vnsel vm0, $0x0, v50;
	v60 =	vmul.f32 $2.000000030e-01, v58;
	v40 =	vld [tilespmem:s18+$0xFFFFFF90];
	v61 =	vmul.f32 v25, v3  }
0x11b: {  	v18 =	vnsel vm0, $0x0, v54;
	v25 =	vnsel vm0, $0x0, v59;
	v35 =	vbroadcast v35, $0xF;
	[tilespmem:s20+$0x0] =	vst v30;
	v30 =	vpop (erf)  }
0x11c: {  	s7 =	simm.s32 $0xC;
	v41 =	vbroadcast v63, $0xF;
	v31 =	vmax.f32 v58, v60;
	v38 =	vld [tilespmem:s16+$0x10];
	(xrf2) =	vadd.scan.msk.f32 $0xffff, v61;
	v36 =	vmul.f32 v30, v23  }
0x11d: {  	s8 =	simm.s32 $0x480;
	[tilespmem:s21+$0x80] =	vst v39;
	s19 =	simm.s32 $0x2380;
	s17 =	simm.s32 $0x4460;
	v42 =	vld [tilespmem:s18+$0x10];
	v39 =	vadd.f32 v57, v37;
	v23 =	vsel vm1, v33, v30;
	v33 =	vmul.f32 v31, v2;
	v30, _, _ =	vpop (xrf2)  }
.LBB2_5:
0x11e: {  	v34 =	vld [tilespmem:s8+$0x40];
	s18 =	sadd.s32 $0x100, s18;
	[tilespmem:s15+$0xFFFFFFC0] =	vst v36;
	v43 =	vmul.f32 $1.442695020e+00, v30;
	(erf) = vpow2.f32 v35;
	v30 =	vmovc v26;
	v31 =	vmov v37  }
0x11f: {  	v35 =	vld [tilespmem:s18+$0x40];
	v37 =	vadd.f32 v40, v27;
	v40 =	vmul.f32 $2.000000030e-01, v39;
	(xrf2) =	vadd.scan.msk.f32 $0xffff, v33;
	(erf) = vpow2.f32 v41;
	v26 =	vpop (erf)  }
0x120: {  	v41 =	vld [tilespmem:s18+$0xFFFFFF80];
	v33 =	vbroadcast v43, $0xF;
	v12 =	vmul.f32 v26, v12;
	v21 =	vsel vm3, v21, v26;
	v36, _, _ =	vpop (xrf2)  }
0x121: {  	v26 =	vld [tilespmem:s8+$0xFFFFFFC0];
	v44 =	vmul.f32 $2.000000030e-01, v37;
	v39 =	vmax.f32 v39, v40;
	v36 =	vmul.f32 $1.442695020e+00, v36;
	[tilespmem:s23+$0x90] =	vst v21  }
0x122: {  	s7 =	sadd.s32 $0x4, s7;
	v21 =	vld [tilespmem:s18+$0xFFFFFFC0];
	v39 =	vmul.f32 v39, v2;
	v40 =	vadd.f32 v42, v38;
	v42 =	vpop (erf);
	(erf) = vpow2.f32 v33;
	[tilespmem:s23+$0x80] =	vst v12  }
0x123: {  	p0 =	slt.u32 s7, $0x7C;
	v33 =	vld [tilespmem:s8+$0x0];
	v12 =	vmax.f32 v37, v44;
	v37 =	vmul.f32 v42, v22;
	v36 =	vbroadcast v36, $0xF;
	v43, _, _ =	vpop (xrf2);
	(xrf2) =	vadd.scan.msk.f32 $0xffff, v32  }
0x124: {  	v22 =	vmovc v38;
	v32 =	vld [tilespmem:s18+$0x0];
	v44 =	vadd.f32 v35, v34;
	v12 =	vmul.f32 v12, v2;
	v45 =	vmul.f32 $2.000000030e-01, v40  }
0x125: {  	v42 =	vsel vm1, v7, v42;
	v7 =	vmovc v25;
	v35 =	vld [tilespmem:s8+$0xFFFFFF80];
	[tilespmem:s15+$0x10] =	vst v37;
	(erf) = vpow2.f32 v36;
	v36 =	vmul.f32 $1.442695020e+00, v43  }
0x126: {  	v25 =	vmul.f32 $2.000000030e-01, v44;
	v37 =	vmax.f32 v40, v45;
	(xrf2) =	vadd.scan.msk.f32 $0xffff, v12;
	v12 =	vld [tilespmem:s5+$0xFFFFFFE0];
	v38, _, _ =	vpop (xrf2)  }
0x127: {  	v21 =	vadd.f32 v21, v26;
	v37 =	vmul.f32 v37, v2;
	v38 =	vmul.f32 $1.442695020e+00, v38;
	v40 =	vld [tilespmem:s6+$0xFFFFFFE0];
	v43 =	vpop (erf)  }
0x128: {  	v46 =	vbroadcast v36, $0xF;
	v25 =	vmax.f32 v44, v25;
	v44 =	vld [tilespmem:s5+$0x20];
	v19 =	vmul.f32 v43, v19;
	v45 =	vpop (erf)  }
0x129: {  	v36 =	vmul.f32 $2.000000030e-01, v21;
	v32 =	vadd.f32 v32, v33;
	v25 =	vmul.f32 v25, v1;
	v47, _, _ =	vpop (xrf2);
	v48 =	vld [tilespmem:s6+$0x20]  }
0x12a: {  	v38 =	vbroadcast v38, $0xF;
	v41 =	vadd.f32 v41, v35;
	v47 =	vmul.f32 $1.442695020e+00, v47;
	[tilespmem:s23+$0xFFFFFFD0] =	vst v19  }
0x12b: {  	v20 =	vmul.f32 v45, v20;
	v21 =	vmax.f32 v21, v36;
	v51 =	vmul.f32 $2.000000030e-01, v32;
	(xrf2) =	vadd.scan.msk.f32 $0xffff, v25;
	v50 =	vpop (erf);
	v36 =	vld [tilespmem:s24+$0xFFFFFFF0]  }
0x12c: {  	v25 =	vbroadcast v47, $0xF;
	v40 =	vadd.f32 v40, v12;
	v52 =	vmul.f32 v50, v28;
	v47 =	vld [tilespmem:s4+$0xFFFFFFF0];
	v19 =	vmovc v12  }
0x12d: {  	v12 =	vmul.f32 $2.000000030e-01, v41;
	v21 =	vmul.f32 v21, v1;
	v32 =	vmax.f32 v32, v51;
	[tilespmem:s23+$0x20] =	vst v20;
	v49, _, _ =	vpop (xrf2)  }
0x12e: {  	v32 =	vmul.f32 v32, v1;
	(erf) = vpow2.f32 v25;
	v48 =	vadd.f32 v48, v44;
	[tilespmem:s15+$0x70] =	vst v52;
	v25 =	vld [tilespmem:s24+$0x30];
	v28 =	vpop (erf);
	s24 =	smov.u32 s5;
	s5 =	smov.u32 s16;
	s16 =	smov.u32 s8  }
0x12f: {  	v20 =	vmovc v44;
	v51 =	vmax.f32 v41, v12;
	(xrf2) =	vadd.scan.msk.f32 $0xffff, v21;
	v21 =	vmul.f32 $2.000000030e-01, v40;
	v12 =	vld [tilespmem:s24+$0x70];
	(erf) = vpow2.f32 v38  }
0x130: {  	v43 =	vsel vm2, v6, v43;
	v38 =	vmul.f32 v51, v1;
	v41, _, _ =	vpop (xrf2);
	v44 =	vmul.f32 $2.000000030e-01, v48;
	v51 =	vld [tilespmem:s6+$0x70]  }
0x131: {  	v6 =	vmovc v23;
	v41 =	vmul.f32 $1.442695020e+00, v41;
	v21 =	vmax.f32 v40, v21;
	v40 =	vadd.f32 v47, v36;
	v47 =	vld [tilespmem:s4+$0x30];
	s4 =	smov.u32 s6;
	s6 =	smov.u32 s19;
	s19 =	smov.u32 s18  }
0x132: {  	(xrf2) =	vadd.scan.msk.f32 $0xffff, v38;
	v52 =	vmul.f32 v21, v3;
	v21 =	vmax.f32 v48, v44;
	v48 =	vmul.f32 $1.442695020e+00, v49  }
0x133: {  	v38 =	vsel vm2, v5, v45;
	v5 =	vmovc v42;
	v41 =	vbroadcast v41, $0xF;
	v44 =	vmul.f32 v21, v3  }
0x134: {  	v21 =	vsel vm2, v14, v50;
	v14 =	vmul.f32 $2.000000030e-01, v40;
	v42 =	vbroadcast v48, $0xF  }
0x135: {  	v15 =	vmul.f32 v28, v15;
	(xrf2) =	vadd.scan.msk.f32 $0xffff, v32;
	v23, _, _ =	vpop (xrf2);
	(erf) = vpow2.f32 v41;
	v32 =	vadd.f32 v51, v12  }
0x136: {  	v14 =	vmax.f32 v40, v14;
	v41 =	vmul.f32 $1.442695020e+00, v23;
	v40 =	vadd.f32 v47, v25  }
0x137: {  	v23 =	vmul.f32 v14, v4;
	v45 =	vpop (erf);
	v47 =	vmul.f32 $2.000000030e-01, v32;
	[tilespmem:s23+$0xFFFFFF90] =	vst v15;
	v15 =	vsel vm3, v16, v28  }
0x138: {  	v16 =	vbroadcast v41, $0xF;
	v28 =	vmul.f32 v45, v29;
	v14 =	vsel vm1, v17, v45;
	(xrf2) =	vadd.scan.msk.f32 $0xffff, v39;
	v17 =	vpop (erf)  }
0x139: {  	v29, _, _ =	vpop (xrf2);
	v39 =	vmul.f32 v17, v24;
	v32 =	vmax.f32 v32, v47;
	[tilespmem:s23+$0xFFFFFFA0] =	vst v15;
	v15 =	vmul.f32 $2.000000030e-01, v40  }
0x13a: {  	(erf) = vpow2.f32 v16;
	[tilespmem:s20+$0x60] =	vst v28;
	v16 =	vsel vm2, v13, v17;
	v13 =	vmul.f32 v32, v4  }
0x13b: {  	v17 =	vmul.f32 $1.442695020e+00, v29;
	v28 =	vld [tilespmem:s5+$0x60];
	[tilespmem:s15+$0xFFFFFF80] =	vst v39;
	v15 =	vmax.f32 v40, v15;
	(erf) = vpow2.f32 v46  }
0x13c: {  	v24, _, _ =	vpop (xrf2);
	v29 =	vld [tilespmem:s6+$0x60];
	(xrf2) =	vadd.scan.msk.f32 $0xffff, v13;
	v32 =	vmul.f32 v15, v4;
	(erf) = vpow2.f32 v42  }
0x13d: {  	v41 =	vbroadcast v17, $0xF;
	v13 =	vmul.f32 $1.442695020e+00, v24;
	v15 =	vld [tilespmem:s24+$0xFFFFFFB0]  }
0x13e: {  	v24 =	vpop (erf);
	v39 =	vld [tilespmem:s4+$0xFFFFFFB0]  }
0x13f: {  	v40 =	vbroadcast v13, $0xF;
	(erf) = vpow2.f32 v41;
	v17, _, _ =	vpop (xrf2);
	v13 =	vsel vm1, v18, v24;
	(xrf2) =	vadd.scan.msk.f32 $0xffff, v37  }
0x140: {  	v24 =	vmul.f32 v24, v27;
	v37 =	vmul.f32 $1.442695020e+00, v17  }
0x141: {  	(erf) = vpow2.f32 v40;
	v27 =	vadd.f32 v29, v28  }
0x142: {  	v45 =	vbroadcast v37, $0xF;
	[tilespmem:s20+$0xFFFFFF70] =	vst v24;
	v17, _, _ =	vpop (xrf2);
	(xrf2) =	vadd.scan.msk.f32 $0xffff, v52  }
0x143: {  	v18 =	vpop (erf);
	v24 =	vld [tilespmem:s5+$0xFFFFFFA0];
	v37 =	vmul.f32 $1.442695020e+00, v17;
	v40 =	vmul.f32 $2.000000030e-01, v27;
	v39 =	vadd.f32 v39, v15  }
0x144: {  	v42 =	vmul.f32 v18, v34;
	v17 =	vnsel vm0, $0x0, v18;
	(erf) = vpow2.f32 v45;
	v18 =	vld [tilespmem:s6+$0xFFFFFFA0];
	v29 =	vpop (erf)  }
0x145: {  	s20 =	sadd.s32 $0x140, s20;
	v37 =	vbroadcast v37, $0xF;
	v27 =	vmax.f32 v27, v40;
	v40 =	vmul.f32 $2.000000030e-01, v39;
	(xrf2) =	vadd.scan.msk.f32 $0xffff, v44;
	v41 =	vpop (erf)  }
0x146: {  	v44 =	vsel vm3, v9, v29;
	[tilespmem:s20+$0x50] =	vst v42;
	v27 =	vmul.f32 v27, v3;
	v34, _, _ =	vpop (xrf2);
	v42 =	vmul.f32 v29, v8  }
0x147: {  	v9 =	vmovc v43;
	v8 =	vmovc v36;
	v29 =	vld [tilespmem:s8+$0x50];
	(erf) = vpow2.f32 v37;
	v37 =	vmax.f32 v39, v40;
	v34 =	vmul.f32 $1.442695020e+00, v34;
	[tilespmem:s21+$0xFFFFFFF0] =	vst v44  }
0x148: {  	v43 =	vmul.f32 v41, v10;
	v40 =	vsel vm3, v11, v41;
	v36 =	vld [tilespmem:s18+$0x50];
	v39 =	vpop (erf);
	(xrf2) =	vadd.scan.msk.f32 $0xffff, v27;
	v27 =	vmul.f32 v37, v4  }
0x149: {  	v44 =	vmul.f32 v39, v26;
	v41 =	vadd.f32 v18, v24;
	v18, _, _ =	vpop (xrf2);
	v34 =	vbroadcast v34, $0xF;
	[tilespmem:s21+$0xFFFFFFE0] =	vst v42  }
0x14a: {  	v10 =	vmov v25;
	v26 =	vnsel vm0, $0x0, v39;
	v37 =	vpop (erf);
	v39 =	vmul.f32 $1.442695020e+00, v18;
	[tilespmem:s21+$0x30] =	vst v43  }
0x14b: {  	v11 =	vmovc v38;
	v42 =	vmul.f32 v37, v35;
	[tilespmem:s20+$0xFFFFFFB0] =	vst v44;
	(xrf2) =	vadd.scan.msk.f32 $0xffff, v27;
	(erf) = vpow2.f32 v34  }
0x14c: {  	v18 =	vnsel vm0, $0x0, v37;
	v34 =	vmul.f32 $2.000000030e-01, v41;
	v37 =	vld [tilespmem:s8+$0xFFFFFFD0];
	v35 =	vbroadcast v39, $0xF;
	v27, _, _ =	vpop (xrf2);
	[tilespmem:s21+$0x40] =	vst v40;
	s21 =	smov.u32 s23;
	s23 =	smov.u32 s15;
	s15 =	smov.u32 s17  }
0x14d: {  	s17 =	smov.u32 s20;
	[tilespmem:s20+$0xFFFFFF60] =	vst v42;
	v39 =	vld [tilespmem:s18+$0xFFFFFFD0];
	v36 =	vadd.f32 v36, v29;
	v25 =	vpop (erf);
	v38 =	vmul.f32 $1.442695020e+00, v27  }
.Ltmp1:
0x14e: {  	v34 =	vmax.f32 v41, v34;
	v27 =	vld [tilespmem:s8+$0xFFFFFF90];
	v42 =	vmul.f32 v25, v33;
	(erf) = vpow2.f32 v35;
	(xrf2) =	vadd.scan.msk.f32 $0xffff, v23;
	(pc) =	sbr.rel @p0 .LBB2_5-.Ltmp1, $4  }
0x14f: {  	v25 =	vnsel vm0, $0x0, v25;
	v34 =	vmul.f32 v34, v3;
	v40 =	vld [tilespmem:s18+$0xFFFFFF90];
	v23 =	vmul.f32 $2.000000030e-01, v36;
	v41, _, _ =	vpop (xrf2)  }
0x150: {  	v35 =	vbroadcast v38, $0xF;
	[tilespmem:s20+$0x0] =	vst v42;
	v33 =	vpop (erf);
	v41 =	vmul.f32 $1.442695020e+00, v41  }
0x151: {  	v38 =	vld [tilespmem:s8+$0x10];
	v43 =	vmax.f32 v36, v23;
	v36 =	vmul.f32 v33, v31;
	v23 =	vsel vm1, v30, v33;
	(xrf2) =	vadd.scan.msk.f32 $0xffff, v34  }
0x152: {  	s8 =	sadd.s32 $0x100, s8;
	v39 =	vadd.f32 v39, v37;
	v42 =	vld [tilespmem:s18+$0x10];
	v33 =	vmul.f32 v43, v2;
	v30, _, _ =	vpop (xrf2);
	v41 =	vbroadcast v41, $0xF  }
0x153: {  	_ = 	snop  }
0x154: {  	(xrf2) =	vadd.scan.msk.f32 $0xffff, v33;
	_ =	sdelay $0x5  }
0x155: {  	v30 =	vmul.f32 $1.442695020e+00, v30  }
0x156: {  	v31, _, _ =	vpop (xrf2)  }
0x157: {  	(erf) = vpow2.f32 v35;
	v30 =	vbroadcast v30, $0xF;
	v43, _, _ =	vpop (xrf2)  }
0x158: {  	(erf) = vpow2.f32 v41;
	v44, _, _ =	vpop (xrf2)  }
0x159: {  	v57 =	vmul.f32 $1.442695020e+00, v31;
	(erf) = vpow2.f32 v30;
	v58, _, _ =	vpop (xrf2)  }
0x15a: {  	v31 =	vmul.f32 $1.442695020e+00, v58  }
0x15b: {  	v30 =	vbroadcast v57, $0xF  }
0x15c: {  	v31 =	vbroadcast v31, $0xF  }
0x15d: {  	(erf) = vpow2.f32 v30  }
0x15e: {  	v35 =	vpop (erf);
	(erf) = vpow2.f32 v31  }
0x15f: {  	v30 =	vpop (erf)  }
0x160: {  	v33 =	vpop (erf)  }
0x161: {  	v31 =	vpop (erf)  }
0x162: {  	v34 =	vpop (erf)  }
0x163: {  	v28 =	vmul.f32 v34, v28  }
0x164: {  	[tilespmem:s15+$0xFFFFFFC0] =	vst v36  }
0x165: {  	v46 =	vadd.f32 v40, v27;
	v40 =	vld [tilespmem:s5+$0xFFFFFFE0];
	[tilespmem:s15+$0x70] =	vst v28  }
0x166: {  	v59 =	vmul.f32 v30, v22;
	v36 =	vpop (erf);
	v28 =	vld [tilespmem:s5+$0x70]  }
0x167: {  	v45 =	vld [tilespmem:s6+$0x70];
	v22 =	vpop (erf)  }
0x168: {  	v47 =	vld [tilespmem:s6+$0xFFFFFFE0];
	[tilespmem:s15+$0x10] =	vst v59;
	v29 =	vmul.f32 v22, v29  }
0x169: {  	v48 =	vmul.f32 $2.000000030e-01, v46;
	v41 =	vld [tilespmem:s5+$0x20]  }
0x16a: {  	v49 =	vld [tilespmem:s6+$0x20];
	[tilespmem:s20+$0x60] =	vst v29  }
0x16b: {  	v61 =	vmul.f32 $2.000000030e-01, v39;
	v60 =	vmax.f32 v46, v48;
	v48 =	vld [tilespmem:s16+$0x60]  }
0x16c: {  	v45 =	vadd.f32 v45, v28;
	v29 =	vmul.f32 v60, v2;
	v50 =	vld [tilespmem:s19+$0x60]  }
0x16d: {  	(xrf2) =	vadd.scan.msk.f32 $0xffff, v32;
	v39 =	vmax.f32 v39, v61;
	v42 =	vadd.f32 v42, v38  }
0x16e: {  	v63 =	vmul.f32 v39, v2;
	v51 =	vadd.f32 v47, v40;
	v62 =	vmul.f32 $2.000000030e-01, v45;
	(xrf2) =	vadd.scan.msk.f32 $0xffff, v29  }
0x16f: {  	v52 =	vmul.f32 $2.000000030e-01, v42  }
0x170: {  	v47 =	vmul.f32 $2.000000030e-01, v51;
	v53 =	vadd.f32 v49, v41;
	(xrf2) =	vadd.scan.msk.f32 $0xffff, v63;
	v32 =	vmax.f32 v45, v62  }
0x171: {  	v42 =	vmax.f32 v42, v52;
	v32 =	vmul.f32 v32, v4;
	v54 =	vadd.f32 v50, v48  }
0x172: {  	v56 =	vmul.f32 v42, v2;
	v55 =	vmul.f32 $2.000000030e-01, v53  }
0x173: {  	v39 =	vmax.f32 v51, v47;
	(xrf2) =	vadd.scan.msk.f32 $0xffff, v32;
	v57 =	vmul.f32 $2.000000030e-01, v54  }
0x174: {  	v39 =	vmul.f32 v39, v3;
	v45 =	vmax.f32 v53, v55;
	(xrf2) =	vadd.scan.msk.f32 $0xffff, v56  }
0x175: {  	v45 =	vmul.f32 v45, v3;
	v29 =	vmax.f32 v54, v57  }
0x176: {  	(xrf2) =	vadd.scan.msk.f32 $0xffff, v39;
	v29 =	vmul.f32 v29, v3  }
0x177: {  	v59, _, _ =	vpop (xrf2);
	v60 =	vmul.f32 $1.442695020e+00, v43;
	(xrf2) =	vadd.scan.msk.f32 $0xffff, v45  }
0x178: {  	v58 =	vmul.f32 $1.442695020e+00, v44;
	v61, _, _ =	vpop (xrf2);
	(xrf2) =	vadd.scan.msk.f32 $0xffff, v29  }
0x179: {  	v42 =	vbroadcast v60, $0xF;
	v63 =	vmul.f32 $1.442695020e+00, v61  }
0x17a: {  	v62 =	vbroadcast v58, $0xF;
	v39 =	vmul.f32 $1.442695020e+00, v59;
	v46, _, _ =	vpop (xrf2)  }
0x17b: {  	v32 =	vmul.f32 $1.442695020e+00, v46;
	v45 =	vbroadcast v63, $0xF  }
0x17c: {  	(erf) = vpow2.f32 v62;
	v39 =	vbroadcast v39, $0xF  }
0x17d: {  	v32 =	vbroadcast v32, $0xF;
	v47, _, _ =	vpop (xrf2);
	(erf) = vpow2.f32 v45  }
0x17e: {  	v49 =	vmul.f32 $1.442695020e+00, v47;
	(erf) = vpow2.f32 v42;
	v50, _, _ =	vpop (xrf2)  }
0x17f: {  	(erf) = vpow2.f32 v39;
	v51 =	vmul.f32 $1.442695020e+00, v50  }
0x180: {  	v52, _, _ =	vpop (xrf2);
	v29 =	vbroadcast v49, $0xF;
	(erf) = vpow2.f32 v32  }
0x181: {  	v53 =	vmul.f32 $1.442695020e+00, v52;
	v54, _, _ =	vpop (xrf2);
	v32 =	vbroadcast v51, $0xF  }
0x182: {  	v39 =	vmul.f32 $1.442695020e+00, v54;
	(erf) = vpow2.f32 v29;
	v55, _, _ =	vpop (xrf2)  }
0x183: {  	v29 =	vbroadcast v53, $0xF;
	v42 =	vmul.f32 $1.442695020e+00, v55  }
0x184: {  	(erf) = vpow2.f32 v32;
	v56 =	vbroadcast v39, $0xF  }
0x185: {  	(erf) = vpow2.f32 v29;
	v57 =	vbroadcast v42, $0xF  }
0x186: {  	(erf) = vpow2.f32 v56  }
0x187: {  	v39 =	vpop (erf);
	(erf) = vpow2.f32 v57  }
0x188: {  	v19 =	vmul.f32 v33, v19;
	v29 =	vpop (erf)  }
0x189: {  	v46 =	vpop (erf)  }
0x18a: {  	[tilespmem:s23+$0xFFFFFFD0] =	vst v19;
	v58 =	vmul.f32 v39, v24;
	v44 =	vpop (erf)  }
0x18b: {  	v59 =	vld [tilespmem:s4+$0xFFFFFFF0];
	v24 =	vpop (erf)  }
0x18c: {  	v32 =	vld [tilespmem:s24+$0xFFFFFFF0];
	v60 =	vmul.f32 v29, v27;
	[tilespmem:s15+$0xFFFFFF80] =	vst v58;
	v45 =	vpop (erf)  }
0x18d: {  	v43 =	vld [tilespmem:s5+$0xFFFFFFB0];
	v19 =	vpop (erf)  }
0x18e: {  	v61 =	vmul.f32 v31, v20;
	v62 =	vld [tilespmem:s6+$0xFFFFFFB0];
	[tilespmem:s20+$0xFFFFFF70] =	vst v60;
	v27 =	vpop (erf)  }
0x18f: {  	v50 =	vld [tilespmem:s16+$0xFFFFFFA0];
	v20 =	vpop (erf)  }
0x190: {  	[tilespmem:s23+$0x20] =	vst v61;
	v51 =	vld [tilespmem:s19+$0xFFFFFFA0];
	v52 =	vmul.f32 v24, v37;
	v37 =	vpop (erf)  }
0x191: {  	v53 =	vld [tilespmem:s4+$0x30];
	v48 =	vmul.f32 v37, v48  }
0x192: {  	v42 =	vld [tilespmem:s24+$0x30];
	[tilespmem:s17+$0xFFFFFFC0] =	vst v52  }
0x193: {  	v52 =	vld [tilespmem:s16+$0xFFFFFFE0];
	v49 =	vadd.f32 v62, v43;
	[tilespmem:s17+$0x70] =	vst v48  }
0x194: {  	v47 =	vadd.f32 v59, v32;
	v63 =	vmul.f32 v19, v38;
	v38 =	vld [tilespmem:s16+$0x70]  }
0x195: {  	v51 =	vadd.f32 v51, v50;
	v54 =	vmul.f32 $2.000000030e-01, v49;
	v55 =	vld [tilespmem:s19+$0x70]  }
0x196: {  	v56 =	vmul.f32 $2.000000030e-01, v47;
	v60 =	vld [tilespmem:s19+$0xFFFFFFE0]  }
0x197: {  	[tilespmem:s17+$0x10] =	vst v63;
	v61 =	vmul.f32 $2.000000030e-01, v51;
	v49 =	vmax.f32 v49, v54  }
0x198: {  	v47 =	vmax.f32 v47, v56;
	v57 =	vld [tilespmem:s16+$0x20];
	v49 =	vmul.f32 v49, v4  }
0x199: {  	v53 =	vadd.f32 v53, v42;
	v47 =	vmul.f32 v47, v4;
	v56 =	vld [tilespmem:s19+$0x20];
	v51 =	vmax.f32 v51, v61  }
0x19a: {  	v63 =	vmul.f32 v51, v3;
	(xrf2) =	vadd.scan.msk.f32 $0xffff, v49;
	v58 =	vadd.f32 v55, v38  }
0x19b: {  	v62 =	vmul.f32 $2.000000030e-01, v53;
	v59 =	vadd.f32 v60, v52;
	(xrf2) =	vadd.scan.msk.f32 $0xffff, v47  }
0x19c: {  	(xrf2) =	vadd.scan.msk.f32 $0xffff, v63;
	v61 =	vmul.f32 $2.000000030e-01, v58  }
0x19d: {  	v60 =	vmax.f32 v53, v62;
	v63 =	vmul.f32 $2.000000030e-01, v59  }
0x19e: {  	v48 =	vmul.f32 v60, v4;
	v62 =	vadd.f32 v56, v57;
	v49 =	vmax.f32 v58, v61  }
0x19f: {  	v47 =	vmax.f32 v59, v63;
	v49 =	vmul.f32 v49, v4  }
0x1a0: {  	(xrf2) =	vadd.scan.msk.f32 $0xffff, v48;
	v47 =	vmul.f32 v47, v3;
	v58 =	vmul.f32 $2.000000030e-01, v62  }
0x1a1: {  	(xrf2) =	vadd.scan.msk.f32 $0xffff, v49  }
0x1a2: {  	v48 =	vmax.f32 v62, v58;
	(xrf2) =	vadd.scan.msk.f32 $0xffff, v47  }
0x1a3: {  	v48 =	vmul.f32 v48, v3  }
0x1a4: {  	v59, _, _ =	vpop (xrf2)  }
0x1a5: {  	v60, _, _ =	vpop (xrf2);
	(xrf2) =	vadd.scan.msk.f32 $0xffff, v48  }
0x1a6: {  	v61, _, _ =	vpop (xrf2);
	v47 =	vmul.f32 $1.442695020e+00, v59  }
0x1a7: {  	v49 =	vmul.f32 $1.442695020e+00, v61  }
0x1a8: {  	v47 =	vbroadcast v47, $0xF  }
0x1a9: {  	v49 =	vbroadcast v49, $0xF  }
0x1aa: {  	v62, _, _ =	vpop (xrf2);
	v48 =	vmul.f32 $1.442695020e+00, v60;
	(erf) = vpow2.f32 v47  }
0x1ab: {  	(erf) = vpow2.f32 v49;
	v53, _, _ =	vpop (xrf2)  }
0x1ac: {  	v63 =	vmul.f32 $1.442695020e+00, v62;
	v48 =	vbroadcast v48, $0xF;
	v54, _, _ =	vpop (xrf2)  }
0x1ad: {  	v49 =	vmul.f32 $1.442695020e+00, v53;
	v55 =	vmul.f32 $1.442695020e+00, v54  }
0x1ae: {  	v47 =	vbroadcast v63, $0xF;
	(erf) = vpow2.f32 v48  }
0x1af: {  	v58, _, _ =	vpop (xrf2);
	v56 =	vbroadcast v49, $0xF;
	v48 =	vbroadcast v55, $0xF  }
0x1b0: {  	(erf) = vpow2.f32 v47;
	v49 =	vmul.f32 $1.442695020e+00, v58  }
0x1b1: {  	(erf) = vpow2.f32 v56  }
0x1b2: {  	v59 =	vbroadcast v49, $0xF;
	(erf) = vpow2.f32 v48  }
0x1b3: {  	v48 =	vpop (erf)  }
0x1b4: {  	(erf) = vpow2.f32 v59;
	v47 =	vpop (erf)  }
0x1b5: {  	v60 =	vmul.f32 v47, v50;
	_ =	sdelay $0x1  }
0x1b6: {  	v40 =	vmul.f32 v27, v40;
	[tilespmem:s17+$0xFFFFFF80] =	vst v60  }
0x1b7: {  	v49 =	vpop (erf);
	v50 =	vld [tilespmem:s16+$0xFFFFFFB0]  }
0x1b8: {  	[tilespmem:s15+$0xFFFFFFD0] =	vst v40;
	v61 =	vmul.f32 v20, v41;
	v51 =	vpop (erf);
	v62 =	vld [tilespmem:s19+$0xFFFFFFB0]  }
0x1b9: {  	v54 =	vld [tilespmem:s5+$0xFFFFFFF0];
	v53 =	vpop (erf)  }
0x1ba: {  	[tilespmem:s15+$0x20] =	vst v61;
	v56 =	vld [tilespmem:s6+$0xFFFFFFF0];
	v55 =	vpop (erf)  }
0x1bb: {  	v59 =	vld [tilespmem:s6+$0x30];
	v63 =	vmul.f32 v55, v52  }
0x1bc: {  	v52 =	vld [tilespmem:s5+$0x30];
	v58 =	vpop (erf)  }
0x1bd: {  	[tilespmem:s17+$0xFFFFFFD0] =	vst v63;
	v40 =	vmul.f32 v58, v57;
	v41 =	vadd.f32 v62, v50  }
0x1be: {  	v57 =	vld [tilespmem:s16+$0xFFFFFFF0]  }
0x1bf: {  	v60 =	vld [tilespmem:s19+$0xFFFFFFF0];
	[tilespmem:s17+$0x20] =	vst v40;
	v40 =	vmul.f32 $2.000000030e-01, v41  }
0x1c0: {  	v56 =	vadd.f32 v56, v54;
	v61 =	vld [tilespmem:s16+$0x30]  }
0x1c1: {  	v62 =	vld [tilespmem:s19+$0x30];
	v59 =	vadd.f32 v59, v52;
	v40 =	vmax.f32 v41, v40  }
0x1c2: {  	v41 =	vmul.f32 $2.000000030e-01, v56;
	v40 =	vmul.f32 v40, v4  }
0x1c3: {  	v63 =	vmul.f32 $2.000000030e-01, v59  }
0x1c4: {  	v41 =	vmax.f32 v56, v41;
	(xrf2) =	vadd.scan.msk.f32 $0xffff, v40  }
0x1c5: {  	v40 =	vadd.f32 v60, v57;
	v41 =	vmul.f32 v41, v4;
	v60 =	vmax.f32 v59, v63  }
0x1c6: {  	v59 =	vadd.f32 v62, v61;
	v56 =	vmul.f32 v60, v4  }
0x1c7: {  	v60 =	vmul.f32 $2.000000030e-01, v40;
	(xrf2) =	vadd.scan.msk.f32 $0xffff, v41  }
0x1c8: {  	v63 =	vmul.f32 $2.000000030e-01, v59;
	(xrf2) =	vadd.scan.msk.f32 $0xffff, v56  }
0x1c9: {  	v40 =	vmax.f32 v40, v60  }
0x1ca: {  	v41 =	vmax.f32 v59, v63;
	v40 =	vmul.f32 v40, v4  }
0x1cb: {  	v41 =	vmul.f32 v41, v4  }
0x1cc: {  	(xrf2) =	vadd.scan.msk.f32 $0xffff, v40  }
0x1cd: {  	(xrf2) =	vadd.scan.msk.f32 $0xffff, v41  }
0x1ce: {  	v12 =	vmul.f32 v35, v12;
	v21 =	vsel vm3, v21, v35;
	v40, _, _ =	vpop (xrf2)  }
0x1cf: {  	[tilespmem:s23+$0x90] =	vst v21;
	v15 =	vmul.f32 v36, v15;
	v56 =	vmul.f32 $1.442695020e+00, v40  }
0x1d0: {  	[tilespmem:s23+$0x80] =	vst v12;
	v6 =	vsel vm2, v6, v33;
	v14 =	vsel vm2, v14, v34  }
0x1d1: {  	[tilespmem:s23+$0xFFFFFF90] =	vst v15;
	v8 =	vmul.f32 v46, v8;
	v9 =	vsel vm3, v9, v46;
	v62, _, _ =	vpop (xrf2);
	v60 =	vbroadcast v56, $0xF  }
0x1d2: {  	[tilespmem:s21+$0xFFFFFFF0] =	vst v9;
	v34 =	vmul.f32 v45, v28;
	v41 =	vsel vm3, v16, v36;
	v63 =	vmul.f32 $1.442695020e+00, v62;
	v16, _, _ =	vpop (xrf2)  }
0x1d3: {  	v11 =	vsel vm3, v11, v44;
	[tilespmem:s21+$0xFFFFFFE0] =	vst v8;
	v21 =	vmul.f32 $1.442695020e+00, v16;
	(erf) = vpow2.f32 v60  }
0x1d4: {  	[tilespmem:s21+$0x40] =	vst v11;
	v46 =	vmul.f32 v49, v32;
	v6 =	vsel vm3, v6, v49;
	v8 =	vbroadcast v63, $0xF  }
0x1d5: {  	v35 =	vsel vm3, v14, v45;
	[tilespmem:s23+$0xFFFFFFF0] =	vst v6;
	v6 =	vmul.f32 v51, v42;
	v9 =	vbroadcast v21, $0xF  }
0x1d6: {  	v5 =	vsel vm2, v5, v31;
	[tilespmem:s15+$0x90] =	vst v35;
	v36 =	vmul.f32 v48, v43;
	v40, _, _ =	vpop (xrf2);
	(erf) = vpow2.f32 v8  }
0x1d7: {  	v13 =	vsel vm2, v13, v39;
	[tilespmem:s23+$0xFFFFFFA0] =	vst v41;
	v41 =	vmul.f32 $1.442695020e+00, v40;
	v43, _, _ =	vpop (xrf2);
	(erf) = vpow2.f32 v9  }
0x1d8: {  	[tilespmem:s15+$0x80] =	vst v34;
	v5 =	vsel vm3, v5, v51;
	v59 =	vmul.f32 v44, v10;
	v45 =	vmul.f32 $1.442695020e+00, v43  }
0x1d9: {  	[tilespmem:s23+$0xFFFFFFE0] =	vst v46;
	v44 =	vsel vm3, v13, v48;
	v48 =	vsel vm1, v17, v22;
	v8 =	vbroadcast v41, $0xF  }
0x1da: {  	[tilespmem:s23+$0x40] =	vst v5;
	v5 =	vmul.f32 v53, v38;
	v49 =	vsel vm2, v48, v37;
	v9 =	vbroadcast v45, $0xF  }
0x1db: {  	[tilespmem:s23+$0x30] =	vst v6;
	(erf) = vpow2.f32 v8;
	v8 =	vsel vm3, v49, v53;
	v53 =	vsel vm1, v18, v29  }
0x1dc: {  	[tilespmem:s17+$0x80] =	vst v5;
	(erf) = vpow2.f32 v9;
	v9 =	vsel vm2, v53, v47;
	v6 =	vpop (erf)  }
0x1dd: {  	[tilespmem:s15+$0xFFFFFFA0] =	vst v44;
	v56 =	vmul.f32 v6, v50;
	v6 =	vsel vm3, v9, v6  }
0x1de: {  	[tilespmem:s21+$0x30] =	vst v59  }
0x1df: {  	v5 =	vsel vm2, v23, v27;
	[tilespmem:s15+$0xFFFFFF90] =	vst v36;
	v59 =	vpop (erf)  }
0x1e0: {  	[tilespmem:s17+$0xFFFFFFA0] =	vst v6;
	v5 =	vsel vm3, v5, v59;
	v6 =	vpop (erf)  }
0x1e1: {  	[tilespmem:s15+$0xFFFFFFF0] =	vst v5;
	v5 =	vmul.f32 v6, v52  }
0x1e2: {  	v7 =	vsel vm1, v7, v30;
	[tilespmem:s17+$0x90] =	vst v8;
	v60 =	vmul.f32 v59, v54  }
0x1e3: {  	v7 =	vsel vm2, v7, v20;
	[tilespmem:s17+$0xFFFFFF90] =	vst v56  }
0x1e4: {  	v62 =	vsel vm1, v26, v24;
	[tilespmem:s15+$0xFFFFFFE0] =	vst v60;
	v6 =	vsel vm3, v7, v6  }
0x1e5: {  	v8 =	vsel vm2, v62, v55;
	[tilespmem:s15+$0x30] =	vst v5;
	v5 =	vpop (erf)  }
0x1e6: {  	v63 =	vsel vm1, v25, v19;
	[tilespmem:s15+$0x40] =	vst v6;
	v7 =	vmul.f32 v5, v57;
	v5 =	vsel vm3, v8, v5  }
0x1e7: {  	v6 =	vpop (erf);
	v8 =	vsel vm2, v63, v58;
	[tilespmem:s17+$0xFFFFFFF0] =	vst v5  }
0x1e8: {  	s0 =	sadd.s32 $0x1, s0;
	v5 =	vmul.f32 v6, v61;
	v6 =	vsel vm3, v8, v6;
	[tilespmem:s17+$0xFFFFFFE0] =	vst v7  }
0x1e9: {  	p0 =	sne.s32 s0, $0xA2;
	[tilespmem:s17+$0x40] =	vst v6  }
.Ltmp2:
0x1ea: {  	[tilespmem:s17+$0x30] =	vst v5;
	(pc) =	sbr.rel @p0 .LBB2_4-.Ltmp2, $4  }
0x1eb: {  	[spmem:s2] =	stream.indirect.scatter.add.f32 [tilespmem:s25], [sflag:$0x3], $0x50, s1, s30, $0xb8;
	[tilespmem:$0x1D280] =	vst v63  }
0x1ec: {  	_ =	swait.ge [sflag:s22], $0x2800  }
0x1ed: {  	[sflag:s22] =	ssyncset.done $0x0  }
0x1ee: {  	[sflag:s22] =	ssyncadd.s32 $0xFFFFD800  }
0x1ef: {  	s0 =	stileid.u32  }
0x1f0: {  	[bflag:$0x0] =	sbarrier.arrive $0xFFFF;
	s0 =	sshll.u32 s0, $0x6  }
0x1f1: {  	s1 =	sshrl.u32 s9, $0x3;
	s4 =	rddreg [dreg:$0x8];
	s0 =	sor.u32 $0x1C03, s0  }
0x1f2: {  	[hbm:s4], [sflag:s0] =	dma.local [spmem:s1], $0x500  }
0x1f3: {  	_ =	swait.ge [sflag:s22], $0x500  }
0x1f4: {  	[sflag:s22] =	ssyncset.done $0x0  }
0x1f5: {  	s7 =	sshrl.u32 s10, $0x3;
	s8 =	rddreg [dreg:$0x9];
	[sflag:s22] =	ssyncadd.s32 $0xFFFFFB00  }
0x1f6: {  	[hbm:s8], [sflag:s0] =	dma.local [spmem:s7], $0x500  }
0x1f7: {  	_ =	swait.ge [sflag:s22], $0x500  }
0x1f8: {  	s18 =	smov.u32 s9;
	s19 =	smov.u32 s10;
	[sflag:s22] =	ssyncset.done $0x0  }
0x1f9: {  	s9 =	sshrl.u32 s11, $0x3;
	s10 =	rddreg [dreg:$0xa];
	[sflag:s22] =	ssyncadd.s32 $0xFFFFFB00  }
0x1fa: {  	[hbm:s10], [sflag:s0] =	dma.local [spmem:s9], $0x500  }
0x1fb: {  	_ =	swait.ge [sflag:s22], $0x500  }
0x1fc: {  	s20 =	smov.u32 s11;
	[sflag:s22] =	ssyncset.done $0x0;
	s21 =	rddreg [dreg:$0x6]  }
0x1fd: {  	s15 =	rddreg [dreg:$0xb];
	[sflag:s22] =	ssyncadd.s32 $0xFFFFFB00;
	s11 =	sshrl.u32 s21, $0x3  }
0x1fe: {  	[hbm:s15], [sflag:s0] =	dma.local [spmem:s11], $0x500  }
0x1ff: {  	_ =	swait.ge [sflag:s22], $0x500  }
0x200: {  	[sflag:s22] =	ssyncset.done $0x0;
	s23 =	rddreg [dreg:$0x7]  }
0x201: {  	s17 =	rddreg [dreg:$0xc];
	[sflag:s22] =	ssyncadd.s32 $0xFFFFFB00;
	s16 =	sshrl.u32 s23, $0x3  }
0x202: {  	[hbm:s17], [sflag:s0] =	dma.local [spmem:s16], $0x500  }
0x203: {  	_ =	swait.ge [sflag:s22], $0x500  }
0x204: {  	s31 =	sadd.s32 $0x1, s31;
	s24 =	rddreg [dreg:$0xd]  }
0x205: {  	p0 =	sne.s32 s31, s24  }
.Ltmp3:
0x206: {  	_ = 	snop;
	(pc) =	sbr.rel @p0 .LBB2_1-.Ltmp3, $3  }
0x207: {  	_ =	sdelay $0x1  }
0x208: {  	[sflag:s22] =	ssyncset.done $0x0  }
0x209: {  	[sflag:s22] =	ssyncadd.s32 $0xFFFFFB00  }
0x20a: {  	_ =	sfence.sel $0x180000  }
0x20b: {  	[bflag:$0x0] =	sbarrier.arrive $0xFFFF  }
0x20c: {  	_ =	strace $0x90000047  }
0x20d: {  	s0 =	stileid.u32;
	[bflag:$0x2] =	sbarrier.arrive $0xFFFF  }
0x20e: {  	p0 =	sne.s32 s0, $0x0;
	s0 =	rddreg [dreg:$0x3]  }
0x20f: {  	s0 =	sadd.s32 @!p0 $0x100000, s0  }
0x210: {  	[sflag:s0] =	ssyncadd.tile.s32 @!p0 $0x1;
	_ =	shalt  }
.Lfunc_end2:
_tile_overlayer_lowered:
.L_overlay_start_2:
0x211: {  	(tag) =	ssettag $0x2  }
0x212: {  	s0 =	rddreg [dreg:$0x0];
	s2 =	stileid.u32  }
0x213: {  	s1 =	rddreg [dreg:$0x1];
	p0 =	sne.s32 s2, $0x0  }
0x214: {  	s3 =	rddreg [dreg:$0x2];
	[bflag:$0x3] =	sbarrier.arrive $0xFFFF;
	s2 =	simm.s32 @!p0 $0x1C03  }
0x215: {  	[timem:s3], [sflag:s2] =	dma.local @!p0 [hbm:s0], s1  }
0x216: {  	s0 =	simm.s32 @!p0 $0x3  }
0x217: {  	_ =	swait.ge @!p0 [sflag:s0], s1  }
0x218: {  	s1 =	ssub.s32 @!p0 $0x0, s1;
	[sflag:s0] =	ssyncset.done @!p0 $0x0  }
0x219: {  	[sflag:s0] =	ssyncadd.s32 @!p0 s1  }
0x21a: {  	[bflag:$0x3] =	sbarrier.arrive $0xFFFF  }
0x21b: {  	_ =	shalt  }

</sc_bundles>
